<compile_context>
chip_gen: v7x
topology: tpu7x:2x2x1
jax: 0.10.2.dev20260603
libtpu: 0.0.44.dev20260713+nightly
codegen_flags: <defaults>
</compile_context>

<pallas_src>
import functools

import jax
import jax.numpy as jnp
from jax import lax
from jax.experimental import pallas as pl
from jax.experimental.pallas import tpu as pltpu
from jax.experimental.pallas import tpu_sc as plsc

ROWS, COLS = 16384, 2048
BLOCK_ROWS = 1024

L = 16
NS = 16
NC = 2
LAT_N = 65536
PER = LAT_N // NS
NV = PER // L
K = 20

NEG = float("-inf")
IMAX = 2**31 - 1



def _l1_kernel(t_ref, p_ref, l1_ref, acc):
    i = pl.program_id(0)

    @pl.when(i == 0)
    def _init():
        acc[0, 0] = 0.0

    acc[0, 0] += jnp.sum(jnp.abs(t_ref[...] - p_ref[...]))

    @pl.when(i == pl.num_programs(0) - 1)
    def _fin():
        l1_ref[0, 0] = acc[0, 0] / (ROWS * COLS)


def _l1_call(target, pred):
    return pl.pallas_call(
        _l1_kernel,
        grid=(ROWS // BLOCK_ROWS,),
        in_specs=[
            pl.BlockSpec((BLOCK_ROWS, COLS), lambda i: (i, 0)),
            pl.BlockSpec((BLOCK_ROWS, COLS), lambda i: (i, 0)),
        ],
        out_specs=pl.BlockSpec(memory_space=pltpu.SMEM),
        out_shape=jax.ShapeDtypeStruct((1, 1), jnp.float32),
        scratch_shapes=[pltpu.SMEM((1, 1), jnp.float32)],
        compiler_params=pltpu.CompilerParams(
            dimension_semantics=("arbitrary",)),
    )(target, pred)



def _sc_body(lat_hbm, r_hbm, out_hbm, lat_v, r_v, thr_vbuf, thr_ibuf,
             bv_buf, bi_buf, part_buf, m_v, m_i, m_part, out_v,
             sh_v, sh_i, sh_part):
    c = lax.axis_index("c")
    s = lax.axis_index("s")
    base = s * PER
    io = lax.broadcasted_iota(jnp.int32, (L,), 0)
    negv = jnp.full((L,), NEG, jnp.float32)
    imaxv = jnp.full((L,), IMAX, jnp.int32)

    @pl.when(c == 0)
    def _stage_a():
        pltpu.sync_copy(lat_hbm.at[pl.ds(base, PER)], lat_v)

        def ins(k, carry):
            ms, mis = carry
            v = lat_v[pl.ds(k * L, L)]
            vi = base + k * L + io
            ms = list(ms)
            mis = list(mis)
            for t in range(K):
                swap = v > ms[t]
                nv = jnp.where(swap, ms[t], v)
                ms[t] = jnp.where(swap, v, ms[t])
                nvi = jnp.where(swap, mis[t], vi)
                mis[t] = jnp.where(swap, vi, mis[t])
                v, vi = nv, nvi
            return tuple(ms), tuple(mis)

        ms, mis = lax.fori_loop(
            0, NV, ins, (tuple(negv for _ in range(K)),
                         tuple(imaxv for _ in range(K))))

        def lm(r, carry):
            b0, b1, c0, c1, mss = carry
            mss = list(mss)
            mx = mss[0]
            for t in range(1, K):
                mx = jnp.maximum(mx, mss[t])
            mxs = jnp.max(mx)
            ci = imaxv
            for t in range(K):
                ci = jnp.minimum(ci, jnp.where(mss[t] == mxs, mis[t], IMAX))
            isel = jnp.min(ci)
            for t in range(K):
                hit = (mss[t] == mxs) & (mis[t] == isel)
                mss[t] = jnp.where(hit, NEG, mss[t])
            b0 = jnp.where(io == r, mxs, b0)
            b1 = jnp.where(io + L == r, mxs, b1)
            c0 = jnp.where(io == r, isel, c0)
            c1 = jnp.where(io + L == r, isel, c1)
            return b0, b1, c0, c1, tuple(mss)

        b0, b1, c0, c1, _ = lax.fori_loop(
            0, K, lm, (negv, negv, imaxv, imaxv, ms))
        bv_buf[pl.ds(0, L)] = b0
        bv_buf[pl.ds(L, L)] = b1
        bi_buf[pl.ds(0, L)] = c0
        bi_buf[pl.ds(L, L)] = c1
        pltpu.sync_copy(bv_buf, sh_v.at[pl.ds(s * 2 * L, 2 * L)])
        pltpu.sync_copy(bi_buf, sh_i.at[pl.ds(s * 2 * L, 2 * L)])

    plsc.subcore_barrier()

    @pl.when((c == 0) & (s == 0))
    def _global_merge():
        pltpu.sync_copy(sh_v, m_v)
        pltpu.sync_copy(sh_i, m_i)

        def gm(r, carry):
            v20, i20 = carry
            mx = negv
            for q in range(NS):
                for h in range(2):
                    mx = jnp.maximum(mx, m_v[pl.ds(q * 2 * L + h * L, L)])
            mxs = jnp.max(mx)
            ci = imaxv
            for q in range(NS):
                for h in range(2):
                    vv = m_v[pl.ds(q * 2 * L + h * L, L)]
                    ii = m_i[pl.ds(q * 2 * L + h * L, L)]
                    ci = jnp.minimum(ci, jnp.where(vv == mxs, ii, IMAX))
            isel = jnp.min(ci)
            for q in range(NS):
                for h in range(2):
                    vv = m_v[pl.ds(q * 2 * L + h * L, L)]
                    ii = m_i[pl.ds(q * 2 * L + h * L, L)]
                    m_v[pl.ds(q * 2 * L + h * L, L)] = jnp.where(
                        (vv == mxs) & (ii == isel), NEG, vv)
            v20 = jnp.where(r == K - 1, mxs, v20)
            i20 = jnp.where(r == K - 1, isel, i20)
            return v20, i20

        v20, i20 = lax.fori_loop(0, K, gm,
                                 (jnp.float32(NEG), jnp.int32(IMAX)))
        thr_vbuf[pl.ds(0, L)] = jnp.full((L,), v20, jnp.float32)
        thr_vbuf[pl.ds(L, L)] = jnp.full((L,), v20, jnp.float32)
        thr_ibuf[pl.ds(0, L)] = jnp.full((L,), i20, jnp.int32)
        thr_ibuf[pl.ds(L, L)] = jnp.full((L,), i20, jnp.int32)
        pltpu.sync_copy(thr_vbuf, sh_v.at[pl.ds(0, 2 * L)])
        pltpu.sync_copy(thr_ibuf, sh_i.at[pl.ds(0, 2 * L)])

    plsc.subcore_barrier()

    @pl.when(c == 0)
    def _masked_sums():
        pltpu.sync_copy(sh_v.at[pl.ds(0, 2 * L)], thr_vbuf)
        pltpu.sync_copy(sh_i.at[pl.ds(0, 2 * L)], thr_ibuf)
        v20v = thr_vbuf[pl.ds(0, L)]
        i20v = thr_ibuf[pl.ds(0, L)]
        for j in range(3):
            pltpu.sync_copy(r_hbm.at[pl.ds(j * LAT_N + base, PER)], r_v)

            def acc(k, carry):
                sj, qj = carry
                lv = lat_v[pl.ds(k * L, L)]
                pos = base + k * L + io
                sel = (lv > v20v) | ((lv == v20v) & (pos <= i20v))
                mf = jnp.where(sel, 1.0, 0.0)
                rv = r_v[pl.ds(k * L, L)]
                rm = rv * mf
                return sj + rm, qj + rm * rv

            zj = jnp.zeros((L,), jnp.float32)
            sj, qj = lax.fori_loop(0, NV, acc, (zj, zj))
            part_buf[pl.ds(2 * j * L, L)] = sj
            part_buf[pl.ds((2 * j + 1) * L, L)] = qj
        part_buf[pl.ds(6 * L, L)] = jnp.zeros((L,), jnp.float32)
        part_buf[pl.ds(7 * L, L)] = jnp.zeros((L,), jnp.float32)
        pltpu.sync_copy(part_buf, sh_part.at[pl.ds(s * 8 * L, 8 * L)])

    plsc.subcore_barrier()

    @pl.when((c == 0) & (s == 0))
    def _final():
        pltpu.sync_copy(sh_part, m_part)
        trace = jnp.float32(0.0)
        for j in range(3):
            sjv = jnp.zeros((L,), jnp.float32)
            qjv = jnp.zeros((L,), jnp.float32)
            for q in range(NS):
                sjv = sjv + m_part[pl.ds(q * 8 * L + 2 * j * L, L)]
                qjv = qjv + m_part[pl.ds(q * 8 * L + (2 * j + 1) * L, L)]
            sjs = jnp.sum(sjv)
            qjs = jnp.sum(qjv)
            trace = trace + (qjs - sjs * sjs * (1.0 / K)) * (1.0 / (K - 1))
        out_v[...] = jnp.full((L,), 0.02 * trace, jnp.float32)
        pltpu.sync_copy(out_v, out_hbm)


_SC_SCRATCH = [
    pltpu.VMEM((PER,), jnp.float32),
    pltpu.VMEM((PER,), jnp.float32),
    pltpu.VMEM((2 * L,), jnp.float32),
    pltpu.VMEM((2 * L,), jnp.int32),
    pltpu.VMEM((2 * L,), jnp.float32),
    pltpu.VMEM((2 * L,), jnp.int32),
    pltpu.VMEM((8 * L,), jnp.float32),
    pltpu.VMEM((NS * 2 * L,), jnp.float32),
    pltpu.VMEM((NS * 2 * L,), jnp.int32),
    pltpu.VMEM((NS * 8 * L,), jnp.float32),
    pltpu.VMEM((L,), jnp.float32),
    pltpu.VMEM_SHARED((NS * 2 * L,), jnp.float32),
    pltpu.VMEM_SHARED((NS * 2 * L,), jnp.int32),
    pltpu.VMEM_SHARED((NS * 8 * L,), jnp.float32),
]


@functools.cache
def _sc_call():
    mesh = plsc.VectorSubcoreMesh(core_axis_name="c", subcore_axis_name="s",
                                  num_cores=NC, num_subcores=NS)
    return pl.kernel(
        _sc_body,
        out_type=jax.ShapeDtypeStruct((L,), jnp.float32),
        mesh=mesh,
        scratch_types=_SC_SCRATCH,
        compiler_params=pltpu.CompilerParams(needs_layout_passes=False),
    )


@jax.jit
def kernel(target, pred, latent, R_xyz):
    cov = _sc_call()(latent, R_xyz.reshape(-1))[0]
    l1 = _l1_call(target, pred)[0, 0]
    return (l1 + cov, l1, cov)

# --- scband reference (transcript-rebuilt; emitter-appended) ---
"""Pipeline reference for scband-l1-cov-loss-26525718020320 (READ-ONLY COPY).

The authoritative reference and input builder live on the scoring server;
editing this copy changes nothing except your own understanding.
"""

import jax, jax.numpy as jnp
import numpy as np

N_MAX = 20

def setup_inputs(seed: int = 0) -> dict:
    key = jax.random.key(seed)
    k1, k2, k3, k4 = jax.random.split(key, 4)
    target = jax.random.normal(k1, (16384, 2048), dtype=jnp.float32)
    pred = jax.random.normal(k2, (16384, 2048), dtype=jnp.float32)
    latent = jax.random.normal(k3, (65536,), dtype=jnp.float32)
    # R_xyz is a module buffer produced by get_field() in __init__; materialize as a
    # 3 x L field of xyz coordinates matching latent length.
    R_xyz = jax.random.normal(k4, (3, 65536), dtype=jnp.float32)
    return {"target": target, "pred": pred, "latent": latent, "R_xyz": R_xyz}

def reference(target, pred, latent, R_xyz):
    # L1Loss (mean reduction)
    l1_loss = jnp.mean(jnp.abs(target - pred))
    # torch.sort(latent, descending=True) -> take top N_max indices
    sorted_indices = jnp.argsort(-latent)
    max_idx = sorted_indices[:N_MAX]
    max_xyz = R_xyz[:, max_idx].T  # [N_max, 3]
    mean_xyz = max_xyz.mean(axis=0)
    centered_xyz = max_xyz - mean_xyz
    cov_matrix = jnp.matmul(centered_xyz.T, centered_xyz) / (max_xyz.shape[0] - 1)
    e_vals, e_vecs = jnp.linalg.eigh(cov_matrix)
    e_val_sum = jnp.sum(e_vals)
    total_loss = l1_loss + 0.02 * e_val_sum
    return (total_loss, l1_loss, 0.02 * e_val_sum)

if __name__ == "__main__":
    import jax
    _d = setup_inputs()
    print(jax.jit(kernel)(*tuple(_d.values())))

</pallas_src>

<mosaic_0001>
#map = affine_map<(d0, d1) -> (0)>
module attributes {stable_mosaic.version = 14 : i64} {
  func.func @_sc_body(%arg0: i32, %arg1: i32, %arg2: memref<65536xf32, #tpu.memory_space<hbm>>, %arg3: memref<196608xf32, #tpu.memory_space<hbm>>, %arg4: memref<16xf32, #tpu.memory_space<hbm>>, %arg5: memref<4096xf32, #tpu.memory_space<vmem>>, %arg6: memref<4096xf32, #tpu.memory_space<vmem>>, %arg7: memref<32xf32, #tpu.memory_space<vmem>>, %arg8: memref<32xi32, #tpu.memory_space<vmem>>, %arg9: memref<32xf32, #tpu.memory_space<vmem>>, %arg10: memref<32xi32, #tpu.memory_space<vmem>>, %arg11: memref<128xf32, #tpu.memory_space<vmem>>, %arg12: memref<512xf32, #tpu.memory_space<vmem>>, %arg13: memref<512xi32, #tpu.memory_space<vmem>>, %arg14: memref<2048xf32, #tpu.memory_space<vmem>>, %arg15: memref<16xf32, #tpu.memory_space<vmem>>, %arg16: memref<512xf32, #tpu.memory_space<vmem_shared>>, %arg17: memref<512xi32, #tpu.memory_space<vmem_shared>>, %arg18: memref<2048xf32, #tpu.memory_space<vmem_shared>>) attributes {dimension_semantics = [#tpu.dimension_semantics<core_parallel>, #tpu.dimension_semantics<subcore_parallel>], iteration_bounds = array<i64: 2, 16>, scalar_prefetch = 0 : i64, scratch_operands = 14 : i64, tpu.core_type = #tpu.core_type<sc_vector_subcore>, window_params = [{transform_indices = #map}, {transform_indices = #map}, {transform_indices = #map}]} {
    %mul3A = arith.constant 4096 : i32
    %mul3A_0 = arith.muli %arg1, %mul3A : i32
    %iota3A = tpu.iota {dimensions = array<i32: 0>} : vector<16xi32>
    %broadcast_in_dim3A = arith.constant 0xFF800000 : f32
    %broadcast_in_dim3A_1 = vector.broadcast %broadcast_in_dim3A : f32 to vector<16xf32>
    %broadcast_in_dim3A_2 = arith.constant 2147483647 : i32
    %broadcast_in_dim3A_3 = vector.broadcast %broadcast_in_dim3A_2 : i32 to vector<16xi32>
    %eq3A = arith.constant 0 : i32
    %eq3A_4 = arith.cmpi eq, %arg0, %eq3A : i32
    %convert_element_type3A = arith.extui %eq3A_4 : i1 to i32
    %cond3A = arith.constant 0 : i32
    %cond3A_5 = arith.cmpi ne, %convert_element_type3A, %cond3A : i32
    scf.if %cond3A_5 {
      "tpu.region"() ({
        %run_scoped3A = tpu.sem_alloc : memref<!tpu.dma_semaphore, #tpu.memory_space<semaphore_mem>>
        %dma_start3A = tpu.memref_slice %arg2[%mul3A_0] : memref<65536xf32, #tpu.memory_space<hbm>> -> memref<4096xf32, #tpu.memory_space<hbm>>
        %dma_start3A_54 = tpu.memref_slice %arg2[%mul3A_0] : memref<65536xf32, #tpu.memory_space<hbm>> -> memref<4096xf32, #tpu.memory_space<hbm>>
        tpu.enqueue_dma source(%dma_start3A_54 : memref<4096xf32, #tpu.memory_space<hbm>>) target(%arg5 : memref<4096xf32, #tpu.memory_space<vmem>>) target_semaphore(%run_scoped3A : memref<!tpu.dma_semaphore, #tpu.memory_space<semaphore_mem>>)
        %dma_wait3A = tpu.memref_slice %arg2[%mul3A_0] : memref<65536xf32, #tpu.memory_space<hbm>> -> memref<4096xf32, #tpu.memory_space<hbm>>
        %dma_wait3A_55 = tpu.memref_slice %arg2[%mul3A_0] : memref<65536xf32, #tpu.memory_space<hbm>> -> memref<4096xf32, #tpu.memory_space<hbm>>
        tpu.wait_dma2 semaphore(%run_scoped3A : memref<!tpu.dma_semaphore, #tpu.memory_space<semaphore_mem>>) src(%dma_wait3A_55 : memref<4096xf32, #tpu.memory_space<hbm>>) dst(%arg5 : memref<4096xf32, #tpu.memory_space<vmem>>)
        tpu.yield
      }) : () -> ()
      %scan3A = arith.constant 0 : i32
      %scan3A_28 = arith.constant 256 : i32
      %scan3A_29 = arith.addi %scan3A, %scan3A_28 : i32
      %scan3A_30 = arith.constant 1 : i32
      %scan3A_31:40 = scf.for %scan3A_54 = %scan3A to %scan3A_29 step %scan3A_30 iter_args(%scan3A_55 = %broadcast_in_dim3A_1, %scan3A_56 = %broadcast_in_dim3A_1, %scan3A_57 = %broadcast_in_dim3A_1, %scan3A_58 = %broadcast_in_dim3A_1, %scan3A_59 = %broadcast_in_dim3A_1, %scan3A_60 = %broadcast_in_dim3A_1, %scan3A_61 = %broadcast_in_dim3A_1, %scan3A_62 = %broadcast_in_dim3A_1, %scan3A_63 = %broadcast_in_dim3A_1, %scan3A_64 = %broadcast_in_dim3A_1, %scan3A_65 = %broadcast_in_dim3A_1, %scan3A_66 = %broadcast_in_dim3A_1, %scan3A_67 = %broadcast_in_dim3A_1, %scan3A_68 = %broadcast_in_dim3A_1, %scan3A_69 = %broadcast_in_dim3A_1, %scan3A_70 = %broadcast_in_dim3A_1, %scan3A_71 = %broadcast_in_dim3A_1, %scan3A_72 = %broadcast_in_dim3A_1, %scan3A_73 = %broadcast_in_dim3A_1, %scan3A_74 = %broadcast_in_dim3A_1, %scan3A_75 = %broadcast_in_dim3A_3, %scan3A_76 = %broadcast_in_dim3A_3, %scan3A_77 = %broadcast_in_dim3A_3, %scan3A_78 = %broadcast_in_dim3A_3, %scan3A_79 = %broadcast_in_dim3A_3, %scan3A_80 = %broadcast_in_dim3A_3, %scan3A_81 = %broadcast_in_dim3A_3, %scan3A_82 = %broadcast_in_dim3A_3, %scan3A_83 = %broadcast_in_dim3A_3, %scan3A_84 = %broadcast_in_dim3A_3, %scan3A_85 = %broadcast_in_dim3A_3, %scan3A_86 = %broadcast_in_dim3A_3, %scan3A_87 = %broadcast_in_dim3A_3, %scan3A_88 = %broadcast_in_dim3A_3, %scan3A_89 = %broadcast_in_dim3A_3, %scan3A_90 = %broadcast_in_dim3A_3, %scan3A_91 = %broadcast_in_dim3A_3, %scan3A_92 = %broadcast_in_dim3A_3, %scan3A_93 = %broadcast_in_dim3A_3, %scan3A_94 = %broadcast_in_dim3A_3) -> (vector<16xf32>, vector<16xf32>, vector<16xf32>, vector<16xf32>, vector<16xf32>, vector<16xf32>, vector<16xf32>, vector<16xf32>, vector<16xf32>, vector<16xf32>, vector<16xf32>, vector<16xf32>, vector<16xf32>, vector<16xf32>, vector<16xf32>, vector<16xf32>, vector<16xf32>, vector<16xf32>, vector<16xf32>, vector<16xf32>, vector<16xi32>, vector<16xi32>, vector<16xi32>, vector<16xi32>, vector<16xi32>, vector<16xi32>, vector<16xi32>, vector<16xi32>, vector<16xi32>, vector<16xi32>, vector<16xi32>, vector<16xi32>, vector<16xi32>, vector<16xi32>, vector<16xi32>, vector<16xi32>, vector<16xi32>, vector<16xi32>, vector<16xi32>, vector<16xi32>)  : i32 {
        %mul3A_95 = arith.constant 16 : i32
        %mul3A_96 = arith.muli %scan3A_54, %mul3A_95 : i32
        %get3A = arith.index_cast %mul3A_96 : i32 to index
        %get3A_97 = tpu.vector_load %arg5[%get3A] {strides = array<i32>} : memref<4096xf32, #tpu.memory_space<vmem>>, vector<16xf32>,
        %mul3A_98 = arith.constant 16 : i32
        %mul3A_99 = arith.muli %scan3A_54, %mul3A_98 : i32
        %add3A = arith.addi %mul3A_0, %mul3A_99 : i32
        %add3A_100 = vector.broadcast %add3A : i32 to vector<16xi32>
        %add3A_101 = arith.addi %add3A_100, %iota3A : vector<16xi32>
        %gt3A = arith.cmpf ogt, %get3A_97, %scan3A_55 : vector<16xf32>
        %select_n3A = arith.select %gt3A, %scan3A_55, %get3A_97 : vector<16xi1>, vector<16xf32>
        %select_n3A_102 = arith.select %gt3A, %get3A_97, %scan3A_55 : vector<16xi1>, vector<16xf32>
        %select_n3A_103 = arith.select %gt3A, %scan3A_75, %add3A_101 : vector<16xi1>, vector<16xi32>
        %select_n3A_104 = arith.select %gt3A, %add3A_101, %scan3A_75 : vector<16xi1>, vector<16xi32>
        %gt3A_105 = arith.cmpf ogt, %select_n3A, %scan3A_56 : vector<16xf32>
        %select_n3A_106 = arith.select %gt3A_105, %scan3A_56, %select_n3A : vector<16xi1>, vector<16xf32>
        %select_n3A_107 = arith.select %gt3A_105, %select_n3A, %scan3A_56 : vector<16xi1>, vector<16xf32>
        %select_n3A_108 = arith.select %gt3A_105, %scan3A_76, %select_n3A_103 : vector<16xi1>, vector<16xi32>
        %select_n3A_109 = arith.select %gt3A_105, %select_n3A_103, %scan3A_76 : vector<16xi1>, vector<16xi32>
        %gt3A_110 = arith.cmpf ogt, %select_n3A_106, %scan3A_57 : vector<16xf32>
        %select_n3A_111 = arith.select %gt3A_110, %scan3A_57, %select_n3A_106 : vector<16xi1>, vector<16xf32>
        %select_n3A_112 = arith.select %gt3A_110, %select_n3A_106, %scan3A_57 : vector<16xi1>, vector<16xf32>
        %select_n3A_113 = arith.select %gt3A_110, %scan3A_77, %select_n3A_108 : vector<16xi1>, vector<16xi32>
        %select_n3A_114 = arith.select %gt3A_110, %select_n3A_108, %scan3A_77 : vector<16xi1>, vector<16xi32>
        %gt3A_115 = arith.cmpf ogt, %select_n3A_111, %scan3A_58 : vector<16xf32>
        %select_n3A_116 = arith.select %gt3A_115, %scan3A_58, %select_n3A_111 : vector<16xi1>, vector<16xf32>
        %select_n3A_117 = arith.select %gt3A_115, %select_n3A_111, %scan3A_58 : vector<16xi1>, vector<16xf32>
        %select_n3A_118 = arith.select %gt3A_115, %scan3A_78, %select_n3A_113 : vector<16xi1>, vector<16xi32>
        %select_n3A_119 = arith.select %gt3A_115, %select_n3A_113, %scan3A_78 : vector<16xi1>, vector<16xi32>
        %gt3A_120 = arith.cmpf ogt, %select_n3A_116, %scan3A_59 : vector<16xf32>
        %select_n3A_121 = arith.select %gt3A_120, %scan3A_59, %select_n3A_116 : vector<16xi1>, vector<16xf32>
        %select_n3A_122 = arith.select %gt3A_120, %select_n3A_116, %scan3A_59 : vector<16xi1>, vector<16xf32>
        %select_n3A_123 = arith.select %gt3A_120, %scan3A_79, %select_n3A_118 : vector<16xi1>, vector<16xi32>
        %select_n3A_124 = arith.select %gt3A_120, %select_n3A_118, %scan3A_79 : vector<16xi1>, vector<16xi32>
        %gt3A_125 = arith.cmpf ogt, %select_n3A_121, %scan3A_60 : vector<16xf32>
        %select_n3A_126 = arith.select %gt3A_125, %scan3A_60, %select_n3A_121 : vector<16xi1>, vector<16xf32>
        %select_n3A_127 = arith.select %gt3A_125, %select_n3A_121, %scan3A_60 : vector<16xi1>, vector<16xf32>
        %select_n3A_128 = arith.select %gt3A_125, %scan3A_80, %select_n3A_123 : vector<16xi1>, vector<16xi32>
        %select_n3A_129 = arith.select %gt3A_125, %select_n3A_123, %scan3A_80 : vector<16xi1>, vector<16xi32>
        %gt3A_130 = arith.cmpf ogt, %select_n3A_126, %scan3A_61 : vector<16xf32>
        %select_n3A_131 = arith.select %gt3A_130, %scan3A_61, %select_n3A_126 : vector<16xi1>, vector<16xf32>
        %select_n3A_132 = arith.select %gt3A_130, %select_n3A_126, %scan3A_61 : vector<16xi1>, vector<16xf32>
        %select_n3A_133 = arith.select %gt3A_130, %scan3A_81, %select_n3A_128 : vector<16xi1>, vector<16xi32>
        %select_n3A_134 = arith.select %gt3A_130, %select_n3A_128, %scan3A_81 : vector<16xi1>, vector<16xi32>
        %gt3A_135 = arith.cmpf ogt, %select_n3A_131, %scan3A_62 : vector<16xf32>
        %select_n3A_136 = arith.select %gt3A_135, %scan3A_62, %select_n3A_131 : vector<16xi1>, vector<16xf32>
        %select_n3A_137 = arith.select %gt3A_135, %select_n3A_131, %scan3A_62 : vector<16xi1>, vector<16xf32>
        %select_n3A_138 = arith.select %gt3A_135, %scan3A_82, %select_n3A_133 : vector<16xi1>, vector<16xi32>
        %select_n3A_139 = arith.select %gt3A_135, %select_n3A_133, %scan3A_82 : vector<16xi1>, vector<16xi32>
        %gt3A_140 = arith.cmpf ogt, %select_n3A_136, %scan3A_63 : vector<16xf32>
        %select_n3A_141 = arith.select %gt3A_140, %scan3A_63, %select_n3A_136 : vector<16xi1>, vector<16xf32>
        %select_n3A_142 = arith.select %gt3A_140, %select_n3A_136, %scan3A_63 : vector<16xi1>, vector<16xf32>
        %select_n3A_143 = arith.select %gt3A_140, %scan3A_83, %select_n3A_138 : vector<16xi1>, vector<16xi32>
        %select_n3A_144 = arith.select %gt3A_140, %select_n3A_138, %scan3A_83 : vector<16xi1>, vector<16xi32>
        %gt3A_145 = arith.cmpf ogt, %select_n3A_141, %scan3A_64 : vector<16xf32>
        %select_n3A_146 = arith.select %gt3A_145, %scan3A_64, %select_n3A_141 : vector<16xi1>, vector<16xf32>
        %select_n3A_147 = arith.select %gt3A_145, %select_n3A_141, %scan3A_64 : vector<16xi1>, vector<16xf32>
        %select_n3A_148 = arith.select %gt3A_145, %scan3A_84, %select_n3A_143 : vector<16xi1>, vector<16xi32>
        %select_n3A_149 = arith.select %gt3A_145, %select_n3A_143, %scan3A_84 : vector<16xi1>, vector<16xi32>
        %gt3A_150 = arith.cmpf ogt, %select_n3A_146, %scan3A_65 : vector<16xf32>
        %select_n3A_151 = arith.select %gt3A_150, %scan3A_65, %select_n3A_146 : vector<16xi1>, vector<16xf32>
        %select_n3A_152 = arith.select %gt3A_150, %select_n3A_146, %scan3A_65 : vector<16xi1>, vector<16xf32>
        %select_n3A_153 = arith.select %gt3A_150, %scan3A_85, %select_n3A_148 : vector<16xi1>, vector<16xi32>
        %select_n3A_154 = arith.select %gt3A_150, %select_n3A_148, %scan3A_85 : vector<16xi1>, vector<16xi32>
        %gt3A_155 = arith.cmpf ogt, %select_n3A_151, %scan3A_66 : vector<16xf32>
        %select_n3A_156 = arith.select %gt3A_155, %scan3A_66, %select_n3A_151 : vector<16xi1>, vector<16xf32>
        %select_n3A_157 = arith.select %gt3A_155, %select_n3A_151, %scan3A_66 : vector<16xi1>, vector<16xf32>
        %select_n3A_158 = arith.select %gt3A_155, %scan3A_86, %select_n3A_153 : vector<16xi1>, vector<16xi32>
        %select_n3A_159 = arith.select %gt3A_155, %select_n3A_153, %scan3A_86 : vector<16xi1>, vector<16xi32>
        %gt3A_160 = arith.cmpf ogt, %select_n3A_156, %scan3A_67 : vector<16xf32>
        %select_n3A_161 = arith.select %gt3A_160, %scan3A_67, %select_n3A_156 : vector<16xi1>, vector<16xf32>
        %select_n3A_162 = arith.select %gt3A_160, %select_n3A_156, %scan3A_67 : vector<16xi1>, vector<16xf32>
        %select_n3A_163 = arith.select %gt3A_160, %scan3A_87, %select_n3A_158 : vector<16xi1>, vector<16xi32>
        %select_n3A_164 = arith.select %gt3A_160, %select_n3A_158, %scan3A_87 : vector<16xi1>, vector<16xi32>
        %gt3A_165 = arith.cmpf ogt, %select_n3A_161, %scan3A_68 : vector<16xf32>
        %select_n3A_166 = arith.select %gt3A_165, %scan3A_68, %select_n3A_161 : vector<16xi1>, vector<16xf32>
        %select_n3A_167 = arith.select %gt3A_165, %select_n3A_161, %scan3A_68 : vector<16xi1>, vector<16xf32>
        %select_n3A_168 = arith.select %gt3A_165, %scan3A_88, %select_n3A_163 : vector<16xi1>, vector<16xi32>
        %select_n3A_169 = arith.select %gt3A_165, %select_n3A_163, %scan3A_88 : vector<16xi1>, vector<16xi32>
        %gt3A_170 = arith.cmpf ogt, %select_n3A_166, %scan3A_69 : vector<16xf32>
        %select_n3A_171 = arith.select %gt3A_170, %scan3A_69, %select_n3A_166 : vector<16xi1>, vector<16xf32>
        %select_n3A_172 = arith.select %gt3A_170, %select_n3A_166, %scan3A_69 : vector<16xi1>, vector<16xf32>
        %select_n3A_173 = arith.select %gt3A_170, %scan3A_89, %select_n3A_168 : vector<16xi1>, vector<16xi32>
        %select_n3A_174 = arith.select %gt3A_170, %select_n3A_168, %scan3A_89 : vector<16xi1>, vector<16xi32>
        %gt3A_175 = arith.cmpf ogt, %select_n3A_171, %scan3A_70 : vector<16xf32>
        %select_n3A_176 = arith.select %gt3A_175, %scan3A_70, %select_n3A_171 : vector<16xi1>, vector<16xf32>
        %select_n3A_177 = arith.select %gt3A_175, %select_n3A_171, %scan3A_70 : vector<16xi1>, vector<16xf32>
        %select_n3A_178 = arith.select %gt3A_175, %scan3A_90, %select_n3A_173 : vector<16xi1>, vector<16xi32>
        %select_n3A_179 = arith.select %gt3A_175, %select_n3A_173, %scan3A_90 : vector<16xi1>, vector<16xi32>
        %gt3A_180 = arith.cmpf ogt, %select_n3A_176, %scan3A_71 : vector<16xf32>
        %select_n3A_181 = arith.select %gt3A_180, %scan3A_71, %select_n3A_176 : vector<16xi1>, vector<16xf32>
        %select_n3A_182 = arith.select %gt3A_180, %select_n3A_176, %scan3A_71 : vector<16xi1>, vector<16xf32>
        %select_n3A_183 = arith.select %gt3A_180, %scan3A_91, %select_n3A_178 : vector<16xi1>, vector<16xi32>
        %select_n3A_184 = arith.select %gt3A_180, %select_n3A_178, %scan3A_91 : vector<16xi1>, vector<16xi32>
        %gt3A_185 = arith.cmpf ogt, %select_n3A_181, %scan3A_72 : vector<16xf32>
        %select_n3A_186 = arith.select %gt3A_185, %scan3A_72, %select_n3A_181 : vector<16xi1>, vector<16xf32>
        %select_n3A_187 = arith.select %gt3A_185, %select_n3A_181, %scan3A_72 : vector<16xi1>, vector<16xf32>
        %select_n3A_188 = arith.select %gt3A_185, %scan3A_92, %select_n3A_183 : vector<16xi1>, vector<16xi32>
        %select_n3A_189 = arith.select %gt3A_185, %select_n3A_183, %scan3A_92 : vector<16xi1>, vector<16xi32>
        %gt3A_190 = arith.cmpf ogt, %select_n3A_186, %scan3A_73 : vector<16xf32>
        %select_n3A_191 = arith.select %gt3A_190, %scan3A_73, %select_n3A_186 : vector<16xi1>, vector<16xf32>
        %select_n3A_192 = arith.select %gt3A_190, %select_n3A_186, %scan3A_73 : vector<16xi1>, vector<16xf32>
        %select_n3A_193 = arith.select %gt3A_190, %scan3A_93, %select_n3A_188 : vector<16xi1>, vector<16xi32>
        %select_n3A_194 = arith.select %gt3A_190, %select_n3A_188, %scan3A_93 : vector<16xi1>, vector<16xi32>
        %gt3A_195 = arith.cmpf ogt, %select_n3A_191, %scan3A_74 : vector<16xf32>
        %select_n3A_196 = arith.select %gt3A_195, %scan3A_74, %select_n3A_191 : vector<16xi1>, vector<16xf32>
        %select_n3A_197 = arith.select %gt3A_195, %select_n3A_191, %scan3A_74 : vector<16xi1>, vector<16xf32>
        %select_n3A_198 = arith.select %gt3A_195, %scan3A_94, %select_n3A_193 : vector<16xi1>, vector<16xi32>
        %select_n3A_199 = arith.select %gt3A_195, %select_n3A_193, %scan3A_94 : vector<16xi1>, vector<16xi32>
        scf.yield %select_n3A_102, %select_n3A_107, %select_n3A_112, %select_n3A_117, %select_n3A_122, %select_n3A_127, %select_n3A_132, %select_n3A_137, %select_n3A_142, %select_n3A_147, %select_n3A_152, %select_n3A_157, %select_n3A_162, %select_n3A_167, %select_n3A_172, %select_n3A_177, %select_n3A_182, %select_n3A_187, %select_n3A_192, %select_n3A_197, %select_n3A_104, %select_n3A_109, %select_n3A_114, %select_n3A_119, %select_n3A_124, %select_n3A_129, %select_n3A_134, %select_n3A_139, %select_n3A_144, %select_n3A_149, %select_n3A_154, %select_n3A_159, %select_n3A_164, %select_n3A_169, %select_n3A_174, %select_n3A_179, %select_n3A_184, %select_n3A_189, %select_n3A_194, %select_n3A_199 : vector<16xf32>, vector<16xf32>, vector<16xf32>, vector<16xf32>, vector<16xf32>, vector<16xf32>, vector<16xf32>, vector<16xf32>, vector<16xf32>, vector<16xf32>, vector<16xf32>, vector<16xf32>, vector<16xf32>, vector<16xf32>, vector<16xf32>, vector<16xf32>, vector<16xf32>, vector<16xf32>, vector<16xf32>, vector<16xf32>, vector<16xi32>, vector<16xi32>, vector<16xi32>, vector<16xi32>, vector<16xi32>, vector<16xi32>, vector<16xi32>, vector<16xi32>, vector<16xi32>, vector<16xi32>, vector<16xi32>, vector<16xi32>, vector<16xi32>, vector<16xi32>, vector<16xi32>, vector<16xi32>, vector<16xi32>, vector<16xi32>, vector<16xi32>, vector<16xi32>
      }
      %scan3A_32 = arith.constant 256 : i32
      %scan3A_33 = arith.constant 0 : i32
      %scan3A_34 = arith.constant 20 : i32
      %scan3A_35 = arith.addi %scan3A_33, %scan3A_34 : i32
      %scan3A_36 = arith.constant 1 : i32
      %scan3A_37:24 = scf.for %scan3A_54 = %scan3A_33 to %scan3A_35 step %scan3A_36 iter_args(%scan3A_55 = %broadcast_in_dim3A_1, %scan3A_56 = %broadcast_in_dim3A_1, %scan3A_57 = %broadcast_in_dim3A_3, %scan3A_58 = %broadcast_in_dim3A_3, %scan3A_59 = %scan3A_31#0, %scan3A_60 = %scan3A_31#1, %scan3A_61 = %scan3A_31#2, %scan3A_62 = %scan3A_31#3, %scan3A_63 = %scan3A_31#4, %scan3A_64 = %scan3A_31#5, %scan3A_65 = %scan3A_31#6, %scan3A_66 = %scan3A_31#7, %scan3A_67 = %scan3A_31#8, %scan3A_68 = %scan3A_31#9, %scan3A_69 = %scan3A_31#10, %scan3A_70 = %scan3A_31#11, %scan3A_71 = %scan3A_31#12, %scan3A_72 = %scan3A_31#13, %scan3A_73 = %scan3A_31#14, %scan3A_74 = %scan3A_31#15, %scan3A_75 = %scan3A_31#16, %scan3A_76 = %scan3A_31#17, %scan3A_77 = %scan3A_31#18, %scan3A_78 = %scan3A_31#19) -> (vector<16xf32>, vector<16xf32>, vector<16xi32>, vector<16xi32>, vector<16xf32>, vector<16xf32>, vector<16xf32>, vector<16xf32>, vector<16xf32>, vector<16xf32>, vector<16xf32>, vector<16xf32>, vector<16xf32>, vector<16xf32>, vector<16xf32>, vector<16xf32>, vector<16xf32>, vector<16xf32>, vector<16xf32>, vector<16xf32>, vector<16xf32>, vector<16xf32>, vector<16xf32>, vector<16xf32>)  : i32 {
        %max3A = arith.maximumf %scan3A_59, %scan3A_60 : vector<16xf32>
        %max3A_79 = arith.maximumf %max3A, %scan3A_61 : vector<16xf32>
        %max3A_80 = arith.maximumf %max3A_79, %scan3A_62 : vector<16xf32>
        %max3A_81 = arith.maximumf %max3A_80, %scan3A_63 : vector<16xf32>
        %max3A_82 = arith.maximumf %max3A_81, %scan3A_64 : vector<16xf32>
        %max3A_83 = arith.maximumf %max3A_82, %scan3A_65 : vector<16xf32>
        %max3A_84 = arith.maximumf %max3A_83, %scan3A_66 : vector<16xf32>
        %max3A_85 = arith.maximumf %max3A_84, %scan3A_67 : vector<16xf32>
        %max3A_86 = arith.maximumf %max3A_85, %scan3A_68 : vector<16xf32>
        %max3A_87 = arith.maximumf %max3A_86, %scan3A_69 : vector<16xf32>
        %max3A_88 = arith.maximumf %max3A_87, %scan3A_70 : vector<16xf32>
        %max3A_89 = arith.maximumf %max3A_88, %scan3A_71 : vector<16xf32>
        %max3A_90 = arith.maximumf %max3A_89, %scan3A_72 : vector<16xf32>
        %max3A_91 = arith.maximumf %max3A_90, %scan3A_73 : vector<16xf32>
        %max3A_92 = arith.maximumf %max3A_91, %scan3A_74 : vector<16xf32>
        %max3A_93 = arith.maximumf %max3A_92, %scan3A_75 : vector<16xf32>
        %max3A_94 = arith.maximumf %max3A_93, %scan3A_76 : vector<16xf32>
        %max3A_95 = arith.maximumf %max3A_94, %scan3A_77 : vector<16xf32>
        %max3A_96 = arith.maximumf %max3A_95, %scan3A_78 : vector<16xf32>
        %reduce_max3A = arith.constant true
        %reduce_max3A_97 = vector.broadcast %reduce_max3A : i1 to vector<16xi1>
        %reduce_max3A_98 = tpu.scan <max>, %max3A_96 masked %reduce_max3A_97 : vector<16xf32>, vector<16xi1> -> vector<16xf32>
        %reduce_max3A_99 = vector.extract %reduce_max3A_98[15] : f32 from vector<16xf32>
        %eq3A_100 = vector.broadcast %reduce_max3A_99 : f32 to vector<16xf32>
        %eq3A_101 = arith.cmpf oeq, %scan3A_59, %eq3A_100 : vector<16xf32>
        %jit3A = arith.constant 2147483647 : i32
        %broadcast_in_dim3A_102 = vector.broadcast %jit3A : i32 to vector<16xi32>
        %select_n3A = arith.select %eq3A_101, %scan3A_31#20, %broadcast_in_dim3A_102 : vector<16xi1>, vector<16xi32>
        %min3A = arith.minsi %broadcast_in_dim3A_3, %select_n3A : vector<16xi32>
        %eq3A_103 = vector.broadcast %reduce_max3A_99 : f32 to vector<16xf32>
        %eq3A_104 = arith.cmpf oeq, %scan3A_60, %eq3A_103 : vector<16xf32>
        %jit3A_105 = arith.constant 2147483647 : i32
        %broadcast_in_dim3A_106 = vector.broadcast %jit3A_105 : i32 to vector<16xi32>
        %select_n3A_107 = arith.select %eq3A_104, %scan3A_31#21, %broadcast_in_dim3A_106 : vector<16xi1>, vector<16xi32>
        %min3A_108 = arith.minsi %min3A, %select_n3A_107 : vector<16xi32>
        %eq3A_109 = vector.broadcast %reduce_max3A_99 : f32 to vector<16xf32>
        %eq3A_110 = arith.cmpf oeq, %scan3A_61, %eq3A_109 : vector<16xf32>
        %jit3A_111 = arith.constant 2147483647 : i32
        %broadcast_in_dim3A_112 = vector.broadcast %jit3A_111 : i32 to vector<16xi32>
        %select_n3A_113 = arith.select %eq3A_110, %scan3A_31#22, %broadcast_in_dim3A_112 : vector<16xi1>, vector<16xi32>
        %min3A_114 = arith.minsi %min3A_108, %select_n3A_113 : vector<16xi32>
        %eq3A_115 = vector.broadcast %reduce_max3A_99 : f32 to vector<16xf32>
        %eq3A_116 = arith.cmpf oeq, %scan3A_62, %eq3A_115 : vector<16xf32>
        %jit3A_117 = arith.constant 2147483647 : i32
        %broadcast_in_dim3A_118 = vector.broadcast %jit3A_117 : i32 to vector<16xi32>
        %select_n3A_119 = arith.select %eq3A_116, %scan3A_31#23, %broadcast_in_dim3A_118 : vector<16xi1>, vector<16xi32>
        %min3A_120 = arith.minsi %min3A_114, %select_n3A_119 : vector<16xi32>
        %eq3A_121 = vector.broadcast %reduce_max3A_99 : f32 to vector<16xf32>
        %eq3A_122 = arith.cmpf oeq, %scan3A_63, %eq3A_121 : vector<16xf32>
        %jit3A_123 = arith.constant 2147483647 : i32
        %broadcast_in_dim3A_124 = vector.broadcast %jit3A_123 : i32 to vector<16xi32>
        %select_n3A_125 = arith.select %eq3A_122, %scan3A_31#24, %broadcast_in_dim3A_124 : vector<16xi1>, vector<16xi32>
        %min3A_126 = arith.minsi %min3A_120, %select_n3A_125 : vector<16xi32>
        %eq3A_127 = vector.broadcast %reduce_max3A_99 : f32 to vector<16xf32>
        %eq3A_128 = arith.cmpf oeq, %scan3A_64, %eq3A_127 : vector<16xf32>
        %jit3A_129 = arith.constant 2147483647 : i32
        %broadcast_in_dim3A_130 = vector.broadcast %jit3A_129 : i32 to vector<16xi32>
        %select_n3A_131 = arith.select %eq3A_128, %scan3A_31#25, %broadcast_in_dim3A_130 : vector<16xi1>, vector<16xi32>
        %min3A_132 = arith.minsi %min3A_126, %select_n3A_131 : vector<16xi32>
        %eq3A_133 = vector.broadcast %reduce_max3A_99 : f32 to vector<16xf32>
        %eq3A_134 = arith.cmpf oeq, %scan3A_65, %eq3A_133 : vector<16xf32>
        %jit3A_135 = arith.constant 2147483647 : i32
        %broadcast_in_dim3A_136 = vector.broadcast %jit3A_135 : i32 to vector<16xi32>
        %select_n3A_137 = arith.select %eq3A_134, %scan3A_31#26, %broadcast_in_dim3A_136 : vector<16xi1>, vector<16xi32>
        %min3A_138 = arith.minsi %min3A_132, %select_n3A_137 : vector<16xi32>
        %eq3A_139 = vector.broadcast %reduce_max3A_99 : f32 to vector<16xf32>
        %eq3A_140 = arith.cmpf oeq, %scan3A_66, %eq3A_139 : vector<16xf32>
        %jit3A_141 = arith.constant 2147483647 : i32
        %broadcast_in_dim3A_142 = vector.broadcast %jit3A_141 : i32 to vector<16xi32>
        %select_n3A_143 = arith.select %eq3A_140, %scan3A_31#27, %broadcast_in_dim3A_142 : vector<16xi1>, vector<16xi32>
        %min3A_144 = arith.minsi %min3A_138, %select_n3A_143 : vector<16xi32>
        %eq3A_145 = vector.broadcast %reduce_max3A_99 : f32 to vector<16xf32>
        %eq3A_146 = arith.cmpf oeq, %scan3A_67, %eq3A_145 : vector<16xf32>
        %jit3A_147 = arith.constant 2147483647 : i32
        %broadcast_in_dim3A_148 = vector.broadcast %jit3A_147 : i32 to vector<16xi32>
        %select_n3A_149 = arith.select %eq3A_146, %scan3A_31#28, %broadcast_in_dim3A_148 : vector<16xi1>, vector<16xi32>
        %min3A_150 = arith.minsi %min3A_144, %select_n3A_149 : vector<16xi32>
        %eq3A_151 = vector.broadcast %reduce_max3A_99 : f32 to vector<16xf32>
        %eq3A_152 = arith.cmpf oeq, %scan3A_68, %eq3A_151 : vector<16xf32>
        %jit3A_153 = arith.constant 2147483647 : i32
        %broadcast_in_dim3A_154 = vector.broadcast %jit3A_153 : i32 to vector<16xi32>
        %select_n3A_155 = arith.select %eq3A_152, %scan3A_31#29, %broadcast_in_dim3A_154 : vector<16xi1>, vector<16xi32>
        %min3A_156 = arith.minsi %min3A_150, %select_n3A_155 : vector<16xi32>
        %eq3A_157 = vector.broadcast %reduce_max3A_99 : f32 to vector<16xf32>
        %eq3A_158 = arith.cmpf oeq, %scan3A_69, %eq3A_157 : vector<16xf32>
        %jit3A_159 = arith.constant 2147483647 : i32
        %broadcast_in_dim3A_160 = vector.broadcast %jit3A_159 : i32 to vector<16xi32>
        %select_n3A_161 = arith.select %eq3A_158, %scan3A_31#30, %broadcast_in_dim3A_160 : vector<16xi1>, vector<16xi32>
        %min3A_162 = arith.minsi %min3A_156, %select_n3A_161 : vector<16xi32>
        %eq3A_163 = vector.broadcast %reduce_max3A_99 : f32 to vector<16xf32>
        %eq3A_164 = arith.cmpf oeq, %scan3A_70, %eq3A_163 : vector<16xf32>
        %jit3A_165 = arith.constant 2147483647 : i32
        %broadcast_in_dim3A_166 = vector.broadcast %jit3A_165 : i32 to vector<16xi32>
        %select_n3A_167 = arith.select %eq3A_164, %scan3A_31#31, %broadcast_in_dim3A_166 : vector<16xi1>, vector<16xi32>
        %min3A_168 = arith.minsi %min3A_162, %select_n3A_167 : vector<16xi32>
        %eq3A_169 = vector.broadcast %reduce_max3A_99 : f32 to vector<16xf32>
        %eq3A_170 = arith.cmpf oeq, %scan3A_71, %eq3A_169 : vector<16xf32>
        %jit3A_171 = arith.constant 2147483647 : i32
        %broadcast_in_dim3A_172 = vector.broadcast %jit3A_171 : i32 to vector<16xi32>
        %select_n3A_173 = arith.select %eq3A_170, %scan3A_31#32, %broadcast_in_dim3A_172 : vector<16xi1>, vector<16xi32>
        %min3A_174 = arith.minsi %min3A_168, %select_n3A_173 : vector<16xi32>
        %eq3A_175 = vector.broadcast %reduce_max3A_99 : f32 to vector<16xf32>
        %eq3A_176 = arith.cmpf oeq, %scan3A_72, %eq3A_175 : vector<16xf32>
        %jit3A_177 = arith.constant 2147483647 : i32
        %broadcast_in_dim3A_178 = vector.broadcast %jit3A_177 : i32 to vector<16xi32>
        %select_n3A_179 = arith.select %eq3A_176, %scan3A_31#33, %broadcast_in_dim3A_178 : vector<16xi1>, vector<16xi32>
        %min3A_180 = arith.minsi %min3A_174, %select_n3A_179 : vector<16xi32>
        %eq3A_181 = vector.broadcast %reduce_max3A_99 : f32 to vector<16xf32>
        %eq3A_182 = arith.cmpf oeq, %scan3A_73, %eq3A_181 : vector<16xf32>
        %jit3A_183 = arith.constant 2147483647 : i32
        %broadcast_in_dim3A_184 = vector.broadcast %jit3A_183 : i32 to vector<16xi32>
        %select_n3A_185 = arith.select %eq3A_182, %scan3A_31#34, %broadcast_in_dim3A_184 : vector<16xi1>, vector<16xi32>
        %min3A_186 = arith.minsi %min3A_180, %select_n3A_185 : vector<16xi32>
        %eq3A_187 = vector.broadcast %reduce_max3A_99 : f32 to vector<16xf32>
        %eq3A_188 = arith.cmpf oeq, %scan3A_74, %eq3A_187 : vector<16xf32>
        %jit3A_189 = arith.constant 2147483647 : i32
        %broadcast_in_dim3A_190 = vector.broadcast %jit3A_189 : i32 to vector<16xi32>
        %select_n3A_191 = arith.select %eq3A_188, %scan3A_31#35, %broadcast_in_dim3A_190 : vector<16xi1>, vector<16xi32>
        %min3A_192 = arith.minsi %min3A_186, %select_n3A_191 : vector<16xi32>
        %eq3A_193 = vector.broadcast %reduce_max3A_99 : f32 to vector<16xf32>
        %eq3A_194 = arith.cmpf oeq, %scan3A_75, %eq3A_193 : vector<16xf32>
        %jit3A_195 = arith.constant 2147483647 : i32
        %broadcast_in_dim3A_196 = vector.broadcast %jit3A_195 : i32 to vector<16xi32>
        %select_n3A_197 = arith.select %eq3A_194, %scan3A_31#36, %broadcast_in_dim3A_196 : vector<16xi1>, vector<16xi32>
        %min3A_198 = arith.minsi %min3A_192, %select_n3A_197 : vector<16xi32>
        %eq3A_199 = vector.broadcast %reduce_max3A_99 : f32 to vector<16xf32>
        %eq3A_200 = arith.cmpf oeq, %scan3A_76, %eq3A_199 : vector<16xf32>
        %jit3A_201 = arith.constant 2147483647 : i32
        %broadcast_in_dim3A_202 = vector.broadcast %jit3A_201 : i32 to vector<16xi32>
        %select_n3A_203 = arith.select %eq3A_200, %scan3A_31#37, %broadcast_in_dim3A_202 : vector<16xi1>, vector<16xi32>
        %min3A_204 = arith.minsi %min3A_198, %select_n3A_203 : vector<16xi32>
        %eq3A_205 = vector.broadcast %reduce_max3A_99 : f32 to vector<16xf32>
        %eq3A_206 = arith.cmpf oeq, %scan3A_77, %eq3A_205 : vector<16xf32>
        %jit3A_207 = arith.constant 2147483647 : i32
        %broadcast_in_dim3A_208 = vector.broadcast %jit3A_207 : i32 to vector<16xi32>
        %select_n3A_209 = arith.select %eq3A_206, %scan3A_31#38, %broadcast_in_dim3A_208 : vector<16xi1>, vector<16xi32>
        %min3A_210 = arith.minsi %min3A_204, %select_n3A_209 : vector<16xi32>
        %eq3A_211 = vector.broadcast %reduce_max3A_99 : f32 to vector<16xf32>
        %eq3A_212 = arith.cmpf oeq, %scan3A_78, %eq3A_211 : vector<16xf32>
        %jit3A_213 = arith.constant 2147483647 : i32
        %broadcast_in_dim3A_214 = vector.broadcast %jit3A_213 : i32 to vector<16xi32>
        %select_n3A_215 = arith.select %eq3A_212, %scan3A_31#39, %broadcast_in_dim3A_214 : vector<16xi1>, vector<16xi32>
        %min3A_216 = arith.minsi %min3A_210, %select_n3A_215 : vector<16xi32>
        %reduce_min3A = arith.constant true
        %reduce_min3A_217 = vector.broadcast %reduce_min3A : i1 to vector<16xi1>
        %reduce_min3A_218 = arith.constant -2147483648 : i32
        %reduce_min3A_219 = vector.broadcast %reduce_min3A_218 : i32 to vector<16xi32>
        %reduce_min3A_220 = arith.xori %min3A_216, %reduce_min3A_219 : vector<16xi32>
        %reduce_min3A_221 = tpu.scan <min>, %reduce_min3A_220 masked %reduce_min3A_217 : vector<16xi32>, vector<16xi1> -> vector<16xi32>
        %reduce_min3A_222 = arith.xori %reduce_min3A_221, %reduce_min3A_219 : vector<16xi32>
        %reduce_min3A_223 = vector.extract %reduce_min3A_222[15] : i32 from vector<16xi32>
        %eq3A_224 = vector.broadcast %reduce_max3A_99 : f32 to vector<16xf32>
        %eq3A_225 = arith.cmpf oeq, %scan3A_59, %eq3A_224 : vector<16xf32>
        %eq3A_226 = vector.broadcast %reduce_min3A_223 : i32 to vector<16xi32>
        %eq3A_227 = arith.cmpi eq, %scan3A_31#20, %eq3A_226 : vector<16xi32>
        %and3A_228 = arith.andi %eq3A_225, %eq3A_227 : vector<16xi1>
        %jit3A_229 = arith.constant 0xFF800000 : f32
        %broadcast_in_dim3A_230 = vector.broadcast %jit3A_229 : f32 to vector<16xf32>
        %select_n3A_231 = arith.select %and3A_228, %broadcast_in_dim3A_230, %scan3A_59 : vector<16xi1>, vector<16xf32>
        %eq3A_232 = vector.broadcast %reduce_max3A_99 : f32 to vector<16xf32>
        %eq3A_233 = arith.cmpf oeq, %scan3A_60, %eq3A_232 : vector<16xf32>
        %eq3A_234 = vector.broadcast %reduce_min3A_223 : i32 to vector<16xi32>
        %eq3A_235 = arith.cmpi eq, %scan3A_31#21, %eq3A_234 : vector<16xi32>
        %and3A_236 = arith.andi %eq3A_233, %eq3A_235 : vector<16xi1>
        %jit3A_237 = arith.constant 0xFF800000 : f32
        %broadcast_in_dim3A_238 = vector.broadcast %jit3A_237 : f32 to vector<16xf32>
        %select_n3A_239 = arith.select %and3A_236, %broadcast_in_dim3A_238, %scan3A_60 : vector<16xi1>, vector<16xf32>
        %eq3A_240 = vector.broadcast %reduce_max3A_99 : f32 to vector<16xf32>
        %eq3A_241 = arith.cmpf oeq, %scan3A_61, %eq3A_240 : vector<16xf32>
        %eq3A_242 = vector.broadcast %reduce_min3A_223 : i32 to vector<16xi32>
        %eq3A_243 = arith.cmpi eq, %scan3A_31#22, %eq3A_242 : vector<16xi32>
        %and3A_244 = arith.andi %eq3A_241, %eq3A_243 : vector<16xi1>
        %jit3A_245 = arith.constant 0xFF800000 : f32
        %broadcast_in_dim3A_246 = vector.broadcast %jit3A_245 : f32 to vector<16xf32>
        %select_n3A_247 = arith.select %and3A_244, %broadcast_in_dim3A_246, %scan3A_61 : vector<16xi1>, vector<16xf32>
        %eq3A_248 = vector.broadcast %reduce_max3A_99 : f32 to vector<16xf32>
        %eq3A_249 = arith.cmpf oeq, %scan3A_62, %eq3A_248 : vector<16xf32>
        %eq3A_250 = vector.broadcast %reduce_min3A_223 : i32 to vector<16xi32>
        %eq3A_251 = arith.cmpi eq, %scan3A_31#23, %eq3A_250 : vector<16xi32>
        %and3A_252 = arith.andi %eq3A_249, %eq3A_251 : vector<16xi1>
        %jit3A_253 = arith.constant 0xFF800000 : f32
        %broadcast_in_dim3A_254 = vector.broadcast %jit3A_253 : f32 to vector<16xf32>
        %select_n3A_255 = arith.select %and3A_252, %broadcast_in_dim3A_254, %scan3A_62 : vector<16xi1>, vector<16xf32>
        %eq3A_256 = vector.broadcast %reduce_max3A_99 : f32 to vector<16xf32>
        %eq3A_257 = arith.cmpf oeq, %scan3A_63, %eq3A_256 : vector<16xf32>
        %eq3A_258 = vector.broadcast %reduce_min3A_223 : i32 to vector<16xi32>
        %eq3A_259 = arith.cmpi eq, %scan3A_31#24, %eq3A_258 : vector<16xi32>
        %and3A_260 = arith.andi %eq3A_257, %eq3A_259 : vector<16xi1>
        %jit3A_261 = arith.constant 0xFF800000 : f32
        %broadcast_in_dim3A_262 = vector.broadcast %jit3A_261 : f32 to vector<16xf32>
        %select_n3A_263 = arith.select %and3A_260, %broadcast_in_dim3A_262, %scan3A_63 : vector<16xi1>, vector<16xf32>
        %eq3A_264 = vector.broadcast %reduce_max3A_99 : f32 to vector<16xf32>
        %eq3A_265 = arith.cmpf oeq, %scan3A_64, %eq3A_264 : vector<16xf32>
        %eq3A_266 = vector.broadcast %reduce_min3A_223 : i32 to vector<16xi32>
        %eq3A_267 = arith.cmpi eq, %scan3A_31#25, %eq3A_266 : vector<16xi32>
        %and3A_268 = arith.andi %eq3A_265, %eq3A_267 : vector<16xi1>
        %jit3A_269 = arith.constant 0xFF800000 : f32
        %broadcast_in_dim3A_270 = vector.broadcast %jit3A_269 : f32 to vector<16xf32>
        %select_n3A_271 = arith.select %and3A_268, %broadcast_in_dim3A_270, %scan3A_64 : vector<16xi1>, vector<16xf32>
        %eq3A_272 = vector.broadcast %reduce_max3A_99 : f32 to vector<16xf32>
        %eq3A_273 = arith.cmpf oeq, %scan3A_65, %eq3A_272 : vector<16xf32>
        %eq3A_274 = vector.broadcast %reduce_min3A_223 : i32 to vector<16xi32>
        %eq3A_275 = arith.cmpi eq, %scan3A_31#26, %eq3A_274 : vector<16xi32>
        %and3A_276 = arith.andi %eq3A_273, %eq3A_275 : vector<16xi1>
        %jit3A_277 = arith.constant 0xFF800000 : f32
        %broadcast_in_dim3A_278 = vector.broadcast %jit3A_277 : f32 to vector<16xf32>
        %select_n3A_279 = arith.select %and3A_276, %broadcast_in_dim3A_278, %scan3A_65 : vector<16xi1>, vector<16xf32>
        %eq3A_280 = vector.broadcast %reduce_max3A_99 : f32 to vector<16xf32>
        %eq3A_281 = arith.cmpf oeq, %scan3A_66, %eq3A_280 : vector<16xf32>
        %eq3A_282 = vector.broadcast %reduce_min3A_223 : i32 to vector<16xi32>
        %eq3A_283 = arith.cmpi eq, %scan3A_31#27, %eq3A_282 : vector<16xi32>
        %and3A_284 = arith.andi %eq3A_281, %eq3A_283 : vector<16xi1>
        %jit3A_285 = arith.constant 0xFF800000 : f32
        %broadcast_in_dim3A_286 = vector.broadcast %jit3A_285 : f32 to vector<16xf32>
        %select_n3A_287 = arith.select %and3A_284, %broadcast_in_dim3A_286, %scan3A_66 : vector<16xi1>, vector<16xf32>
        %eq3A_288 = vector.broadcast %reduce_max3A_99 : f32 to vector<16xf32>
        %eq3A_289 = arith.cmpf oeq, %scan3A_67, %eq3A_288 : vector<16xf32>
        %eq3A_290 = vector.broadcast %reduce_min3A_223 : i32 to vector<16xi32>
        %eq3A_291 = arith.cmpi eq, %scan3A_31#28, %eq3A_290 : vector<16xi32>
        %and3A_292 = arith.andi %eq3A_289, %eq3A_291 : vector<16xi1>
        %jit3A_293 = arith.constant 0xFF800000 : f32
        %broadcast_in_dim3A_294 = vector.broadcast %jit3A_293 : f32 to vector<16xf32>
        %select_n3A_295 = arith.select %and3A_292, %broadcast_in_dim3A_294, %scan3A_67 : vector<16xi1>, vector<16xf32>
        %eq3A_296 = vector.broadcast %reduce_max3A_99 : f32 to vector<16xf32>
        %eq3A_297 = arith.cmpf oeq, %scan3A_68, %eq3A_296 : vector<16xf32>
        %eq3A_298 = vector.broadcast %reduce_min3A_223 : i32 to vector<16xi32>
        %eq3A_299 = arith.cmpi eq, %scan3A_31#29, %eq3A_298 : vector<16xi32>
        %and3A_300 = arith.andi %eq3A_297, %eq3A_299 : vector<16xi1>
        %jit3A_301 = arith.constant 0xFF800000 : f32
        %broadcast_in_dim3A_302 = vector.broadcast %jit3A_301 : f32 to vector<16xf32>
        %select_n3A_303 = arith.select %and3A_300, %broadcast_in_dim3A_302, %scan3A_68 : vector<16xi1>, vector<16xf32>
        %eq3A_304 = vector.broadcast %reduce_max3A_99 : f32 to vector<16xf32>
        %eq3A_305 = arith.cmpf oeq, %scan3A_69, %eq3A_304 : vector<16xf32>
        %eq3A_306 = vector.broadcast %reduce_min3A_223 : i32 to vector<16xi32>
        %eq3A_307 = arith.cmpi eq, %scan3A_31#30, %eq3A_306 : vector<16xi32>
        %and3A_308 = arith.andi %eq3A_305, %eq3A_307 : vector<16xi1>
        %jit3A_309 = arith.constant 0xFF800000 : f32
        %broadcast_in_dim3A_310 = vector.broadcast %jit3A_309 : f32 to vector<16xf32>
        %select_n3A_311 = arith.select %and3A_308, %broadcast_in_dim3A_310, %scan3A_69 : vector<16xi1>, vector<16xf32>
        %eq3A_312 = vector.broadcast %reduce_max3A_99 : f32 to vector<16xf32>
        %eq3A_313 = arith.cmpf oeq, %scan3A_70, %eq3A_312 : vector<16xf32>
        %eq3A_314 = vector.broadcast %reduce_min3A_223 : i32 to vector<16xi32>
        %eq3A_315 = arith.cmpi eq, %scan3A_31#31, %eq3A_314 : vector<16xi32>
        %and3A_316 = arith.andi %eq3A_313, %eq3A_315 : vector<16xi1>
        %jit3A_317 = arith.constant 0xFF800000 : f32
        %broadcast_in_dim3A_318 = vector.broadcast %jit3A_317 : f32 to vector<16xf32>
        %select_n3A_319 = arith.select %and3A_316, %broadcast_in_dim3A_318, %scan3A_70 : vector<16xi1>, vector<16xf32>
        %eq3A_320 = vector.broadcast %reduce_max3A_99 : f32 to vector<16xf32>
        %eq3A_321 = arith.cmpf oeq, %scan3A_71, %eq3A_320 : vector<16xf32>
        %eq3A_322 = vector.broadcast %reduce_min3A_223 : i32 to vector<16xi32>
        %eq3A_323 = arith.cmpi eq, %scan3A_31#32, %eq3A_322 : vector<16xi32>
        %and3A_324 = arith.andi %eq3A_321, %eq3A_323 : vector<16xi1>
        %jit3A_325 = arith.constant 0xFF800000 : f32
        %broadcast_in_dim3A_326 = vector.broadcast %jit3A_325 : f32 to vector<16xf32>
        %select_n3A_327 = arith.select %and3A_324, %broadcast_in_dim3A_326, %scan3A_71 : vector<16xi1>, vector<16xf32>
        %eq3A_328 = vector.broadcast %reduce_max3A_99 : f32 to vector<16xf32>
        %eq3A_329 = arith.cmpf oeq, %scan3A_72, %eq3A_328 : vector<16xf32>
        %eq3A_330 = vector.broadcast %reduce_min3A_223 : i32 to vector<16xi32>
        %eq3A_331 = arith.cmpi eq, %scan3A_31#33, %eq3A_330 : vector<16xi32>
        %and3A_332 = arith.andi %eq3A_329, %eq3A_331 : vector<16xi1>
        %jit3A_333 = arith.constant 0xFF800000 : f32
        %broadcast_in_dim3A_334 = vector.broadcast %jit3A_333 : f32 to vector<16xf32>
        %select_n3A_335 = arith.select %and3A_332, %broadcast_in_dim3A_334, %scan3A_72 : vector<16xi1>, vector<16xf32>
        %eq3A_336 = vector.broadcast %reduce_max3A_99 : f32 to vector<16xf32>
        %eq3A_337 = arith.cmpf oeq, %scan3A_73, %eq3A_336 : vector<16xf32>
        %eq3A_338 = vector.broadcast %reduce_min3A_223 : i32 to vector<16xi32>
        %eq3A_339 = arith.cmpi eq, %scan3A_31#34, %eq3A_338 : vector<16xi32>
        %and3A_340 = arith.andi %eq3A_337, %eq3A_339 : vector<16xi1>
        %jit3A_341 = arith.constant 0xFF800000 : f32
        %broadcast_in_dim3A_342 = vector.broadcast %jit3A_341 : f32 to vector<16xf32>
        %select_n3A_343 = arith.select %and3A_340, %broadcast_in_dim3A_342, %scan3A_73 : vector<16xi1>, vector<16xf32>
        %eq3A_344 = vector.broadcast %reduce_max3A_99 : f32 to vector<16xf32>
        %eq3A_345 = arith.cmpf oeq, %scan3A_74, %eq3A_344 : vector<16xf32>
        %eq3A_346 = vector.broadcast %reduce_min3A_223 : i32 to vector<16xi32>
        %eq3A_347 = arith.cmpi eq, %scan3A_31#35, %eq3A_346 : vector<16xi32>
        %and3A_348 = arith.andi %eq3A_345, %eq3A_347 : vector<16xi1>
        %jit3A_349 = arith.constant 0xFF800000 : f32
        %broadcast_in_dim3A_350 = vector.broadcast %jit3A_349 : f32 to vector<16xf32>
        %select_n3A_351 = arith.select %and3A_348, %broadcast_in_dim3A_350, %scan3A_74 : vector<16xi1>, vector<16xf32>
        %eq3A_352 = vector.broadcast %reduce_max3A_99 : f32 to vector<16xf32>
        %eq3A_353 = arith.cmpf oeq, %scan3A_75, %eq3A_352 : vector<16xf32>
        %eq3A_354 = vector.broadcast %reduce_min3A_223 : i32 to vector<16xi32>
        %eq3A_355 = arith.cmpi eq, %scan3A_31#36, %eq3A_354 : vector<16xi32>
        %and3A_356 = arith.andi %eq3A_353, %eq3A_355 : vector<16xi1>
        %jit3A_357 = arith.constant 0xFF800000 : f32
        %broadcast_in_dim3A_358 = vector.broadcast %jit3A_357 : f32 to vector<16xf32>
        %select_n3A_359 = arith.select %and3A_356, %broadcast_in_dim3A_358, %scan3A_75 : vector<16xi1>, vector<16xf32>
        %eq3A_360 = vector.broadcast %reduce_max3A_99 : f32 to vector<16xf32>
        %eq3A_361 = arith.cmpf oeq, %scan3A_76, %eq3A_360 : vector<16xf32>
        %eq3A_362 = vector.broadcast %reduce_min3A_223 : i32 to vector<16xi32>
        %eq3A_363 = arith.cmpi eq, %scan3A_31#37, %eq3A_362 : vector<16xi32>
        %and3A_364 = arith.andi %eq3A_361, %eq3A_363 : vector<16xi1>
        %jit3A_365 = arith.constant 0xFF800000 : f32
        %broadcast_in_dim3A_366 = vector.broadcast %jit3A_365 : f32 to vector<16xf32>
        %select_n3A_367 = arith.select %and3A_364, %broadcast_in_dim3A_366, %scan3A_76 : vector<16xi1>, vector<16xf32>
        %eq3A_368 = vector.broadcast %reduce_max3A_99 : f32 to vector<16xf32>
        %eq3A_369 = arith.cmpf oeq, %scan3A_77, %eq3A_368 : vector<16xf32>
        %eq3A_370 = vector.broadcast %reduce_min3A_223 : i32 to vector<16xi32>
        %eq3A_371 = arith.cmpi eq, %scan3A_31#38, %eq3A_370 : vector<16xi32>
        %and3A_372 = arith.andi %eq3A_369, %eq3A_371 : vector<16xi1>
        %jit3A_373 = arith.constant 0xFF800000 : f32
        %broadcast_in_dim3A_374 = vector.broadcast %jit3A_373 : f32 to vector<16xf32>
        %select_n3A_375 = arith.select %and3A_372, %broadcast_in_dim3A_374, %scan3A_77 : vector<16xi1>, vector<16xf32>
        %eq3A_376 = vector.broadcast %reduce_max3A_99 : f32 to vector<16xf32>
        %eq3A_377 = arith.cmpf oeq, %scan3A_78, %eq3A_376 : vector<16xf32>
        %eq3A_378 = vector.broadcast %reduce_min3A_223 : i32 to vector<16xi32>
        %eq3A_379 = arith.cmpi eq, %scan3A_31#39, %eq3A_378 : vector<16xi32>
        %and3A_380 = arith.andi %eq3A_377, %eq3A_379 : vector<16xi1>
        %jit3A_381 = arith.constant 0xFF800000 : f32
        %broadcast_in_dim3A_382 = vector.broadcast %jit3A_381 : f32 to vector<16xf32>
        %select_n3A_383 = arith.select %and3A_380, %broadcast_in_dim3A_382, %scan3A_78 : vector<16xi1>, vector<16xf32>
        %eq3A_384 = vector.broadcast %scan3A_54 : i32 to vector<16xi32>
        %eq3A_385 = arith.cmpi eq, %iota3A, %eq3A_384 : vector<16xi32>
        %broadcast_in_dim3A_386 = vector.broadcast %reduce_max3A_99 : f32 to vector<16xf32>
        %select_n3A_387 = arith.select %eq3A_385, %broadcast_in_dim3A_386, %scan3A_55 : vector<16xi1>, vector<16xf32>
        %add3A = arith.constant 16 : i32
        %add3A_388 = vector.broadcast %add3A : i32 to vector<16xi32>
        %add3A_389 = arith.addi %iota3A, %add3A_388 : vector<16xi32>
        %eq3A_390 = vector.broadcast %scan3A_54 : i32 to vector<16xi32>
        %eq3A_391 = arith.cmpi eq, %add3A_389, %eq3A_390 : vector<16xi32>
        %broadcast_in_dim3A_392 = vector.broadcast %reduce_max3A_99 : f32 to vector<16xf32>
        %select_n3A_393 = arith.select %eq3A_391, %broadcast_in_dim3A_392, %scan3A_56 : vector<16xi1>, vector<16xf32>
        %eq3A_394 = vector.broadcast %scan3A_54 : i32 to vector<16xi32>
        %eq3A_395 = arith.cmpi eq, %iota3A, %eq3A_394 : vector<16xi32>
        %broadcast_in_dim3A_396 = vector.broadcast %reduce_min3A_223 : i32 to vector<16xi32>
        %select_n3A_397 = arith.select %eq3A_395, %broadcast_in_dim3A_396, %scan3A_57 : vector<16xi1>, vector<16xi32>
        %add3A_398 = arith.constant 16 : i32
        %add3A_399 = vector.broadcast %add3A_398 : i32 to vector<16xi32>
        %add3A_400 = arith.addi %iota3A, %add3A_399 : vector<16xi32>
        %eq3A_401 = vector.broadcast %scan3A_54 : i32 to vector<16xi32>
        %eq3A_402 = arith.cmpi eq, %add3A_400, %eq3A_401 : vector<16xi32>
        %broadcast_in_dim3A_403 = vector.broadcast %reduce_min3A_223 : i32 to vector<16xi32>
        %select_n3A_404 = arith.select %eq3A_402, %broadcast_in_dim3A_403, %scan3A_58 : vector<16xi1>, vector<16xi32>
        scf.yield %select_n3A_387, %select_n3A_393, %select_n3A_397, %select_n3A_404, %select_n3A_231, %select_n3A_239, %select_n3A_247, %select_n3A_255, %select_n3A_263, %select_n3A_271, %select_n3A_279, %select_n3A_287, %select_n3A_295, %select_n3A_303, %select_n3A_311, %select_n3A_319, %select_n3A_327, %select_n3A_335, %select_n3A_343, %select_n3A_351, %select_n3A_359, %select_n3A_367, %select_n3A_375, %select_n3A_383 : vector<16xf32>, vector<16xf32>, vector<16xi32>, vector<16xi32>, vector<16xf32>, vector<16xf32>, vector<16xf32>, vector<16xf32>, vector<16xf32>, vector<16xf32>, vector<16xf32>, vector<16xf32>, vector<16xf32>, vector<16xf32>, vector<16xf32>, vector<16xf32>, vector<16xf32>, vector<16xf32>, vector<16xf32>, vector<16xf32>, vector<16xf32>, vector<16xf32>, vector<16xf32>, vector<16xf32>
      }
      %scan3A_38 = arith.constant 20 : i32
      %swap3A = arith.constant 0 : index
      %swap3A_39 = tpu.vector_load %arg9[%swap3A] {strides = array<i32>} : memref<32xf32, #tpu.memory_space<vmem>>, vector<16xf32>,
      tpu.vector_store %arg9[%swap3A], %scan3A_37#0 {strides = array<i32>} : memref<32xf32, #tpu.memory_space<vmem>>, vector<16xf32>,
      %swap3A_40 = arith.constant 16 : index
      %swap3A_41 = tpu.vector_load %arg9[%swap3A_40] {strides = array<i32>} : memref<32xf32, #tpu.memory_space<vmem>>, vector<16xf32>,
      tpu.vector_store %arg9[%swap3A_40], %scan3A_37#1 {strides = array<i32>} : memref<32xf32, #tpu.memory_space<vmem>>, vector<16xf32>,
      %swap3A_42 = arith.constant 0 : index
      %swap3A_43 = tpu.vector_load %arg10[%swap3A_42] {strides = array<i32>} : memref<32xi32, #tpu.memory_space<vmem>>, vector<16xi32>,
      tpu.vector_store %arg10[%swap3A_42], %scan3A_37#2 {strides = array<i32>} : memref<32xi32, #tpu.memory_space<vmem>>, vector<16xi32>,
      %swap3A_44 = arith.constant 16 : index
      %swap3A_45 = tpu.vector_load %arg10[%swap3A_44] {strides = array<i32>} : memref<32xi32, #tpu.memory_space<vmem>>, vector<16xi32>,
      tpu.vector_store %arg10[%swap3A_44], %scan3A_37#3 {strides = array<i32>} : memref<32xi32, #tpu.memory_space<vmem>>, vector<16xi32>,
      %mul3A_46 = arith.constant 2 : i32
      %mul3A_47 = arith.muli %arg1, %mul3A_46 : i32
      %mul3A_48 = arith.constant 16 : i32
      %mul3A_49 = arith.muli %mul3A_47, %mul3A_48 : i32
      "tpu.region"() ({
        %run_scoped3A = tpu.sem_alloc : memref<!tpu.dma_semaphore, #tpu.memory_space<semaphore_mem>>
        %dma_start3A = tpu.memref_slice %arg16[%mul3A_49] : memref<512xf32, #tpu.memory_space<vmem_shared>> -> memref<32xf32, #tpu.memory_space<vmem_shared>>
        %dma_start3A_54 = tpu.memref_slice %arg16[%mul3A_49] : memref<512xf32, #tpu.memory_space<vmem_shared>> -> memref<32xf32, #tpu.memory_space<vmem_shared>>
        tpu.enqueue_dma source(%arg9 : memref<32xf32, #tpu.memory_space<vmem>>) target(%dma_start3A_54 : memref<32xf32, #tpu.memory_space<vmem_shared>>) target_semaphore(%run_scoped3A : memref<!tpu.dma_semaphore, #tpu.memory_space<semaphore_mem>>)
        %dma_wait3A = tpu.memref_slice %arg16[%mul3A_49] : memref<512xf32, #tpu.memory_space<vmem_shared>> -> memref<32xf32, #tpu.memory_space<vmem_shared>>
        %dma_wait3A_55 = tpu.memref_slice %arg16[%mul3A_49] : memref<512xf32, #tpu.memory_space<vmem_shared>> -> memref<32xf32, #tpu.memory_space<vmem_shared>>
        tpu.wait_dma2 semaphore(%run_scoped3A : memref<!tpu.dma_semaphore, #tpu.memory_space<semaphore_mem>>) src(%arg9 : memref<32xf32, #tpu.memory_space<vmem>>) dst(%dma_wait3A_55 : memref<32xf32, #tpu.memory_space<vmem_shared>>)
        tpu.yield
      }) : () -> ()
      %mul3A_50 = arith.constant 2 : i32
      %mul3A_51 = arith.muli %arg1, %mul3A_50 : i32
      %mul3A_52 = arith.constant 16 : i32
      %mul3A_53 = arith.muli %mul3A_51, %mul3A_52 : i32
      "tpu.region"() ({
        %run_scoped3A = tpu.sem_alloc : memref<!tpu.dma_semaphore, #tpu.memory_space<semaphore_mem>>
        %dma_start3A = tpu.memref_slice %arg17[%mul3A_53] : memref<512xi32, #tpu.memory_space<vmem_shared>> -> memref<32xi32, #tpu.memory_space<vmem_shared>>
        %dma_start3A_54 = tpu.memref_slice %arg17[%mul3A_53] : memref<512xi32, #tpu.memory_space<vmem_shared>> -> memref<32xi32, #tpu.memory_space<vmem_shared>>
        tpu.enqueue_dma source(%arg10 : memref<32xi32, #tpu.memory_space<vmem>>) target(%dma_start3A_54 : memref<32xi32, #tpu.memory_space<vmem_shared>>) target_semaphore(%run_scoped3A : memref<!tpu.dma_semaphore, #tpu.memory_space<semaphore_mem>>)
        %dma_wait3A = tpu.memref_slice %arg17[%mul3A_53] : memref<512xi32, #tpu.memory_space<vmem_shared>> -> memref<32xi32, #tpu.memory_space<vmem_shared>>
        %dma_wait3A_55 = tpu.memref_slice %arg17[%mul3A_53] : memref<512xi32, #tpu.memory_space<vmem_shared>> -> memref<32xi32, #tpu.memory_space<vmem_shared>>
        tpu.wait_dma2 semaphore(%run_scoped3A : memref<!tpu.dma_semaphore, #tpu.memory_space<semaphore_mem>>) src(%arg10 : memref<32xi32, #tpu.memory_space<vmem>>) dst(%dma_wait3A_55 : memref<32xi32, #tpu.memory_space<vmem_shared>>)
        tpu.yield
      }) : () -> ()
    } else {
    }
    %barrier3A = arith.constant 0 : index
    tpu.barrier barrier_id(%barrier3A)
    %eq3A_6 = arith.constant 0 : i32
    %eq3A_7 = arith.cmpi eq, %arg0, %eq3A_6 : i32
    %eq3A_8 = arith.constant 0 : i32
    %eq3A_9 = arith.cmpi eq, %arg1, %eq3A_8 : i32
    %and3A = arith.andi %eq3A_7, %eq3A_9 : i1
    %convert_element_type3A_10 = arith.extui %and3A : i1 to i32
    %cond3A_11 = arith.constant 0 : i32
    %cond3A_12 = arith.cmpi ne, %convert_element_type3A_10, %cond3A_11 : i32
    scf.if %cond3A_12 {
      "tpu.region"() ({
        %run_scoped3A = tpu.sem_alloc : memref<!tpu.dma_semaphore, #tpu.memory_space<semaphore_mem>>
        tpu.enqueue_dma source(%arg16 : memref<512xf32, #tpu.memory_space<vmem_shared>>) target(%arg12 : memref<512xf32, #tpu.memory_space<vmem>>) target_semaphore(%run_scoped3A : memref<!tpu.dma_semaphore, #tpu.memory_space<semaphore_mem>>)
        tpu.wait_dma2 semaphore(%run_scoped3A : memref<!tpu.dma_semaphore, #tpu.memory_space<semaphore_mem>>) src(%arg16 : memref<512xf32, #tpu.memory_space<vmem_shared>>) dst(%arg12 : memref<512xf32, #tpu.memory_space<vmem>>)
        tpu.yield
      }) : () -> ()
      "tpu.region"() ({
        %run_scoped3A = tpu.sem_alloc : memref<!tpu.dma_semaphore, #tpu.memory_space<semaphore_mem>>
        tpu.enqueue_dma source(%arg17 : memref<512xi32, #tpu.memory_space<vmem_shared>>) target(%arg13 : memref<512xi32, #tpu.memory_space<vmem>>) target_semaphore(%run_scoped3A : memref<!tpu.dma_semaphore, #tpu.memory_space<semaphore_mem>>)
        tpu.wait_dma2 semaphore(%run_scoped3A : memref<!tpu.dma_semaphore, #tpu.memory_space<semaphore_mem>>) src(%arg17 : memref<512xi32, #tpu.memory_space<vmem_shared>>) dst(%arg13 : memref<512xi32, #tpu.memory_space<vmem>>)
        tpu.yield
      }) : () -> ()
      %scan3A = arith.constant 0xFF800000 : f32
      %scan3A_28 = arith.constant 2147483647 : i32
      %scan3A_29 = arith.constant 0 : i32
      %scan3A_30 = arith.constant 20 : i32
      %scan3A_31 = arith.addi %scan3A_29, %scan3A_30 : i32
      %scan3A_32 = arith.constant 1 : i32
      %scan3A_33:2 = scf.for %scan3A_46 = %scan3A_29 to %scan3A_31 step %scan3A_32 iter_args(%scan3A_47 = %scan3A, %scan3A_48 = %scan3A_28) -> (f32, i32)  : i32 {
        %get3A = arith.constant 0 : index
        %get3A_49 = tpu.vector_load %arg12[%get3A] {strides = array<i32>} : memref<512xf32, #tpu.memory_space<vmem>>, vector<16xf32>,
        %max3A = arith.maximumf %broadcast_in_dim3A_1, %get3A_49 : vector<16xf32>
        %get3A_50 = arith.constant 16 : index
        %get3A_51 = tpu.vector_load %arg12[%get3A_50] {strides = array<i32>} : memref<512xf32, #tpu.memory_space<vmem>>, vector<16xf32>,
        %max3A_52 = arith.maximumf %max3A, %get3A_51 : vector<16xf32>
        %get3A_53 = arith.constant 32 : index
        %get3A_54 = tpu.vector_load %arg12[%get3A_53] {strides = array<i32>} : memref<512xf32, #tpu.memory_space<vmem>>, vector<16xf32>,
        %max3A_55 = arith.maximumf %max3A_52, %get3A_54 : vector<16xf32>
        %get3A_56 = arith.constant 48 : index
        %get3A_57 = tpu.vector_load %arg12[%get3A_56] {strides = array<i32>} : memref<512xf32, #tpu.memory_space<vmem>>, vector<16xf32>,
        %max3A_58 = arith.maximumf %max3A_55, %get3A_57 : vector<16xf32>
        %get3A_59 = arith.constant 64 : index
        %get3A_60 = tpu.vector_load %arg12[%get3A_59] {strides = array<i32>} : memref<512xf32, #tpu.memory_space<vmem>>, vector<16xf32>,
        %max3A_61 = arith.maximumf %max3A_58, %get3A_60 : vector<16xf32>
        %get3A_62 = arith.constant 80 : index
        %get3A_63 = tpu.vector_load %arg12[%get3A_62] {strides = array<i32>} : memref<512xf32, #tpu.memory_space<vmem>>, vector<16xf32>,
        %max3A_64 = arith.maximumf %max3A_61, %get3A_63 : vector<16xf32>
        %get3A_65 = arith.constant 96 : index
        %get3A_66 = tpu.vector_load %arg12[%get3A_65] {strides = array<i32>} : memref<512xf32, #tpu.memory_space<vmem>>, vector<16xf32>,
        %max3A_67 = arith.maximumf %max3A_64, %get3A_66 : vector<16xf32>
        %get3A_68 = arith.constant 112 : index
        %get3A_69 = tpu.vector_load %arg12[%get3A_68] {strides = array<i32>} : memref<512xf32, #tpu.memory_space<vmem>>, vector<16xf32>,
        %max3A_70 = arith.maximumf %max3A_67, %get3A_69 : vector<16xf32>
        %get3A_71 = arith.constant 128 : index
        %get3A_72 = tpu.vector_load %arg12[%get3A_71] {strides = array<i32>} : memref<512xf32, #tpu.memory_space<vmem>>, vector<16xf32>,
        %max3A_73 = arith.maximumf %max3A_70, %get3A_72 : vector<16xf32>
        %get3A_74 = arith.constant 144 : index
        %get3A_75 = tpu.vector_load %arg12[%get3A_74] {strides = array<i32>} : memref<512xf32, #tpu.memory_space<vmem>>, vector<16xf32>,
        %max3A_76 = arith.maximumf %max3A_73, %get3A_75 : vector<16xf32>
        %get3A_77 = arith.constant 160 : index
        %get3A_78 = tpu.vector_load %arg12[%get3A_77] {strides = array<i32>} : memref<512xf32, #tpu.memory_space<vmem>>, vector<16xf32>,
        %max3A_79 = arith.maximumf %max3A_76, %get3A_78 : vector<16xf32>
        %get3A_80 = arith.constant 176 : index
        %get3A_81 = tpu.vector_load %arg12[%get3A_80] {strides = array<i32>} : memref<512xf32, #tpu.memory_space<vmem>>, vector<16xf32>,
        %max3A_82 = arith.maximumf %max3A_79, %get3A_81 : vector<16xf32>
        %get3A_83 = arith.constant 192 : index
        %get3A_84 = tpu.vector_load %arg12[%get3A_83] {strides = array<i32>} : memref<512xf32, #tpu.memory_space<vmem>>, vector<16xf32>,
        %max3A_85 = arith.maximumf %max3A_82, %get3A_84 : vector<16xf32>
        %get3A_86 = arith.constant 208 : index
        %get3A_87 = tpu.vector_load %arg12[%get3A_86] {strides = array<i32>} : memref<512xf32, #tpu.memory_space<vmem>>, vector<16xf32>,
        %max3A_88 = arith.maximumf %max3A_85, %get3A_87 : vector<16xf32>
        %get3A_89 = arith.constant 224 : index
        %get3A_90 = tpu.vector_load %arg12[%get3A_89] {strides = array<i32>} : memref<512xf32, #tpu.memory_space<vmem>>, vector<16xf32>,
        %max3A_91 = arith.maximumf %max3A_88, %get3A_90 : vector<16xf32>
        %get3A_92 = arith.constant 240 : index
        %get3A_93 = tpu.vector_load %arg12[%get3A_92] {strides = array<i32>} : memref<512xf32, #tpu.memory_space<vmem>>, vector<16xf32>,
        %max3A_94 = arith.maximumf %max3A_91, %get3A_93 : vector<16xf32>
        %get3A_95 = arith.constant 256 : index
        %get3A_96 = tpu.vector_load %arg12[%get3A_95] {strides = array<i32>} : memref<512xf32, #tpu.memory_space<vmem>>, vector<16xf32>,
        %max3A_97 = arith.maximumf %max3A_94, %get3A_96 : vector<16xf32>
        %get3A_98 = arith.constant 272 : index
        %get3A_99 = tpu.vector_load %arg12[%get3A_98] {strides = array<i32>} : memref<512xf32, #tpu.memory_space<vmem>>, vector<16xf32>,
        %max3A_100 = arith.maximumf %max3A_97, %get3A_99 : vector<16xf32>
        %get3A_101 = arith.constant 288 : index
        %get3A_102 = tpu.vector_load %arg12[%get3A_101] {strides = array<i32>} : memref<512xf32, #tpu.memory_space<vmem>>, vector<16xf32>,
        %max3A_103 = arith.maximumf %max3A_100, %get3A_102 : vector<16xf32>
        %get3A_104 = arith.constant 304 : index
        %get3A_105 = tpu.vector_load %arg12[%get3A_104] {strides = array<i32>} : memref<512xf32, #tpu.memory_space<vmem>>, vector<16xf32>,
        %max3A_106 = arith.maximumf %max3A_103, %get3A_105 : vector<16xf32>
        %get3A_107 = arith.constant 320 : index
        %get3A_108 = tpu.vector_load %arg12[%get3A_107] {strides = array<i32>} : memref<512xf32, #tpu.memory_space<vmem>>, vector<16xf32>,
        %max3A_109 = arith.maximumf %max3A_106, %get3A_108 : vector<16xf32>
        %get3A_110 = arith.constant 336 : index
        %get3A_111 = tpu.vector_load %arg12[%get3A_110] {strides = array<i32>} : memref<512xf32, #tpu.memory_space<vmem>>, vector<16xf32>,
        %max3A_112 = arith.maximumf %max3A_109, %get3A_111 : vector<16xf32>
        %get3A_113 = arith.constant 352 : index
        %get3A_114 = tpu.vector_load %arg12[%get3A_113] {strides = array<i32>} : memref<512xf32, #tpu.memory_space<vmem>>, vector<16xf32>,
        %max3A_115 = arith.maximumf %max3A_112, %get3A_114 : vector<16xf32>
        %get3A_116 = arith.constant 368 : index
        %get3A_117 = tpu.vector_load %arg12[%get3A_116] {strides = array<i32>} : memref<512xf32, #tpu.memory_space<vmem>>, vector<16xf32>,
        %max3A_118 = arith.maximumf %max3A_115, %get3A_117 : vector<16xf32>
        %get3A_119 = arith.constant 384 : index
        %get3A_120 = tpu.vector_load %arg12[%get3A_119] {strides = array<i32>} : memref<512xf32, #tpu.memory_space<vmem>>, vector<16xf32>,
        %max3A_121 = arith.maximumf %max3A_118, %get3A_120 : vector<16xf32>
        %get3A_122 = arith.constant 400 : index
        %get3A_123 = tpu.vector_load %arg12[%get3A_122] {strides = array<i32>} : memref<512xf32, #tpu.memory_space<vmem>>, vector<16xf32>,
        %max3A_124 = arith.maximumf %max3A_121, %get3A_123 : vector<16xf32>
        %get3A_125 = arith.constant 416 : index
        %get3A_126 = tpu.vector_load %arg12[%get3A_125] {strides = array<i32>} : memref<512xf32, #tpu.memory_space<vmem>>, vector<16xf32>,
        %max3A_127 = arith.maximumf %max3A_124, %get3A_126 : vector<16xf32>
        %get3A_128 = arith.constant 432 : index
        %get3A_129 = tpu.vector_load %arg12[%get3A_128] {strides = array<i32>} : memref<512xf32, #tpu.memory_space<vmem>>, vector<16xf32>,
        %max3A_130 = arith.maximumf %max3A_127, %get3A_129 : vector<16xf32>
        %get3A_131 = arith.constant 448 : index
        %get3A_132 = tpu.vector_load %arg12[%get3A_131] {strides = array<i32>} : memref<512xf32, #tpu.memory_space<vmem>>, vector<16xf32>,
        %max3A_133 = arith.maximumf %max3A_130, %get3A_132 : vector<16xf32>
        %get3A_134 = arith.constant 464 : index
        %get3A_135 = tpu.vector_load %arg12[%get3A_134] {strides = array<i32>} : memref<512xf32, #tpu.memory_space<vmem>>, vector<16xf32>,
        %max3A_136 = arith.maximumf %max3A_133, %get3A_135 : vector<16xf32>
        %get3A_137 = arith.constant 480 : index
        %get3A_138 = tpu.vector_load %arg12[%get3A_137] {strides = array<i32>} : memref<512xf32, #tpu.memory_space<vmem>>, vector<16xf32>,
        %max3A_139 = arith.maximumf %max3A_136, %get3A_138 : vector<16xf32>
        %get3A_140 = arith.constant 496 : index
        %get3A_141 = tpu.vector_load %arg12[%get3A_140] {strides = array<i32>} : memref<512xf32, #tpu.memory_space<vmem>>, vector<16xf32>,
        %max3A_142 = arith.maximumf %max3A_139, %get3A_141 : vector<16xf32>
        %reduce_max3A = arith.constant true
        %reduce_max3A_143 = vector.broadcast %reduce_max3A : i1 to vector<16xi1>
        %reduce_max3A_144 = tpu.scan <max>, %max3A_142 masked %reduce_max3A_143 : vector<16xf32>, vector<16xi1> -> vector<16xf32>
        %reduce_max3A_145 = vector.extract %reduce_max3A_144[15] : f32 from vector<16xf32>
        %get3A_146 = arith.constant 0 : index
        %get3A_147 = tpu.vector_load %arg12[%get3A_146] {strides = array<i32>} : memref<512xf32, #tpu.memory_space<vmem>>, vector<16xf32>,
        %get3A_148 = arith.constant 0 : index
        %get3A_149 = tpu.vector_load %arg13[%get3A_148] {strides = array<i32>} : memref<512xi32, #tpu.memory_space<vmem>>, vector<16xi32>,
        %eq3A_150 = vector.broadcast %reduce_max3A_145 : f32 to vector<16xf32>
        %eq3A_151 = arith.cmpf oeq, %get3A_147, %eq3A_150 : vector<16xf32>
        %jit3A = arith.constant 2147483647 : i32
        %broadcast_in_dim3A_152 = vector.broadcast %jit3A : i32 to vector<16xi32>
        %select_n3A = arith.select %eq3A_151, %get3A_149, %broadcast_in_dim3A_152 : vector<16xi1>, vector<16xi32>
        %min3A = arith.minsi %broadcast_in_dim3A_3, %select_n3A : vector<16xi32>
        %get3A_153 = arith.constant 16 : index
        %get3A_154 = tpu.vector_load %arg12[%get3A_153] {strides = array<i32>} : memref<512xf32, #tpu.memory_space<vmem>>, vector<16xf32>,
        %get3A_155 = arith.constant 16 : index
        %get3A_156 = tpu.vector_load %arg13[%get3A_155] {strides = array<i32>} : memref<512xi32, #tpu.memory_space<vmem>>, vector<16xi32>,
        %eq3A_157 = vector.broadcast %reduce_max3A_145 : f32 to vector<16xf32>
        %eq3A_158 = arith.cmpf oeq, %get3A_154, %eq3A_157 : vector<16xf32>
        %jit3A_159 = arith.constant 2147483647 : i32
        %broadcast_in_dim3A_160 = vector.broadcast %jit3A_159 : i32 to vector<16xi32>
        %select_n3A_161 = arith.select %eq3A_158, %get3A_156, %broadcast_in_dim3A_160 : vector<16xi1>, vector<16xi32>
        %min3A_162 = arith.minsi %min3A, %select_n3A_161 : vector<16xi32>
        %get3A_163 = arith.constant 32 : index
        %get3A_164 = tpu.vector_load %arg12[%get3A_163] {strides = array<i32>} : memref<512xf32, #tpu.memory_space<vmem>>, vector<16xf32>,
        %get3A_165 = arith.constant 32 : index
        %get3A_166 = tpu.vector_load %arg13[%get3A_165] {strides = array<i32>} : memref<512xi32, #tpu.memory_space<vmem>>, vector<16xi32>,
        %eq3A_167 = vector.broadcast %reduce_max3A_145 : f32 to vector<16xf32>
        %eq3A_168 = arith.cmpf oeq, %get3A_164, %eq3A_167 : vector<16xf32>
        %jit3A_169 = arith.constant 2147483647 : i32
        %broadcast_in_dim3A_170 = vector.broadcast %jit3A_169 : i32 to vector<16xi32>
        %select_n3A_171 = arith.select %eq3A_168, %get3A_166, %broadcast_in_dim3A_170 : vector<16xi1>, vector<16xi32>
        %min3A_172 = arith.minsi %min3A_162, %select_n3A_171 : vector<16xi32>
        %get3A_173 = arith.constant 48 : index
        %get3A_174 = tpu.vector_load %arg12[%get3A_173] {strides = array<i32>} : memref<512xf32, #tpu.memory_space<vmem>>, vector<16xf32>,
        %get3A_175 = arith.constant 48 : index
        %get3A_176 = tpu.vector_load %arg13[%get3A_175] {strides = array<i32>} : memref<512xi32, #tpu.memory_space<vmem>>, vector<16xi32>,
        %eq3A_177 = vector.broadcast %reduce_max3A_145 : f32 to vector<16xf32>
        %eq3A_178 = arith.cmpf oeq, %get3A_174, %eq3A_177 : vector<16xf32>
        %jit3A_179 = arith.constant 2147483647 : i32
        %broadcast_in_dim3A_180 = vector.broadcast %jit3A_179 : i32 to vector<16xi32>
        %select_n3A_181 = arith.select %eq3A_178, %get3A_176, %broadcast_in_dim3A_180 : vector<16xi1>, vector<16xi32>
        %min3A_182 = arith.minsi %min3A_172, %select_n3A_181 : vector<16xi32>
        %get3A_183 = arith.constant 64 : index
        %get3A_184 = tpu.vector_load %arg12[%get3A_183] {strides = array<i32>} : memref<512xf32, #tpu.memory_space<vmem>>, vector<16xf32>,
        %get3A_185 = arith.constant 64 : index
        %get3A_186 = tpu.vector_load %arg13[%get3A_185] {strides = array<i32>} : memref<512xi32, #tpu.memory_space<vmem>>, vector<16xi32>,
        %eq3A_187 = vector.broadcast %reduce_max3A_145 : f32 to vector<16xf32>
        %eq3A_188 = arith.cmpf oeq, %get3A_184, %eq3A_187 : vector<16xf32>
        %jit3A_189 = arith.constant 2147483647 : i32
        %broadcast_in_dim3A_190 = vector.broadcast %jit3A_189 : i32 to vector<16xi32>
        %select_n3A_191 = arith.select %eq3A_188, %get3A_186, %broadcast_in_dim3A_190 : vector<16xi1>, vector<16xi32>
        %min3A_192 = arith.minsi %min3A_182, %select_n3A_191 : vector<16xi32>
        %get3A_193 = arith.constant 80 : index
        %get3A_194 = tpu.vector_load %arg12[%get3A_193] {strides = array<i32>} : memref<512xf32, #tpu.memory_space<vmem>>, vector<16xf32>,
        %get3A_195 = arith.constant 80 : index
        %get3A_196 = tpu.vector_load %arg13[%get3A_195] {strides = array<i32>} : memref<512xi32, #tpu.memory_space<vmem>>, vector<16xi32>,
        %eq3A_197 = vector.broadcast %reduce_max3A_145 : f32 to vector<16xf32>
        %eq3A_198 = arith.cmpf oeq, %get3A_194, %eq3A_197 : vector<16xf32>
        %jit3A_199 = arith.constant 2147483647 : i32
        %broadcast_in_dim3A_200 = vector.broadcast %jit3A_199 : i32 to vector<16xi32>
        %select_n3A_201 = arith.select %eq3A_198, %get3A_196, %broadcast_in_dim3A_200 : vector<16xi1>, vector<16xi32>
        %min3A_202 = arith.minsi %min3A_192, %select_n3A_201 : vector<16xi32>
        %get3A_203 = arith.constant 96 : index
        %get3A_204 = tpu.vector_load %arg12[%get3A_203] {strides = array<i32>} : memref<512xf32, #tpu.memory_space<vmem>>, vector<16xf32>,
        %get3A_205 = arith.constant 96 : index
        %get3A_206 = tpu.vector_load %arg13[%get3A_205] {strides = array<i32>} : memref<512xi32, #tpu.memory_space<vmem>>, vector<16xi32>,
        %eq3A_207 = vector.broadcast %reduce_max3A_145 : f32 to vector<16xf32>
        %eq3A_208 = arith.cmpf oeq, %get3A_204, %eq3A_207 : vector<16xf32>
        %jit3A_209 = arith.constant 2147483647 : i32
        %broadcast_in_dim3A_210 = vector.broadcast %jit3A_209 : i32 to vector<16xi32>
        %select_n3A_211 = arith.select %eq3A_208, %get3A_206, %broadcast_in_dim3A_210 : vector<16xi1>, vector<16xi32>
        %min3A_212 = arith.minsi %min3A_202, %select_n3A_211 : vector<16xi32>
        %get3A_213 = arith.constant 112 : index
        %get3A_214 = tpu.vector_load %arg12[%get3A_213] {strides = array<i32>} : memref<512xf32, #tpu.memory_space<vmem>>, vector<16xf32>,
        %get3A_215 = arith.constant 112 : index
        %get3A_216 = tpu.vector_load %arg13[%get3A_215] {strides = array<i32>} : memref<512xi32, #tpu.memory_space<vmem>>, vector<16xi32>,
        %eq3A_217 = vector.broadcast %reduce_max3A_145 : f32 to vector<16xf32>
        %eq3A_218 = arith.cmpf oeq, %get3A_214, %eq3A_217 : vector<16xf32>
        %jit3A_219 = arith.constant 2147483647 : i32
        %broadcast_in_dim3A_220 = vector.broadcast %jit3A_219 : i32 to vector<16xi32>
        %select_n3A_221 = arith.select %eq3A_218, %get3A_216, %broadcast_in_dim3A_220 : vector<16xi1>, vector<16xi32>
        %min3A_222 = arith.minsi %min3A_212, %select_n3A_221 : vector<16xi32>
        %get3A_223 = arith.constant 128 : index
        %get3A_224 = tpu.vector_load %arg12[%get3A_223] {strides = array<i32>} : memref<512xf32, #tpu.memory_space<vmem>>, vector<16xf32>,
        %get3A_225 = arith.constant 128 : index
        %get3A_226 = tpu.vector_load %arg13[%get3A_225] {strides = array<i32>} : memref<512xi32, #tpu.memory_space<vmem>>, vector<16xi32>,
        %eq3A_227 = vector.broadcast %reduce_max3A_145 : f32 to vector<16xf32>
        %eq3A_228 = arith.cmpf oeq, %get3A_224, %eq3A_227 : vector<16xf32>
        %jit3A_229 = arith.constant 2147483647 : i32
        %broadcast_in_dim3A_230 = vector.broadcast %jit3A_229 : i32 to vector<16xi32>
        %select_n3A_231 = arith.select %eq3A_228, %get3A_226, %broadcast_in_dim3A_230 : vector<16xi1>, vector<16xi32>
        %min3A_232 = arith.minsi %min3A_222, %select_n3A_231 : vector<16xi32>
        %get3A_233 = arith.constant 144 : index
        %get3A_234 = tpu.vector_load %arg12[%get3A_233] {strides = array<i32>} : memref<512xf32, #tpu.memory_space<vmem>>, vector<16xf32>,
        %get3A_235 = arith.constant 144 : index
        %get3A_236 = tpu.vector_load %arg13[%get3A_235] {strides = array<i32>} : memref<512xi32, #tpu.memory_space<vmem>>, vector<16xi32>,
        %eq3A_237 = vector.broadcast %reduce_max3A_145 : f32 to vector<16xf32>
        %eq3A_238 = arith.cmpf oeq, %get3A_234, %eq3A_237 : vector<16xf32>
        %jit3A_239 = arith.constant 2147483647 : i32
        %broadcast_in_dim3A_240 = vector.broadcast %jit3A_239 : i32 to vector<16xi32>
        %select_n3A_241 = arith.select %eq3A_238, %get3A_236, %broadcast_in_dim3A_240 : vector<16xi1>, vector<16xi32>
        %min3A_242 = arith.minsi %min3A_232, %select_n3A_241 : vector<16xi32>
        %get3A_243 = arith.constant 160 : index
        %get3A_244 = tpu.vector_load %arg12[%get3A_243] {strides = array<i32>} : memref<512xf32, #tpu.memory_space<vmem>>, vector<16xf32>,
        %get3A_245 = arith.constant 160 : index
        %get3A_246 = tpu.vector_load %arg13[%get3A_245] {strides = array<i32>} : memref<512xi32, #tpu.memory_space<vmem>>, vector<16xi32>,
        %eq3A_247 = vector.broadcast %reduce_max3A_145 : f32 to vector<16xf32>
        %eq3A_248 = arith.cmpf oeq, %get3A_244, %eq3A_247 : vector<16xf32>
        %jit3A_249 = arith.constant 2147483647 : i32
        %broadcast_in_dim3A_250 = vector.broadcast %jit3A_249 : i32 to vector<16xi32>
        %select_n3A_251 = arith.select %eq3A_248, %get3A_246, %broadcast_in_dim3A_250 : vector<16xi1>, vector<16xi32>
        %min3A_252 = arith.minsi %min3A_242, %select_n3A_251 : vector<16xi32>
        %get3A_253 = arith.constant 176 : index
        %get3A_254 = tpu.vector_load %arg12[%get3A_253] {strides = array<i32>} : memref<512xf32, #tpu.memory_space<vmem>>, vector<16xf32>,
        %get3A_255 = arith.constant 176 : index
        %get3A_256 = tpu.vector_load %arg13[%get3A_255] {strides = array<i32>} : memref<512xi32, #tpu.memory_space<vmem>>, vector<16xi32>,
        %eq3A_257 = vector.broadcast %reduce_max3A_145 : f32 to vector<16xf32>
        %eq3A_258 = arith.cmpf oeq, %get3A_254, %eq3A_257 : vector<16xf32>
        %jit3A_259 = arith.constant 2147483647 : i32
        %broadcast_in_dim3A_260 = vector.broadcast %jit3A_259 : i32 to vector<16xi32>
        %select_n3A_261 = arith.select %eq3A_258, %get3A_256, %broadcast_in_dim3A_260 : vector<16xi1>, vector<16xi32>
        %min3A_262 = arith.minsi %min3A_252, %select_n3A_261 : vector<16xi32>
        %get3A_263 = arith.constant 192 : index
        %get3A_264 = tpu.vector_load %arg12[%get3A_263] {strides = array<i32>} : memref<512xf32, #tpu.memory_space<vmem>>, vector<16xf32>,
        %get3A_265 = arith.constant 192 : index
        %get3A_266 = tpu.vector_load %arg13[%get3A_265] {strides = array<i32>} : memref<512xi32, #tpu.memory_space<vmem>>, vector<16xi32>,
        %eq3A_267 = vector.broadcast %reduce_max3A_145 : f32 to vector<16xf32>
        %eq3A_268 = arith.cmpf oeq, %get3A_264, %eq3A_267 : vector<16xf32>
        %jit3A_269 = arith.constant 2147483647 : i32
        %broadcast_in_dim3A_270 = vector.broadcast %jit3A_269 : i32 to vector<16xi32>
        %select_n3A_271 = arith.select %eq3A_268, %get3A_266, %broadcast_in_dim3A_270 : vector<16xi1>, vector<16xi32>
        %min3A_272 = arith.minsi %min3A_262, %select_n3A_271 : vector<16xi32>
        %get3A_273 = arith.constant 208 : index
        %get3A_274 = tpu.vector_load %arg12[%get3A_273] {strides = array<i32>} : memref<512xf32, #tpu.memory_space<vmem>>, vector<16xf32>,
        %get3A_275 = arith.constant 208 : index
        %get3A_276 = tpu.vector_load %arg13[%get3A_275] {strides = array<i32>} : memref<512xi32, #tpu.memory_space<vmem>>, vector<16xi32>,
        %eq3A_277 = vector.broadcast %reduce_max3A_145 : f32 to vector<16xf32>
        %eq3A_278 = arith.cmpf oeq, %get3A_274, %eq3A_277 : vector<16xf32>
        %jit3A_279 = arith.constant 2147483647 : i32
        %broadcast_in_dim3A_280 = vector.broadcast %jit3A_279 : i32 to vector<16xi32>
        %select_n3A_281 = arith.select %eq3A_278, %get3A_276, %broadcast_in_dim3A_280 : vector<16xi1>, vector<16xi32>
        %min3A_282 = arith.minsi %min3A_272, %select_n3A_281 : vector<16xi32>
        %get3A_283 = arith.constant 224 : index
        %get3A_284 = tpu.vector_load %arg12[%get3A_283] {strides = array<i32>} : memref<512xf32, #tpu.memory_space<vmem>>, vector<16xf32>,
        %get3A_285 = arith.constant 224 : index
        %get3A_286 = tpu.vector_load %arg13[%get3A_285] {strides = array<i32>} : memref<512xi32, #tpu.memory_space<vmem>>, vector<16xi32>,
        %eq3A_287 = vector.broadcast %reduce_max3A_145 : f32 to vector<16xf32>
        %eq3A_288 = arith.cmpf oeq, %get3A_284, %eq3A_287 : vector<16xf32>
        %jit3A_289 = arith.constant 2147483647 : i32
        %broadcast_in_dim3A_290 = vector.broadcast %jit3A_289 : i32 to vector<16xi32>
        %select_n3A_291 = arith.select %eq3A_288, %get3A_286, %broadcast_in_dim3A_290 : vector<16xi1>, vector<16xi32>
        %min3A_292 = arith.minsi %min3A_282, %select_n3A_291 : vector<16xi32>
        %get3A_293 = arith.constant 240 : index
        %get3A_294 = tpu.vector_load %arg12[%get3A_293] {strides = array<i32>} : memref<512xf32, #tpu.memory_space<vmem>>, vector<16xf32>,
        %get3A_295 = arith.constant 240 : index
        %get3A_296 = tpu.vector_load %arg13[%get3A_295] {strides = array<i32>} : memref<512xi32, #tpu.memory_space<vmem>>, vector<16xi32>,
        %eq3A_297 = vector.broadcast %reduce_max3A_145 : f32 to vector<16xf32>
        %eq3A_298 = arith.cmpf oeq, %get3A_294, %eq3A_297 : vector<16xf32>
        %jit3A_299 = arith.constant 2147483647 : i32
        %broadcast_in_dim3A_300 = vector.broadcast %jit3A_299 : i32 to vector<16xi32>
        %select_n3A_301 = arith.select %eq3A_298, %get3A_296, %broadcast_in_dim3A_300 : vector<16xi1>, vector<16xi32>
        %min3A_302 = arith.minsi %min3A_292, %select_n3A_301 : vector<16xi32>
        %get3A_303 = arith.constant 256 : index
        %get3A_304 = tpu.vector_load %arg12[%get3A_303] {strides = array<i32>} : memref<512xf32, #tpu.memory_space<vmem>>, vector<16xf32>,
        %get3A_305 = arith.constant 256 : index
        %get3A_306 = tpu.vector_load %arg13[%get3A_305] {strides = array<i32>} : memref<512xi32, #tpu.memory_space<vmem>>, vector<16xi32>,
        %eq3A_307 = vector.broadcast %reduce_max3A_145 : f32 to vector<16xf32>
        %eq3A_308 = arith.cmpf oeq, %get3A_304, %eq3A_307 : vector<16xf32>
        %jit3A_309 = arith.constant 2147483647 : i32
        %broadcast_in_dim3A_310 = vector.broadcast %jit3A_309 : i32 to vector<16xi32>
        %select_n3A_311 = arith.select %eq3A_308, %get3A_306, %broadcast_in_dim3A_310 : vector<16xi1>, vector<16xi32>
        %min3A_312 = arith.minsi %min3A_302, %select_n3A_311 : vector<16xi32>
        %get3A_313 = arith.constant 272 : index
        %get3A_314 = tpu.vector_load %arg12[%get3A_313] {strides = array<i32>} : memref<512xf32, #tpu.memory_space<vmem>>, vector<16xf32>,
        %get3A_315 = arith.constant 272 : index
        %get3A_316 = tpu.vector_load %arg13[%get3A_315] {strides = array<i32>} : memref<512xi32, #tpu.memory_space<vmem>>, vector<16xi32>,
        %eq3A_317 = vector.broadcast %reduce_max3A_145 : f32 to vector<16xf32>
        %eq3A_318 = arith.cmpf oeq, %get3A_314, %eq3A_317 : vector<16xf32>
        %jit3A_319 = arith.constant 2147483647 : i32
        %broadcast_in_dim3A_320 = vector.broadcast %jit3A_319 : i32 to vector<16xi32>
        %select_n3A_321 = arith.select %eq3A_318, %get3A_316, %broadcast_in_dim3A_320 : vector<16xi1>, vector<16xi32>
        %min3A_322 = arith.minsi %min3A_312, %select_n3A_321 : vector<16xi32>
        %get3A_323 = arith.constant 288 : index
        %get3A_324 = tpu.vector_load %arg12[%get3A_323] {strides = array<i32>} : memref<512xf32, #tpu.memory_space<vmem>>, vector<16xf32>,
        %get3A_325 = arith.constant 288 : index
        %get3A_326 = tpu.vector_load %arg13[%get3A_325] {strides = array<i32>} : memref<512xi32, #tpu.memory_space<vmem>>, vector<16xi32>,
        %eq3A_327 = vector.broadcast %reduce_max3A_145 : f32 to vector<16xf32>
        %eq3A_328 = arith.cmpf oeq, %get3A_324, %eq3A_327 : vector<16xf32>
        %jit3A_329 = arith.constant 2147483647 : i32
        %broadcast_in_dim3A_330 = vector.broadcast %jit3A_329 : i32 to vector<16xi32>
        %select_n3A_331 = arith.select %eq3A_328, %get3A_326, %broadcast_in_dim3A_330 : vector<16xi1>, vector<16xi32>
        %min3A_332 = arith.minsi %min3A_322, %select_n3A_331 : vector<16xi32>
        %get3A_333 = arith.constant 304 : index
        %get3A_334 = tpu.vector_load %arg12[%get3A_333] {strides = array<i32>} : memref<512xf32, #tpu.memory_space<vmem>>, vector<16xf32>,
        %get3A_335 = arith.constant 304 : index
        %get3A_336 = tpu.vector_load %arg13[%get3A_335] {strides = array<i32>} : memref<512xi32, #tpu.memory_space<vmem>>, vector<16xi32>,
        %eq3A_337 = vector.broadcast %reduce_max3A_145 : f32 to vector<16xf32>
        %eq3A_338 = arith.cmpf oeq, %get3A_334, %eq3A_337 : vector<16xf32>
        %jit3A_339 = arith.constant 2147483647 : i32
        %broadcast_in_dim3A_340 = vector.broadcast %jit3A_339 : i32 to vector<16xi32>
        %select_n3A_341 = arith.select %eq3A_338, %get3A_336, %broadcast_in_dim3A_340 : vector<16xi1>, vector<16xi32>
        %min3A_342 = arith.minsi %min3A_332, %select_n3A_341 : vector<16xi32>
        %get3A_343 = arith.constant 320 : index
        %get3A_344 = tpu.vector_load %arg12[%get3A_343] {strides = array<i32>} : memref<512xf32, #tpu.memory_space<vmem>>, vector<16xf32>,
        %get3A_345 = arith.constant 320 : index
        %get3A_346 = tpu.vector_load %arg13[%get3A_345] {strides = array<i32>} : memref<512xi32, #tpu.memory_space<vmem>>, vector<16xi32>,
        %eq3A_347 = vector.broadcast %reduce_max3A_145 : f32 to vector<16xf32>
        %eq3A_348 = arith.cmpf oeq, %get3A_344, %eq3A_347 : vector<16xf32>
        %jit3A_349 = arith.constant 2147483647 : i32
        %broadcast_in_dim3A_350 = vector.broadcast %jit3A_349 : i32 to vector<16xi32>
        %select_n3A_351 = arith.select %eq3A_348, %get3A_346, %broadcast_in_dim3A_350 : vector<16xi1>, vector<16xi32>
        %min3A_352 = arith.minsi %min3A_342, %select_n3A_351 : vector<16xi32>
        %get3A_353 = arith.constant 336 : index
        %get3A_354 = tpu.vector_load %arg12[%get3A_353] {strides = array<i32>} : memref<512xf32, #tpu.memory_space<vmem>>, vector<16xf32>,
        %get3A_355 = arith.constant 336 : index
        %get3A_356 = tpu.vector_load %arg13[%get3A_355] {strides = array<i32>} : memref<512xi32, #tpu.memory_space<vmem>>, vector<16xi32>,
        %eq3A_357 = vector.broadcast %reduce_max3A_145 : f32 to vector<16xf32>
        %eq3A_358 = arith.cmpf oeq, %get3A_354, %eq3A_357 : vector<16xf32>
        %jit3A_359 = arith.constant 2147483647 : i32
        %broadcast_in_dim3A_360 = vector.broadcast %jit3A_359 : i32 to vector<16xi32>
        %select_n3A_361 = arith.select %eq3A_358, %get3A_356, %broadcast_in_dim3A_360 : vector<16xi1>, vector<16xi32>
        %min3A_362 = arith.minsi %min3A_352, %select_n3A_361 : vector<16xi32>
        %get3A_363 = arith.constant 352 : index
        %get3A_364 = tpu.vector_load %arg12[%get3A_363] {strides = array<i32>} : memref<512xf32, #tpu.memory_space<vmem>>, vector<16xf32>,
        %get3A_365 = arith.constant 352 : index
        %get3A_366 = tpu.vector_load %arg13[%get3A_365] {strides = array<i32>} : memref<512xi32, #tpu.memory_space<vmem>>, vector<16xi32>,
        %eq3A_367 = vector.broadcast %reduce_max3A_145 : f32 to vector<16xf32>
        %eq3A_368 = arith.cmpf oeq, %get3A_364, %eq3A_367 : vector<16xf32>
        %jit3A_369 = arith.constant 2147483647 : i32
        %broadcast_in_dim3A_370 = vector.broadcast %jit3A_369 : i32 to vector<16xi32>
        %select_n3A_371 = arith.select %eq3A_368, %get3A_366, %broadcast_in_dim3A_370 : vector<16xi1>, vector<16xi32>
        %min3A_372 = arith.minsi %min3A_362, %select_n3A_371 : vector<16xi32>
        %get3A_373 = arith.constant 368 : index
        %get3A_374 = tpu.vector_load %arg12[%get3A_373] {strides = array<i32>} : memref<512xf32, #tpu.memory_space<vmem>>, vector<16xf32>,
        %get3A_375 = arith.constant 368 : index
        %get3A_376 = tpu.vector_load %arg13[%get3A_375] {strides = array<i32>} : memref<512xi32, #tpu.memory_space<vmem>>, vector<16xi32>,
        %eq3A_377 = vector.broadcast %reduce_max3A_145 : f32 to vector<16xf32>
        %eq3A_378 = arith.cmpf oeq, %get3A_374, %eq3A_377 : vector<16xf32>
        %jit3A_379 = arith.constant 2147483647 : i32
        %broadcast_in_dim3A_380 = vector.broadcast %jit3A_379 : i32 to vector<16xi32>
        %select_n3A_381 = arith.select %eq3A_378, %get3A_376, %broadcast_in_dim3A_380 : vector<16xi1>, vector<16xi32>
        %min3A_382 = arith.minsi %min3A_372, %select_n3A_381 : vector<16xi32>
        %get3A_383 = arith.constant 384 : index
        %get3A_384 = tpu.vector_load %arg12[%get3A_383] {strides = array<i32>} : memref<512xf32, #tpu.memory_space<vmem>>, vector<16xf32>,
        %get3A_385 = arith.constant 384 : index
        %get3A_386 = tpu.vector_load %arg13[%get3A_385] {strides = array<i32>} : memref<512xi32, #tpu.memory_space<vmem>>, vector<16xi32>,
        %eq3A_387 = vector.broadcast %reduce_max3A_145 : f32 to vector<16xf32>
        %eq3A_388 = arith.cmpf oeq, %get3A_384, %eq3A_387 : vector<16xf32>
        %jit3A_389 = arith.constant 2147483647 : i32
        %broadcast_in_dim3A_390 = vector.broadcast %jit3A_389 : i32 to vector<16xi32>
        %select_n3A_391 = arith.select %eq3A_388, %get3A_386, %broadcast_in_dim3A_390 : vector<16xi1>, vector<16xi32>
        %min3A_392 = arith.minsi %min3A_382, %select_n3A_391 : vector<16xi32>
        %get3A_393 = arith.constant 400 : index
        %get3A_394 = tpu.vector_load %arg12[%get3A_393] {strides = array<i32>} : memref<512xf32, #tpu.memory_space<vmem>>, vector<16xf32>,
        %get3A_395 = arith.constant 400 : index
        %get3A_396 = tpu.vector_load %arg13[%get3A_395] {strides = array<i32>} : memref<512xi32, #tpu.memory_space<vmem>>, vector<16xi32>,
        %eq3A_397 = vector.broadcast %reduce_max3A_145 : f32 to vector<16xf32>
        %eq3A_398 = arith.cmpf oeq, %get3A_394, %eq3A_397 : vector<16xf32>
        %jit3A_399 = arith.constant 2147483647 : i32
        %broadcast_in_dim3A_400 = vector.broadcast %jit3A_399 : i32 to vector<16xi32>
        %select_n3A_401 = arith.select %eq3A_398, %get3A_396, %broadcast_in_dim3A_400 : vector<16xi1>, vector<16xi32>
        %min3A_402 = arith.minsi %min3A_392, %select_n3A_401 : vector<16xi32>
        %get3A_403 = arith.constant 416 : index
        %get3A_404 = tpu.vector_load %arg12[%get3A_403] {strides = array<i32>} : memref<512xf32, #tpu.memory_space<vmem>>, vector<16xf32>,
        %get3A_405 = arith.constant 416 : index
        %get3A_406 = tpu.vector_load %arg13[%get3A_405] {strides = array<i32>} : memref<512xi32, #tpu.memory_space<vmem>>, vector<16xi32>,
        %eq3A_407 = vector.broadcast %reduce_max3A_145 : f32 to vector<16xf32>
        %eq3A_408 = arith.cmpf oeq, %get3A_404, %eq3A_407 : vector<16xf32>
        %jit3A_409 = arith.constant 2147483647 : i32
        %broadcast_in_dim3A_410 = vector.broadcast %jit3A_409 : i32 to vector<16xi32>
        %select_n3A_411 = arith.select %eq3A_408, %get3A_406, %broadcast_in_dim3A_410 : vector<16xi1>, vector<16xi32>
        %min3A_412 = arith.minsi %min3A_402, %select_n3A_411 : vector<16xi32>
        %get3A_413 = arith.constant 432 : index
        %get3A_414 = tpu.vector_load %arg12[%get3A_413] {strides = array<i32>} : memref<512xf32, #tpu.memory_space<vmem>>, vector<16xf32>,
        %get3A_415 = arith.constant 432 : index
        %get3A_416 = tpu.vector_load %arg13[%get3A_415] {strides = array<i32>} : memref<512xi32, #tpu.memory_space<vmem>>, vector<16xi32>,
        %eq3A_417 = vector.broadcast %reduce_max3A_145 : f32 to vector<16xf32>
        %eq3A_418 = arith.cmpf oeq, %get3A_414, %eq3A_417 : vector<16xf32>
        %jit3A_419 = arith.constant 2147483647 : i32
        %broadcast_in_dim3A_420 = vector.broadcast %jit3A_419 : i32 to vector<16xi32>
        %select_n3A_421 = arith.select %eq3A_418, %get3A_416, %broadcast_in_dim3A_420 : vector<16xi1>, vector<16xi32>
        %min3A_422 = arith.minsi %min3A_412, %select_n3A_421 : vector<16xi32>
        %get3A_423 = arith.constant 448 : index
        %get3A_424 = tpu.vector_load %arg12[%get3A_423] {strides = array<i32>} : memref<512xf32, #tpu.memory_space<vmem>>, vector<16xf32>,
        %get3A_425 = arith.constant 448 : index
        %get3A_426 = tpu.vector_load %arg13[%get3A_425] {strides = array<i32>} : memref<512xi32, #tpu.memory_space<vmem>>, vector<16xi32>,
        %eq3A_427 = vector.broadcast %reduce_max3A_145 : f32 to vector<16xf32>
        %eq3A_428 = arith.cmpf oeq, %get3A_424, %eq3A_427 : vector<16xf32>
        %jit3A_429 = arith.constant 2147483647 : i32
        %broadcast_in_dim3A_430 = vector.broadcast %jit3A_429 : i32 to vector<16xi32>
        %select_n3A_431 = arith.select %eq3A_428, %get3A_426, %broadcast_in_dim3A_430 : vector<16xi1>, vector<16xi32>
        %min3A_432 = arith.minsi %min3A_422, %select_n3A_431 : vector<16xi32>
        %get3A_433 = arith.constant 464 : index
        %get3A_434 = tpu.vector_load %arg12[%get3A_433] {strides = array<i32>} : memref<512xf32, #tpu.memory_space<vmem>>, vector<16xf32>,
        %get3A_435 = arith.constant 464 : index
        %get3A_436 = tpu.vector_load %arg13[%get3A_435] {strides = array<i32>} : memref<512xi32, #tpu.memory_space<vmem>>, vector<16xi32>,
        %eq3A_437 = vector.broadcast %reduce_max3A_145 : f32 to vector<16xf32>
        %eq3A_438 = arith.cmpf oeq, %get3A_434, %eq3A_437 : vector<16xf32>
        %jit3A_439 = arith.constant 2147483647 : i32
        %broadcast_in_dim3A_440 = vector.broadcast %jit3A_439 : i32 to vector<16xi32>
        %select_n3A_441 = arith.select %eq3A_438, %get3A_436, %broadcast_in_dim3A_440 : vector<16xi1>, vector<16xi32>
        %min3A_442 = arith.minsi %min3A_432, %select_n3A_441 : vector<16xi32>
        %get3A_443 = arith.constant 480 : index
        %get3A_444 = tpu.vector_load %arg12[%get3A_443] {strides = array<i32>} : memref<512xf32, #tpu.memory_space<vmem>>, vector<16xf32>,
        %get3A_445 = arith.constant 480 : index
        %get3A_446 = tpu.vector_load %arg13[%get3A_445] {strides = array<i32>} : memref<512xi32, #tpu.memory_space<vmem>>, vector<16xi32>,
        %eq3A_447 = vector.broadcast %reduce_max3A_145 : f32 to vector<16xf32>
        %eq3A_448 = arith.cmpf oeq, %get3A_444, %eq3A_447 : vector<16xf32>
        %jit3A_449 = arith.constant 2147483647 : i32
        %broadcast_in_dim3A_450 = vector.broadcast %jit3A_449 : i32 to vector<16xi32>
        %select_n3A_451 = arith.select %eq3A_448, %get3A_446, %broadcast_in_dim3A_450 : vector<16xi1>, vector<16xi32>
        %min3A_452 = arith.minsi %min3A_442, %select_n3A_451 : vector<16xi32>
        %get3A_453 = arith.constant 496 : index
        %get3A_454 = tpu.vector_load %arg12[%get3A_453] {strides = array<i32>} : memref<512xf32, #tpu.memory_space<vmem>>, vector<16xf32>,
        %get3A_455 = arith.constant 496 : index
        %get3A_456 = tpu.vector_load %arg13[%get3A_455] {strides = array<i32>} : memref<512xi32, #tpu.memory_space<vmem>>, vector<16xi32>,
        %eq3A_457 = vector.broadcast %reduce_max3A_145 : f32 to vector<16xf32>
        %eq3A_458 = arith.cmpf oeq, %get3A_454, %eq3A_457 : vector<16xf32>
        %jit3A_459 = arith.constant 2147483647 : i32
        %broadcast_in_dim3A_460 = vector.broadcast %jit3A_459 : i32 to vector<16xi32>
        %select_n3A_461 = arith.select %eq3A_458, %get3A_456, %broadcast_in_dim3A_460 : vector<16xi1>, vector<16xi32>
        %min3A_462 = arith.minsi %min3A_452, %select_n3A_461 : vector<16xi32>
        %reduce_min3A = arith.constant true
        %reduce_min3A_463 = vector.broadcast %reduce_min3A : i1 to vector<16xi1>
        %reduce_min3A_464 = arith.constant -2147483648 : i32
        %reduce_min3A_465 = vector.broadcast %reduce_min3A_464 : i32 to vector<16xi32>
        %reduce_min3A_466 = arith.xori %min3A_462, %reduce_min3A_465 : vector<16xi32>
        %reduce_min3A_467 = tpu.scan <min>, %reduce_min3A_466 masked %reduce_min3A_463 : vector<16xi32>, vector<16xi1> -> vector<16xi32>
        %reduce_min3A_468 = arith.xori %reduce_min3A_467, %reduce_min3A_465 : vector<16xi32>
        %reduce_min3A_469 = vector.extract %reduce_min3A_468[15] : i32 from vector<16xi32>
        %get3A_470 = arith.constant 0 : index
        %get3A_471 = tpu.vector_load %arg12[%get3A_470] {strides = array<i32>} : memref<512xf32, #tpu.memory_space<vmem>>, vector<16xf32>,
        %get3A_472 = arith.constant 0 : index
        %get3A_473 = tpu.vector_load %arg13[%get3A_472] {strides = array<i32>} : memref<512xi32, #tpu.memory_space<vmem>>, vector<16xi32>,
        %eq3A_474 = vector.broadcast %reduce_max3A_145 : f32 to vector<16xf32>
        %eq3A_475 = arith.cmpf oeq, %get3A_471, %eq3A_474 : vector<16xf32>
        %eq3A_476 = vector.broadcast %reduce_min3A_469 : i32 to vector<16xi32>
        %eq3A_477 = arith.cmpi eq, %get3A_473, %eq3A_476 : vector<16xi32>
        %and3A_478 = arith.andi %eq3A_475, %eq3A_477 : vector<16xi1>
        %jit3A_479 = arith.constant 0xFF800000 : f32
        %broadcast_in_dim3A_480 = vector.broadcast %jit3A_479 : f32 to vector<16xf32>
        %select_n3A_481 = arith.select %and3A_478, %broadcast_in_dim3A_480, %get3A_471 : vector<16xi1>, vector<16xf32>
        %swap3A_482 = arith.constant 0 : index
        %swap3A_483 = tpu.vector_load %arg12[%swap3A_482] {strides = array<i32>} : memref<512xf32, #tpu.memory_space<vmem>>, vector<16xf32>,
        tpu.vector_store %arg12[%swap3A_482], %select_n3A_481 {strides = array<i32>} : memref<512xf32, #tpu.memory_space<vmem>>, vector<16xf32>,
        %get3A_484 = arith.constant 16 : index
        %get3A_485 = tpu.vector_load %arg12[%get3A_484] {strides = array<i32>} : memref<512xf32, #tpu.memory_space<vmem>>, vector<16xf32>,
        %get3A_486 = arith.constant 16 : index
        %get3A_487 = tpu.vector_load %arg13[%get3A_486] {strides = array<i32>} : memref<512xi32, #tpu.memory_space<vmem>>, vector<16xi32>,
        %eq3A_488 = vector.broadcast %reduce_max3A_145 : f32 to vector<16xf32>
        %eq3A_489 = arith.cmpf oeq, %get3A_485, %eq3A_488 : vector<16xf32>
        %eq3A_490 = vector.broadcast %reduce_min3A_469 : i32 to vector<16xi32>
        %eq3A_491 = arith.cmpi eq, %get3A_487, %eq3A_490 : vector<16xi32>
        %and3A_492 = arith.andi %eq3A_489, %eq3A_491 : vector<16xi1>
        %jit3A_493 = arith.constant 0xFF800000 : f32
        %broadcast_in_dim3A_494 = vector.broadcast %jit3A_493 : f32 to vector<16xf32>
        %select_n3A_495 = arith.select %and3A_492, %broadcast_in_dim3A_494, %get3A_485 : vector<16xi1>, vector<16xf32>
        %swap3A_496 = arith.constant 16 : index
        %swap3A_497 = tpu.vector_load %arg12[%swap3A_496] {strides = array<i32>} : memref<512xf32, #tpu.memory_space<vmem>>, vector<16xf32>,
        tpu.vector_store %arg12[%swap3A_496], %select_n3A_495 {strides = array<i32>} : memref<512xf32, #tpu.memory_space<vmem>>, vector<16xf32>,
        %get3A_498 = arith.constant 32 : index
        %get3A_499 = tpu.vector_load %arg12[%get3A_498] {strides = array<i32>} : memref<512xf32, #tpu.memory_space<vmem>>, vector<16xf32>,
        %get3A_500 = arith.constant 32 : index
        %get3A_501 = tpu.vector_load %arg13[%get3A_500] {strides = array<i32>} : memref<512xi32, #tpu.memory_space<vmem>>, vector<16xi32>,
        %eq3A_502 = vector.broadcast %reduce_max3A_145 : f32 to vector<16xf32>
        %eq3A_503 = arith.cmpf oeq, %get3A_499, %eq3A_502 : vector<16xf32>
        %eq3A_504 = vector.broadcast %reduce_min3A_469 : i32 to vector<16xi32>
        %eq3A_505 = arith.cmpi eq, %get3A_501, %eq3A_504 : vector<16xi32>
        %and3A_506 = arith.andi %eq3A_503, %eq3A_505 : vector<16xi1>
        %jit3A_507 = arith.constant 0xFF800000 : f32
        %broadcast_in_dim3A_508 = vector.broadcast %jit3A_507 : f32 to vector<16xf32>
        %select_n3A_509 = arith.select %and3A_506, %broadcast_in_dim3A_508, %get3A_499 : vector<16xi1>, vector<16xf32>
        %swap3A_510 = arith.constant 32 : index
        %swap3A_511 = tpu.vector_load %arg12[%swap3A_510] {strides = array<i32>} : memref<512xf32, #tpu.memory_space<vmem>>, vector<16xf32>,
        tpu.vector_store %arg12[%swap3A_510], %select_n3A_509 {strides = array<i32>} : memref<512xf32, #tpu.memory_space<vmem>>, vector<16xf32>,
        %get3A_512 = arith.constant 48 : index
        %get3A_513 = tpu.vector_load %arg12[%get3A_512] {strides = array<i32>} : memref<512xf32, #tpu.memory_space<vmem>>, vector<16xf32>,
        %get3A_514 = arith.constant 48 : index
        %get3A_515 = tpu.vector_load %arg13[%get3A_514] {strides = array<i32>} : memref<512xi32, #tpu.memory_space<vmem>>, vector<16xi32>,
        %eq3A_516 = vector.broadcast %reduce_max3A_145 : f32 to vector<16xf32>
        %eq3A_517 = arith.cmpf oeq, %get3A_513, %eq3A_516 : vector<16xf32>
        %eq3A_518 = vector.broadcast %reduce_min3A_469 : i32 to vector<16xi32>
        %eq3A_519 = arith.cmpi eq, %get3A_515, %eq3A_518 : vector<16xi32>
        %and3A_520 = arith.andi %eq3A_517, %eq3A_519 : vector<16xi1>
        %jit3A_521 = arith.constant 0xFF800000 : f32
        %broadcast_in_dim3A_522 = vector.broadcast %jit3A_521 : f32 to vector<16xf32>
        %select_n3A_523 = arith.select %and3A_520, %broadcast_in_dim3A_522, %get3A_513 : vector<16xi1>, vector<16xf32>
        %swap3A_524 = arith.constant 48 : index
        %swap3A_525 = tpu.vector_load %arg12[%swap3A_524] {strides = array<i32>} : memref<512xf32, #tpu.memory_space<vmem>>, vector<16xf32>,
        tpu.vector_store %arg12[%swap3A_524], %select_n3A_523 {strides = array<i32>} : memref<512xf32, #tpu.memory_space<vmem>>, vector<16xf32>,
        %get3A_526 = arith.constant 64 : index
        %get3A_527 = tpu.vector_load %arg12[%get3A_526] {strides = array<i32>} : memref<512xf32, #tpu.memory_space<vmem>>, vector<16xf32>,
        %get3A_528 = arith.constant 64 : index
        %get3A_529 = tpu.vector_load %arg13[%get3A_528] {strides = array<i32>} : memref<512xi32, #tpu.memory_space<vmem>>, vector<16xi32>,
        %eq3A_530 = vector.broadcast %reduce_max3A_145 : f32 to vector<16xf32>
        %eq3A_531 = arith.cmpf oeq, %get3A_527, %eq3A_530 : vector<16xf32>
        %eq3A_532 = vector.broadcast %reduce_min3A_469 : i32 to vector<16xi32>
        %eq3A_533 = arith.cmpi eq, %get3A_529, %eq3A_532 : vector<16xi32>
        %and3A_534 = arith.andi %eq3A_531, %eq3A_533 : vector<16xi1>
        %jit3A_535 = arith.constant 0xFF800000 : f32
        %broadcast_in_dim3A_536 = vector.broadcast %jit3A_535 : f32 to vector<16xf32>
        %select_n3A_537 = arith.select %and3A_534, %broadcast_in_dim3A_536, %get3A_527 : vector<16xi1>, vector<16xf32>
        %swap3A_538 = arith.constant 64 : index
        %swap3A_539 = tpu.vector_load %arg12[%swap3A_538] {strides = array<i32>} : memref<512xf32, #tpu.memory_space<vmem>>, vector<16xf32>,
        tpu.vector_store %arg12[%swap3A_538], %select_n3A_537 {strides = array<i32>} : memref<512xf32, #tpu.memory_space<vmem>>, vector<16xf32>,
        %get3A_540 = arith.constant 80 : index
        %get3A_541 = tpu.vector_load %arg12[%get3A_540] {strides = array<i32>} : memref<512xf32, #tpu.memory_space<vmem>>, vector<16xf32>,
        %get3A_542 = arith.constant 80 : index
        %get3A_543 = tpu.vector_load %arg13[%get3A_542] {strides = array<i32>} : memref<512xi32, #tpu.memory_space<vmem>>, vector<16xi32>,
        %eq3A_544 = vector.broadcast %reduce_max3A_145 : f32 to vector<16xf32>
        %eq3A_545 = arith.cmpf oeq, %get3A_541, %eq3A_544 : vector<16xf32>
        %eq3A_546 = vector.broadcast %reduce_min3A_469 : i32 to vector<16xi32>
        %eq3A_547 = arith.cmpi eq, %get3A_543, %eq3A_546 : vector<16xi32>
        %and3A_548 = arith.andi %eq3A_545, %eq3A_547 : vector<16xi1>
        %jit3A_549 = arith.constant 0xFF800000 : f32
        %broadcast_in_dim3A_550 = vector.broadcast %jit3A_549 : f32 to vector<16xf32>
        %select_n3A_551 = arith.select %and3A_548, %broadcast_in_dim3A_550, %get3A_541 : vector<16xi1>, vector<16xf32>
        %swap3A_552 = arith.constant 80 : index
        %swap3A_553 = tpu.vector_load %arg12[%swap3A_552] {strides = array<i32>} : memref<512xf32, #tpu.memory_space<vmem>>, vector<16xf32>,
        tpu.vector_store %arg12[%swap3A_552], %select_n3A_551 {strides = array<i32>} : memref<512xf32, #tpu.memory_space<vmem>>, vector<16xf32>,
        %get3A_554 = arith.constant 96 : index
        %get3A_555 = tpu.vector_load %arg12[%get3A_554] {strides = array<i32>} : memref<512xf32, #tpu.memory_space<vmem>>, vector<16xf32>,
        %get3A_556 = arith.constant 96 : index
        %get3A_557 = tpu.vector_load %arg13[%get3A_556] {strides = array<i32>} : memref<512xi32, #tpu.memory_space<vmem>>, vector<16xi32>,
        %eq3A_558 = vector.broadcast %reduce_max3A_145 : f32 to vector<16xf32>
        %eq3A_559 = arith.cmpf oeq, %get3A_555, %eq3A_558 : vector<16xf32>
        %eq3A_560 = vector.broadcast %reduce_min3A_469 : i32 to vector<16xi32>
        %eq3A_561 = arith.cmpi eq, %get3A_557, %eq3A_560 : vector<16xi32>
        %and3A_562 = arith.andi %eq3A_559, %eq3A_561 : vector<16xi1>
        %jit3A_563 = arith.constant 0xFF800000 : f32
        %broadcast_in_dim3A_564 = vector.broadcast %jit3A_563 : f32 to vector<16xf32>
        %select_n3A_565 = arith.select %and3A_562, %broadcast_in_dim3A_564, %get3A_555 : vector<16xi1>, vector<16xf32>
        %swap3A_566 = arith.constant 96 : index
        %swap3A_567 = tpu.vector_load %arg12[%swap3A_566] {strides = array<i32>} : memref<512xf32, #tpu.memory_space<vmem>>, vector<16xf32>,
        tpu.vector_store %arg12[%swap3A_566], %select_n3A_565 {strides = array<i32>} : memref<512xf32, #tpu.memory_space<vmem>>, vector<16xf32>,
        %get3A_568 = arith.constant 112 : index
        %get3A_569 = tpu.vector_load %arg12[%get3A_568] {strides = array<i32>} : memref<512xf32, #tpu.memory_space<vmem>>, vector<16xf32>,
        %get3A_570 = arith.constant 112 : index
        %get3A_571 = tpu.vector_load %arg13[%get3A_570] {strides = array<i32>} : memref<512xi32, #tpu.memory_space<vmem>>, vector<16xi32>,
        %eq3A_572 = vector.broadcast %reduce_max3A_145 : f32 to vector<16xf32>
        %eq3A_573 = arith.cmpf oeq, %get3A_569, %eq3A_572 : vector<16xf32>
        %eq3A_574 = vector.broadcast %reduce_min3A_469 : i32 to vector<16xi32>
        %eq3A_575 = arith.cmpi eq, %get3A_571, %eq3A_574 : vector<16xi32>
        %and3A_576 = arith.andi %eq3A_573, %eq3A_575 : vector<16xi1>
        %jit3A_577 = arith.constant 0xFF800000 : f32
        %broadcast_in_dim3A_578 = vector.broadcast %jit3A_577 : f32 to vector<16xf32>
        %select_n3A_579 = arith.select %and3A_576, %broadcast_in_dim3A_578, %get3A_569 : vector<16xi1>, vector<16xf32>
        %swap3A_580 = arith.constant 112 : index
        %swap3A_581 = tpu.vector_load %arg12[%swap3A_580] {strides = array<i32>} : memref<512xf32, #tpu.memory_space<vmem>>, vector<16xf32>,
        tpu.vector_store %arg12[%swap3A_580], %select_n3A_579 {strides = array<i32>} : memref<512xf32, #tpu.memory_space<vmem>>, vector<16xf32>,
        %get3A_582 = arith.constant 128 : index
        %get3A_583 = tpu.vector_load %arg12[%get3A_582] {strides = array<i32>} : memref<512xf32, #tpu.memory_space<vmem>>, vector<16xf32>,
        %get3A_584 = arith.constant 128 : index
        %get3A_585 = tpu.vector_load %arg13[%get3A_584] {strides = array<i32>} : memref<512xi32, #tpu.memory_space<vmem>>, vector<16xi32>,
        %eq3A_586 = vector.broadcast %reduce_max3A_145 : f32 to vector<16xf32>
        %eq3A_587 = arith.cmpf oeq, %get3A_583, %eq3A_586 : vector<16xf32>
        %eq3A_588 = vector.broadcast %reduce_min3A_469 : i32 to vector<16xi32>
        %eq3A_589 = arith.cmpi eq, %get3A_585, %eq3A_588 : vector<16xi32>
        %and3A_590 = arith.andi %eq3A_587, %eq3A_589 : vector<16xi1>
        %jit3A_591 = arith.constant 0xFF800000 : f32
        %broadcast_in_dim3A_592 = vector.broadcast %jit3A_591 : f32 to vector<16xf32>
        %select_n3A_593 = arith.select %and3A_590, %broadcast_in_dim3A_592, %get3A_583 : vector<16xi1>, vector<16xf32>
        %swap3A_594 = arith.constant 128 : index
        %swap3A_595 = tpu.vector_load %arg12[%swap3A_594] {strides = array<i32>} : memref<512xf32, #tpu.memory_space<vmem>>, vector<16xf32>,
        tpu.vector_store %arg12[%swap3A_594], %select_n3A_593 {strides = array<i32>} : memref<512xf32, #tpu.memory_space<vmem>>, vector<16xf32>,
        %get3A_596 = arith.constant 144 : index
        %get3A_597 = tpu.vector_load %arg12[%get3A_596] {strides = array<i32>} : memref<512xf32, #tpu.memory_space<vmem>>, vector<16xf32>,
        %get3A_598 = arith.constant 144 : index
        %get3A_599 = tpu.vector_load %arg13[%get3A_598] {strides = array<i32>} : memref<512xi32, #tpu.memory_space<vmem>>, vector<16xi32>,
        %eq3A_600 = vector.broadcast %reduce_max3A_145 : f32 to vector<16xf32>
        %eq3A_601 = arith.cmpf oeq, %get3A_597, %eq3A_600 : vector<16xf32>
        %eq3A_602 = vector.broadcast %reduce_min3A_469 : i32 to vector<16xi32>
        %eq3A_603 = arith.cmpi eq, %get3A_599, %eq3A_602 : vector<16xi32>
        %and3A_604 = arith.andi %eq3A_601, %eq3A_603 : vector<16xi1>
        %jit3A_605 = arith.constant 0xFF800000 : f32
        %broadcast_in_dim3A_606 = vector.broadcast %jit3A_605 : f32 to vector<16xf32>
        %select_n3A_607 = arith.select %and3A_604, %broadcast_in_dim3A_606, %get3A_597 : vector<16xi1>, vector<16xf32>
        %swap3A_608 = arith.constant 144 : index
        %swap3A_609 = tpu.vector_load %arg12[%swap3A_608] {strides = array<i32>} : memref<512xf32, #tpu.memory_space<vmem>>, vector<16xf32>,
        tpu.vector_store %arg12[%swap3A_608], %select_n3A_607 {strides = array<i32>} : memref<512xf32, #tpu.memory_space<vmem>>, vector<16xf32>,
        %get3A_610 = arith.constant 160 : index
        %get3A_611 = tpu.vector_load %arg12[%get3A_610] {strides = array<i32>} : memref<512xf32, #tpu.memory_space<vmem>>, vector<16xf32>,
        %get3A_612 = arith.constant 160 : index
        %get3A_613 = tpu.vector_load %arg13[%get3A_612] {strides = array<i32>} : memref<512xi32, #tpu.memory_space<vmem>>, vector<16xi32>,
        %eq3A_614 = vector.broadcast %reduce_max3A_145 : f32 to vector<16xf32>
        %eq3A_615 = arith.cmpf oeq, %get3A_611, %eq3A_614 : vector<16xf32>
        %eq3A_616 = vector.broadcast %reduce_min3A_469 : i32 to vector<16xi32>
        %eq3A_617 = arith.cmpi eq, %get3A_613, %eq3A_616 : vector<16xi32>
        %and3A_618 = arith.andi %eq3A_615, %eq3A_617 : vector<16xi1>
        %jit3A_619 = arith.constant 0xFF800000 : f32
        %broadcast_in_dim3A_620 = vector.broadcast %jit3A_619 : f32 to vector<16xf32>
        %select_n3A_621 = arith.select %and3A_618, %broadcast_in_dim3A_620, %get3A_611 : vector<16xi1>, vector<16xf32>
        %swap3A_622 = arith.constant 160 : index
        %swap3A_623 = tpu.vector_load %arg12[%swap3A_622] {strides = array<i32>} : memref<512xf32, #tpu.memory_space<vmem>>, vector<16xf32>,
        tpu.vector_store %arg12[%swap3A_622], %select_n3A_621 {strides = array<i32>} : memref<512xf32, #tpu.memory_space<vmem>>, vector<16xf32>,
        %get3A_624 = arith.constant 176 : index
        %get3A_625 = tpu.vector_load %arg12[%get3A_624] {strides = array<i32>} : memref<512xf32, #tpu.memory_space<vmem>>, vector<16xf32>,
        %get3A_626 = arith.constant 176 : index
        %get3A_627 = tpu.vector_load %arg13[%get3A_626] {strides = array<i32>} : memref<512xi32, #tpu.memory_space<vmem>>, vector<16xi32>,
        %eq3A_628 = vector.broadcast %reduce_max3A_145 : f32 to vector<16xf32>
        %eq3A_629 = arith.cmpf oeq, %get3A_625, %eq3A_628 : vector<16xf32>
        %eq3A_630 = vector.broadcast %reduce_min3A_469 : i32 to vector<16xi32>
        %eq3A_631 = arith.cmpi eq, %get3A_627, %eq3A_630 : vector<16xi32>
        %and3A_632 = arith.andi %eq3A_629, %eq3A_631 : vector<16xi1>
        %jit3A_633 = arith.constant 0xFF800000 : f32
        %broadcast_in_dim3A_634 = vector.broadcast %jit3A_633 : f32 to vector<16xf32>
        %select_n3A_635 = arith.select %and3A_632, %broadcast_in_dim3A_634, %get3A_625 : vector<16xi1>, vector<16xf32>
        %swap3A_636 = arith.constant 176 : index
        %swap3A_637 = tpu.vector_load %arg12[%swap3A_636] {strides = array<i32>} : memref<512xf32, #tpu.memory_space<vmem>>, vector<16xf32>,
        tpu.vector_store %arg12[%swap3A_636], %select_n3A_635 {strides = array<i32>} : memref<512xf32, #tpu.memory_space<vmem>>, vector<16xf32>,
        %get3A_638 = arith.constant 192 : index
        %get3A_639 = tpu.vector_load %arg12[%get3A_638] {strides = array<i32>} : memref<512xf32, #tpu.memory_space<vmem>>, vector<16xf32>,
        %get3A_640 = arith.constant 192 : index
        %get3A_641 = tpu.vector_load %arg13[%get3A_640] {strides = array<i32>} : memref<512xi32, #tpu.memory_space<vmem>>, vector<16xi32>,
        %eq3A_642 = vector.broadcast %reduce_max3A_145 : f32 to vector<16xf32>
        %eq3A_643 = arith.cmpf oeq, %get3A_639, %eq3A_642 : vector<16xf32>
        %eq3A_644 = vector.broadcast %reduce_min3A_469 : i32 to vector<16xi32>
        %eq3A_645 = arith.cmpi eq, %get3A_641, %eq3A_644 : vector<16xi32>
        %and3A_646 = arith.andi %eq3A_643, %eq3A_645 : vector<16xi1>
        %jit3A_647 = arith.constant 0xFF800000 : f32
        %broadcast_in_dim3A_648 = vector.broadcast %jit3A_647 : f32 to vector<16xf32>
        %select_n3A_649 = arith.select %and3A_646, %broadcast_in_dim3A_648, %get3A_639 : vector<16xi1>, vector<16xf32>
        %swap3A_650 = arith.constant 192 : index
        %swap3A_651 = tpu.vector_load %arg12[%swap3A_650] {strides = array<i32>} : memref<512xf32, #tpu.memory_space<vmem>>, vector<16xf32>,
        tpu.vector_store %arg12[%swap3A_650], %select_n3A_649 {strides = array<i32>} : memref<512xf32, #tpu.memory_space<vmem>>, vector<16xf32>,
        %get3A_652 = arith.constant 208 : index
        %get3A_653 = tpu.vector_load %arg12[%get3A_652] {strides = array<i32>} : memref<512xf32, #tpu.memory_space<vmem>>, vector<16xf32>,
        %get3A_654 = arith.constant 208 : index
        %get3A_655 = tpu.vector_load %arg13[%get3A_654] {strides = array<i32>} : memref<512xi32, #tpu.memory_space<vmem>>, vector<16xi32>,
        %eq3A_656 = vector.broadcast %reduce_max3A_145 : f32 to vector<16xf32>
        %eq3A_657 = arith.cmpf oeq, %get3A_653, %eq3A_656 : vector<16xf32>
        %eq3A_658 = vector.broadcast %reduce_min3A_469 : i32 to vector<16xi32>
        %eq3A_659 = arith.cmpi eq, %get3A_655, %eq3A_658 : vector<16xi32>
        %and3A_660 = arith.andi %eq3A_657, %eq3A_659 : vector<16xi1>
        %jit3A_661 = arith.constant 0xFF800000 : f32
        %broadcast_in_dim3A_662 = vector.broadcast %jit3A_661 : f32 to vector<16xf32>
        %select_n3A_663 = arith.select %and3A_660, %broadcast_in_dim3A_662, %get3A_653 : vector<16xi1>, vector<16xf32>
        %swap3A_664 = arith.constant 208 : index
        %swap3A_665 = tpu.vector_load %arg12[%swap3A_664] {strides = array<i32>} : memref<512xf32, #tpu.memory_space<vmem>>, vector<16xf32>,
        tpu.vector_store %arg12[%swap3A_664], %select_n3A_663 {strides = array<i32>} : memref<512xf32, #tpu.memory_space<vmem>>, vector<16xf32>,
        %get3A_666 = arith.constant 224 : index
        %get3A_667 = tpu.vector_load %arg12[%get3A_666] {strides = array<i32>} : memref<512xf32, #tpu.memory_space<vmem>>, vector<16xf32>,
        %get3A_668 = arith.constant 224 : index
        %get3A_669 = tpu.vector_load %arg13[%get3A_668] {strides = array<i32>} : memref<512xi32, #tpu.memory_space<vmem>>, vector<16xi32>,
        %eq3A_670 = vector.broadcast %reduce_max3A_145 : f32 to vector<16xf32>
        %eq3A_671 = arith.cmpf oeq, %get3A_667, %eq3A_670 : vector<16xf32>
        %eq3A_672 = vector.broadcast %reduce_min3A_469 : i32 to vector<16xi32>
        %eq3A_673 = arith.cmpi eq, %get3A_669, %eq3A_672 : vector<16xi32>
        %and3A_674 = arith.andi %eq3A_671, %eq3A_673 : vector<16xi1>
        %jit3A_675 = arith.constant 0xFF800000 : f32
        %broadcast_in_dim3A_676 = vector.broadcast %jit3A_675 : f32 to vector<16xf32>
        %select_n3A_677 = arith.select %and3A_674, %broadcast_in_dim3A_676, %get3A_667 : vector<16xi1>, vector<16xf32>
        %swap3A_678 = arith.constant 224 : index
        %swap3A_679 = tpu.vector_load %arg12[%swap3A_678] {strides = array<i32>} : memref<512xf32, #tpu.memory_space<vmem>>, vector<16xf32>,
        tpu.vector_store %arg12[%swap3A_678], %select_n3A_677 {strides = array<i32>} : memref<512xf32, #tpu.memory_space<vmem>>, vector<16xf32>,
        %get3A_680 = arith.constant 240 : index
        %get3A_681 = tpu.vector_load %arg12[%get3A_680] {strides = array<i32>} : memref<512xf32, #tpu.memory_space<vmem>>, vector<16xf32>,
        %get3A_682 = arith.constant 240 : index
        %get3A_683 = tpu.vector_load %arg13[%get3A_682] {strides = array<i32>} : memref<512xi32, #tpu.memory_space<vmem>>, vector<16xi32>,
        %eq3A_684 = vector.broadcast %reduce_max3A_145 : f32 to vector<16xf32>
        %eq3A_685 = arith.cmpf oeq, %get3A_681, %eq3A_684 : vector<16xf32>
        %eq3A_686 = vector.broadcast %reduce_min3A_469 : i32 to vector<16xi32>
        %eq3A_687 = arith.cmpi eq, %get3A_683, %eq3A_686 : vector<16xi32>
        %and3A_688 = arith.andi %eq3A_685, %eq3A_687 : vector<16xi1>
        %jit3A_689 = arith.constant 0xFF800000 : f32
        %broadcast_in_dim3A_690 = vector.broadcast %jit3A_689 : f32 to vector<16xf32>
        %select_n3A_691 = arith.select %and3A_688, %broadcast_in_dim3A_690, %get3A_681 : vector<16xi1>, vector<16xf32>
        %swap3A_692 = arith.constant 240 : index
        %swap3A_693 = tpu.vector_load %arg12[%swap3A_692] {strides = array<i32>} : memref<512xf32, #tpu.memory_space<vmem>>, vector<16xf32>,
        tpu.vector_store %arg12[%swap3A_692], %select_n3A_691 {strides = array<i32>} : memref<512xf32, #tpu.memory_space<vmem>>, vector<16xf32>,
        %get3A_694 = arith.constant 256 : index
        %get3A_695 = tpu.vector_load %arg12[%get3A_694] {strides = array<i32>} : memref<512xf32, #tpu.memory_space<vmem>>, vector<16xf32>,
        %get3A_696 = arith.constant 256 : index
        %get3A_697 = tpu.vector_load %arg13[%get3A_696] {strides = array<i32>} : memref<512xi32, #tpu.memory_space<vmem>>, vector<16xi32>,
        %eq3A_698 = vector.broadcast %reduce_max3A_145 : f32 to vector<16xf32>
        %eq3A_699 = arith.cmpf oeq, %get3A_695, %eq3A_698 : vector<16xf32>
        %eq3A_700 = vector.broadcast %reduce_min3A_469 : i32 to vector<16xi32>
        %eq3A_701 = arith.cmpi eq, %get3A_697, %eq3A_700 : vector<16xi32>
        %and3A_702 = arith.andi %eq3A_699, %eq3A_701 : vector<16xi1>
        %jit3A_703 = arith.constant 0xFF800000 : f32
        %broadcast_in_dim3A_704 = vector.broadcast %jit3A_703 : f32 to vector<16xf32>
        %select_n3A_705 = arith.select %and3A_702, %broadcast_in_dim3A_704, %get3A_695 : vector<16xi1>, vector<16xf32>
        %swap3A_706 = arith.constant 256 : index
        %swap3A_707 = tpu.vector_load %arg12[%swap3A_706] {strides = array<i32>} : memref<512xf32, #tpu.memory_space<vmem>>, vector<16xf32>,
        tpu.vector_store %arg12[%swap3A_706], %select_n3A_705 {strides = array<i32>} : memref<512xf32, #tpu.memory_space<vmem>>, vector<16xf32>,
        %get3A_708 = arith.constant 272 : index
        %get3A_709 = tpu.vector_load %arg12[%get3A_708] {strides = array<i32>} : memref<512xf32, #tpu.memory_space<vmem>>, vector<16xf32>,
        %get3A_710 = arith.constant 272 : index
        %get3A_711 = tpu.vector_load %arg13[%get3A_710] {strides = array<i32>} : memref<512xi32, #tpu.memory_space<vmem>>, vector<16xi32>,
        %eq3A_712 = vector.broadcast %reduce_max3A_145 : f32 to vector<16xf32>
        %eq3A_713 = arith.cmpf oeq, %get3A_709, %eq3A_712 : vector<16xf32>
        %eq3A_714 = vector.broadcast %reduce_min3A_469 : i32 to vector<16xi32>
        %eq3A_715 = arith.cmpi eq, %get3A_711, %eq3A_714 : vector<16xi32>
        %and3A_716 = arith.andi %eq3A_713, %eq3A_715 : vector<16xi1>
        %jit3A_717 = arith.constant 0xFF800000 : f32
        %broadcast_in_dim3A_718 = vector.broadcast %jit3A_717 : f32 to vector<16xf32>
        %select_n3A_719 = arith.select %and3A_716, %broadcast_in_dim3A_718, %get3A_709 : vector<16xi1>, vector<16xf32>
        %swap3A_720 = arith.constant 272 : index
        %swap3A_721 = tpu.vector_load %arg12[%swap3A_720] {strides = array<i32>} : memref<512xf32, #tpu.memory_space<vmem>>, vector<16xf32>,
        tpu.vector_store %arg12[%swap3A_720], %select_n3A_719 {strides = array<i32>} : memref<512xf32, #tpu.memory_space<vmem>>, vector<16xf32>,
        %get3A_722 = arith.constant 288 : index
        %get3A_723 = tpu.vector_load %arg12[%get3A_722] {strides = array<i32>} : memref<512xf32, #tpu.memory_space<vmem>>, vector<16xf32>,
        %get3A_724 = arith.constant 288 : index
        %get3A_725 = tpu.vector_load %arg13[%get3A_724] {strides = array<i32>} : memref<512xi32, #tpu.memory_space<vmem>>, vector<16xi32>,
        %eq3A_726 = vector.broadcast %reduce_max3A_145 : f32 to vector<16xf32>
        %eq3A_727 = arith.cmpf oeq, %get3A_723, %eq3A_726 : vector<16xf32>
        %eq3A_728 = vector.broadcast %reduce_min3A_469 : i32 to vector<16xi32>
        %eq3A_729 = arith.cmpi eq, %get3A_725, %eq3A_728 : vector<16xi32>
        %and3A_730 = arith.andi %eq3A_727, %eq3A_729 : vector<16xi1>
        %jit3A_731 = arith.constant 0xFF800000 : f32
        %broadcast_in_dim3A_732 = vector.broadcast %jit3A_731 : f32 to vector<16xf32>
        %select_n3A_733 = arith.select %and3A_730, %broadcast_in_dim3A_732, %get3A_723 : vector<16xi1>, vector<16xf32>
        %swap3A_734 = arith.constant 288 : index
        %swap3A_735 = tpu.vector_load %arg12[%swap3A_734] {strides = array<i32>} : memref<512xf32, #tpu.memory_space<vmem>>, vector<16xf32>,
        tpu.vector_store %arg12[%swap3A_734], %select_n3A_733 {strides = array<i32>} : memref<512xf32, #tpu.memory_space<vmem>>, vector<16xf32>,
        %get3A_736 = arith.constant 304 : index
        %get3A_737 = tpu.vector_load %arg12[%get3A_736] {strides = array<i32>} : memref<512xf32, #tpu.memory_space<vmem>>, vector<16xf32>,
        %get3A_738 = arith.constant 304 : index
        %get3A_739 = tpu.vector_load %arg13[%get3A_738] {strides = array<i32>} : memref<512xi32, #tpu.memory_space<vmem>>, vector<16xi32>,
        %eq3A_740 = vector.broadcast %reduce_max3A_145 : f32 to vector<16xf32>
        %eq3A_741 = arith.cmpf oeq, %get3A_737, %eq3A_740 : vector<16xf32>
        %eq3A_742 = vector.broadcast %reduce_min3A_469 : i32 to vector<16xi32>
        %eq3A_743 = arith.cmpi eq, %get3A_739, %eq3A_742 : vector<16xi32>
        %and3A_744 = arith.andi %eq3A_741, %eq3A_743 : vector<16xi1>
        %jit3A_745 = arith.constant 0xFF800000 : f32
        %broadcast_in_dim3A_746 = vector.broadcast %jit3A_745 : f32 to vector<16xf32>
        %select_n3A_747 = arith.select %and3A_744, %broadcast_in_dim3A_746, %get3A_737 : vector<16xi1>, vector<16xf32>
        %swap3A_748 = arith.constant 304 : index
        %swap3A_749 = tpu.vector_load %arg12[%swap3A_748] {strides = array<i32>} : memref<512xf32, #tpu.memory_space<vmem>>, vector<16xf32>,
        tpu.vector_store %arg12[%swap3A_748], %select_n3A_747 {strides = array<i32>} : memref<512xf32, #tpu.memory_space<vmem>>, vector<16xf32>,
        %get3A_750 = arith.constant 320 : index
        %get3A_751 = tpu.vector_load %arg12[%get3A_750] {strides = array<i32>} : memref<512xf32, #tpu.memory_space<vmem>>, vector<16xf32>,
        %get3A_752 = arith.constant 320 : index
        %get3A_753 = tpu.vector_load %arg13[%get3A_752] {strides = array<i32>} : memref<512xi32, #tpu.memory_space<vmem>>, vector<16xi32>,
        %eq3A_754 = vector.broadcast %reduce_max3A_145 : f32 to vector<16xf32>
        %eq3A_755 = arith.cmpf oeq, %get3A_751, %eq3A_754 : vector<16xf32>
        %eq3A_756 = vector.broadcast %reduce_min3A_469 : i32 to vector<16xi32>
        %eq3A_757 = arith.cmpi eq, %get3A_753, %eq3A_756 : vector<16xi32>
        %and3A_758 = arith.andi %eq3A_755, %eq3A_757 : vector<16xi1>
        %jit3A_759 = arith.constant 0xFF800000 : f32
        %broadcast_in_dim3A_760 = vector.broadcast %jit3A_759 : f32 to vector<16xf32>
        %select_n3A_761 = arith.select %and3A_758, %broadcast_in_dim3A_760, %get3A_751 : vector<16xi1>, vector<16xf32>
        %swap3A_762 = arith.constant 320 : index
        %swap3A_763 = tpu.vector_load %arg12[%swap3A_762] {strides = array<i32>} : memref<512xf32, #tpu.memory_space<vmem>>, vector<16xf32>,
        tpu.vector_store %arg12[%swap3A_762], %select_n3A_761 {strides = array<i32>} : memref<512xf32, #tpu.memory_space<vmem>>, vector<16xf32>,
        %get3A_764 = arith.constant 336 : index
        %get3A_765 = tpu.vector_load %arg12[%get3A_764] {strides = array<i32>} : memref<512xf32, #tpu.memory_space<vmem>>, vector<16xf32>,
        %get3A_766 = arith.constant 336 : index
        %get3A_767 = tpu.vector_load %arg13[%get3A_766] {strides = array<i32>} : memref<512xi32, #tpu.memory_space<vmem>>, vector<16xi32>,
        %eq3A_768 = vector.broadcast %reduce_max3A_145 : f32 to vector<16xf32>
        %eq3A_769 = arith.cmpf oeq, %get3A_765, %eq3A_768 : vector<16xf32>
        %eq3A_770 = vector.broadcast %reduce_min3A_469 : i32 to vector<16xi32>
        %eq3A_771 = arith.cmpi eq, %get3A_767, %eq3A_770 : vector<16xi32>
        %and3A_772 = arith.andi %eq3A_769, %eq3A_771 : vector<16xi1>
        %jit3A_773 = arith.constant 0xFF800000 : f32
        %broadcast_in_dim3A_774 = vector.broadcast %jit3A_773 : f32 to vector<16xf32>
        %select_n3A_775 = arith.select %and3A_772, %broadcast_in_dim3A_774, %get3A_765 : vector<16xi1>, vector<16xf32>
        %swap3A_776 = arith.constant 336 : index
        %swap3A_777 = tpu.vector_load %arg12[%swap3A_776] {strides = array<i32>} : memref<512xf32, #tpu.memory_space<vmem>>, vector<16xf32>,
        tpu.vector_store %arg12[%swap3A_776], %select_n3A_775 {strides = array<i32>} : memref<512xf32, #tpu.memory_space<vmem>>, vector<16xf32>,
        %get3A_778 = arith.constant 352 : index
        %get3A_779 = tpu.vector_load %arg12[%get3A_778] {strides = array<i32>} : memref<512xf32, #tpu.memory_space<vmem>>, vector<16xf32>,
        %get3A_780 = arith.constant 352 : index
        %get3A_781 = tpu.vector_load %arg13[%get3A_780] {strides = array<i32>} : memref<512xi32, #tpu.memory_space<vmem>>, vector<16xi32>,
        %eq3A_782 = vector.broadcast %reduce_max3A_145 : f32 to vector<16xf32>
        %eq3A_783 = arith.cmpf oeq, %get3A_779, %eq3A_782 : vector<16xf32>
        %eq3A_784 = vector.broadcast %reduce_min3A_469 : i32 to vector<16xi32>
        %eq3A_785 = arith.cmpi eq, %get3A_781, %eq3A_784 : vector<16xi32>
        %and3A_786 = arith.andi %eq3A_783, %eq3A_785 : vector<16xi1>
        %jit3A_787 = arith.constant 0xFF800000 : f32
        %broadcast_in_dim3A_788 = vector.broadcast %jit3A_787 : f32 to vector<16xf32>
        %select_n3A_789 = arith.select %and3A_786, %broadcast_in_dim3A_788, %get3A_779 : vector<16xi1>, vector<16xf32>
        %swap3A_790 = arith.constant 352 : index
        %swap3A_791 = tpu.vector_load %arg12[%swap3A_790] {strides = array<i32>} : memref<512xf32, #tpu.memory_space<vmem>>, vector<16xf32>,
        tpu.vector_store %arg12[%swap3A_790], %select_n3A_789 {strides = array<i32>} : memref<512xf32, #tpu.memory_space<vmem>>, vector<16xf32>,
        %get3A_792 = arith.constant 368 : index
        %get3A_793 = tpu.vector_load %arg12[%get3A_792] {strides = array<i32>} : memref<512xf32, #tpu.memory_space<vmem>>, vector<16xf32>,
        %get3A_794 = arith.constant 368 : index
        %get3A_795 = tpu.vector_load %arg13[%get3A_794] {strides = array<i32>} : memref<512xi32, #tpu.memory_space<vmem>>, vector<16xi32>,
        %eq3A_796 = vector.broadcast %reduce_max3A_145 : f32 to vector<16xf32>
        %eq3A_797 = arith.cmpf oeq, %get3A_793, %eq3A_796 : vector<16xf32>
        %eq3A_798 = vector.broadcast %reduce_min3A_469 : i32 to vector<16xi32>
        %eq3A_799 = arith.cmpi eq, %get3A_795, %eq3A_798 : vector<16xi32>
        %and3A_800 = arith.andi %eq3A_797, %eq3A_799 : vector<16xi1>
        %jit3A_801 = arith.constant 0xFF800000 : f32
        %broadcast_in_dim3A_802 = vector.broadcast %jit3A_801 : f32 to vector<16xf32>
        %select_n3A_803 = arith.select %and3A_800, %broadcast_in_dim3A_802, %get3A_793 : vector<16xi1>, vector<16xf32>
        %swap3A_804 = arith.constant 368 : index
        %swap3A_805 = tpu.vector_load %arg12[%swap3A_804] {strides = array<i32>} : memref<512xf32, #tpu.memory_space<vmem>>, vector<16xf32>,
        tpu.vector_store %arg12[%swap3A_804], %select_n3A_803 {strides = array<i32>} : memref<512xf32, #tpu.memory_space<vmem>>, vector<16xf32>,
        %get3A_806 = arith.constant 384 : index
        %get3A_807 = tpu.vector_load %arg12[%get3A_806] {strides = array<i32>} : memref<512xf32, #tpu.memory_space<vmem>>, vector<16xf32>,
        %get3A_808 = arith.constant 384 : index
        %get3A_809 = tpu.vector_load %arg13[%get3A_808] {strides = array<i32>} : memref<512xi32, #tpu.memory_space<vmem>>, vector<16xi32>,
        %eq3A_810 = vector.broadcast %reduce_max3A_145 : f32 to vector<16xf32>
        %eq3A_811 = arith.cmpf oeq, %get3A_807, %eq3A_810 : vector<16xf32>
        %eq3A_812 = vector.broadcast %reduce_min3A_469 : i32 to vector<16xi32>
        %eq3A_813 = arith.cmpi eq, %get3A_809, %eq3A_812 : vector<16xi32>
        %and3A_814 = arith.andi %eq3A_811, %eq3A_813 : vector<16xi1>
        %jit3A_815 = arith.constant 0xFF800000 : f32
        %broadcast_in_dim3A_816 = vector.broadcast %jit3A_815 : f32 to vector<16xf32>
        %select_n3A_817 = arith.select %and3A_814, %broadcast_in_dim3A_816, %get3A_807 : vector<16xi1>, vector<16xf32>
        %swap3A_818 = arith.constant 384 : index
        %swap3A_819 = tpu.vector_load %arg12[%swap3A_818] {strides = array<i32>} : memref<512xf32, #tpu.memory_space<vmem>>, vector<16xf32>,
        tpu.vector_store %arg12[%swap3A_818], %select_n3A_817 {strides = array<i32>} : memref<512xf32, #tpu.memory_space<vmem>>, vector<16xf32>,
        %get3A_820 = arith.constant 400 : index
        %get3A_821 = tpu.vector_load %arg12[%get3A_820] {strides = array<i32>} : memref<512xf32, #tpu.memory_space<vmem>>, vector<16xf32>,
        %get3A_822 = arith.constant 400 : index
        %get3A_823 = tpu.vector_load %arg13[%get3A_822] {strides = array<i32>} : memref<512xi32, #tpu.memory_space<vmem>>, vector<16xi32>,
        %eq3A_824 = vector.broadcast %reduce_max3A_145 : f32 to vector<16xf32>
        %eq3A_825 = arith.cmpf oeq, %get3A_821, %eq3A_824 : vector<16xf32>
        %eq3A_826 = vector.broadcast %reduce_min3A_469 : i32 to vector<16xi32>
        %eq3A_827 = arith.cmpi eq, %get3A_823, %eq3A_826 : vector<16xi32>
        %and3A_828 = arith.andi %eq3A_825, %eq3A_827 : vector<16xi1>
        %jit3A_829 = arith.constant 0xFF800000 : f32
        %broadcast_in_dim3A_830 = vector.broadcast %jit3A_829 : f32 to vector<16xf32>
        %select_n3A_831 = arith.select %and3A_828, %broadcast_in_dim3A_830, %get3A_821 : vector<16xi1>, vector<16xf32>
        %swap3A_832 = arith.constant 400 : index
        %swap3A_833 = tpu.vector_load %arg12[%swap3A_832] {strides = array<i32>} : memref<512xf32, #tpu.memory_space<vmem>>, vector<16xf32>,
        tpu.vector_store %arg12[%swap3A_832], %select_n3A_831 {strides = array<i32>} : memref<512xf32, #tpu.memory_space<vmem>>, vector<16xf32>,
        %get3A_834 = arith.constant 416 : index
        %get3A_835 = tpu.vector_load %arg12[%get3A_834] {strides = array<i32>} : memref<512xf32, #tpu.memory_space<vmem>>, vector<16xf32>,
        %get3A_836 = arith.constant 416 : index
        %get3A_837 = tpu.vector_load %arg13[%get3A_836] {strides = array<i32>} : memref<512xi32, #tpu.memory_space<vmem>>, vector<16xi32>,
        %eq3A_838 = vector.broadcast %reduce_max3A_145 : f32 to vector<16xf32>
        %eq3A_839 = arith.cmpf oeq, %get3A_835, %eq3A_838 : vector<16xf32>
        %eq3A_840 = vector.broadcast %reduce_min3A_469 : i32 to vector<16xi32>
        %eq3A_841 = arith.cmpi eq, %get3A_837, %eq3A_840 : vector<16xi32>
        %and3A_842 = arith.andi %eq3A_839, %eq3A_841 : vector<16xi1>
        %jit3A_843 = arith.constant 0xFF800000 : f32
        %broadcast_in_dim3A_844 = vector.broadcast %jit3A_843 : f32 to vector<16xf32>
        %select_n3A_845 = arith.select %and3A_842, %broadcast_in_dim3A_844, %get3A_835 : vector<16xi1>, vector<16xf32>
        %swap3A_846 = arith.constant 416 : index
        %swap3A_847 = tpu.vector_load %arg12[%swap3A_846] {strides = array<i32>} : memref<512xf32, #tpu.memory_space<vmem>>, vector<16xf32>,
        tpu.vector_store %arg12[%swap3A_846], %select_n3A_845 {strides = array<i32>} : memref<512xf32, #tpu.memory_space<vmem>>, vector<16xf32>,
        %get3A_848 = arith.constant 432 : index
        %get3A_849 = tpu.vector_load %arg12[%get3A_848] {strides = array<i32>} : memref<512xf32, #tpu.memory_space<vmem>>, vector<16xf32>,
        %get3A_850 = arith.constant 432 : index
        %get3A_851 = tpu.vector_load %arg13[%get3A_850] {strides = array<i32>} : memref<512xi32, #tpu.memory_space<vmem>>, vector<16xi32>,
        %eq3A_852 = vector.broadcast %reduce_max3A_145 : f32 to vector<16xf32>
        %eq3A_853 = arith.cmpf oeq, %get3A_849, %eq3A_852 : vector<16xf32>
        %eq3A_854 = vector.broadcast %reduce_min3A_469 : i32 to vector<16xi32>
        %eq3A_855 = arith.cmpi eq, %get3A_851, %eq3A_854 : vector<16xi32>
        %and3A_856 = arith.andi %eq3A_853, %eq3A_855 : vector<16xi1>
        %jit3A_857 = arith.constant 0xFF800000 : f32
        %broadcast_in_dim3A_858 = vector.broadcast %jit3A_857 : f32 to vector<16xf32>
        %select_n3A_859 = arith.select %and3A_856, %broadcast_in_dim3A_858, %get3A_849 : vector<16xi1>, vector<16xf32>
        %swap3A_860 = arith.constant 432 : index
        %swap3A_861 = tpu.vector_load %arg12[%swap3A_860] {strides = array<i32>} : memref<512xf32, #tpu.memory_space<vmem>>, vector<16xf32>,
        tpu.vector_store %arg12[%swap3A_860], %select_n3A_859 {strides = array<i32>} : memref<512xf32, #tpu.memory_space<vmem>>, vector<16xf32>,
        %get3A_862 = arith.constant 448 : index
        %get3A_863 = tpu.vector_load %arg12[%get3A_862] {strides = array<i32>} : memref<512xf32, #tpu.memory_space<vmem>>, vector<16xf32>,
        %get3A_864 = arith.constant 448 : index
        %get3A_865 = tpu.vector_load %arg13[%get3A_864] {strides = array<i32>} : memref<512xi32, #tpu.memory_space<vmem>>, vector<16xi32>,
        %eq3A_866 = vector.broadcast %reduce_max3A_145 : f32 to vector<16xf32>
        %eq3A_867 = arith.cmpf oeq, %get3A_863, %eq3A_866 : vector<16xf32>
        %eq3A_868 = vector.broadcast %reduce_min3A_469 : i32 to vector<16xi32>
        %eq3A_869 = arith.cmpi eq, %get3A_865, %eq3A_868 : vector<16xi32>
        %and3A_870 = arith.andi %eq3A_867, %eq3A_869 : vector<16xi1>
        %jit3A_871 = arith.constant 0xFF800000 : f32
        %broadcast_in_dim3A_872 = vector.broadcast %jit3A_871 : f32 to vector<16xf32>
        %select_n3A_873 = arith.select %and3A_870, %broadcast_in_dim3A_872, %get3A_863 : vector<16xi1>, vector<16xf32>
        %swap3A_874 = arith.constant 448 : index
        %swap3A_875 = tpu.vector_load %arg12[%swap3A_874] {strides = array<i32>} : memref<512xf32, #tpu.memory_space<vmem>>, vector<16xf32>,
        tpu.vector_store %arg12[%swap3A_874], %select_n3A_873 {strides = array<i32>} : memref<512xf32, #tpu.memory_space<vmem>>, vector<16xf32>,
        %get3A_876 = arith.constant 464 : index
        %get3A_877 = tpu.vector_load %arg12[%get3A_876] {strides = array<i32>} : memref<512xf32, #tpu.memory_space<vmem>>, vector<16xf32>,
        %get3A_878 = arith.constant 464 : index
        %get3A_879 = tpu.vector_load %arg13[%get3A_878] {strides = array<i32>} : memref<512xi32, #tpu.memory_space<vmem>>, vector<16xi32>,
        %eq3A_880 = vector.broadcast %reduce_max3A_145 : f32 to vector<16xf32>
        %eq3A_881 = arith.cmpf oeq, %get3A_877, %eq3A_880 : vector<16xf32>
        %eq3A_882 = vector.broadcast %reduce_min3A_469 : i32 to vector<16xi32>
        %eq3A_883 = arith.cmpi eq, %get3A_879, %eq3A_882 : vector<16xi32>
        %and3A_884 = arith.andi %eq3A_881, %eq3A_883 : vector<16xi1>
        %jit3A_885 = arith.constant 0xFF800000 : f32
        %broadcast_in_dim3A_886 = vector.broadcast %jit3A_885 : f32 to vector<16xf32>
        %select_n3A_887 = arith.select %and3A_884, %broadcast_in_dim3A_886, %get3A_877 : vector<16xi1>, vector<16xf32>
        %swap3A_888 = arith.constant 464 : index
        %swap3A_889 = tpu.vector_load %arg12[%swap3A_888] {strides = array<i32>} : memref<512xf32, #tpu.memory_space<vmem>>, vector<16xf32>,
        tpu.vector_store %arg12[%swap3A_888], %select_n3A_887 {strides = array<i32>} : memref<512xf32, #tpu.memory_space<vmem>>, vector<16xf32>,
        %get3A_890 = arith.constant 480 : index
        %get3A_891 = tpu.vector_load %arg12[%get3A_890] {strides = array<i32>} : memref<512xf32, #tpu.memory_space<vmem>>, vector<16xf32>,
        %get3A_892 = arith.constant 480 : index
        %get3A_893 = tpu.vector_load %arg13[%get3A_892] {strides = array<i32>} : memref<512xi32, #tpu.memory_space<vmem>>, vector<16xi32>,
        %eq3A_894 = vector.broadcast %reduce_max3A_145 : f32 to vector<16xf32>
        %eq3A_895 = arith.cmpf oeq, %get3A_891, %eq3A_894 : vector<16xf32>
        %eq3A_896 = vector.broadcast %reduce_min3A_469 : i32 to vector<16xi32>
        %eq3A_897 = arith.cmpi eq, %get3A_893, %eq3A_896 : vector<16xi32>
        %and3A_898 = arith.andi %eq3A_895, %eq3A_897 : vector<16xi1>
        %jit3A_899 = arith.constant 0xFF800000 : f32
        %broadcast_in_dim3A_900 = vector.broadcast %jit3A_899 : f32 to vector<16xf32>
        %select_n3A_901 = arith.select %and3A_898, %broadcast_in_dim3A_900, %get3A_891 : vector<16xi1>, vector<16xf32>
        %swap3A_902 = arith.constant 480 : index
        %swap3A_903 = tpu.vector_load %arg12[%swap3A_902] {strides = array<i32>} : memref<512xf32, #tpu.memory_space<vmem>>, vector<16xf32>,
        tpu.vector_store %arg12[%swap3A_902], %select_n3A_901 {strides = array<i32>} : memref<512xf32, #tpu.memory_space<vmem>>, vector<16xf32>,
        %get3A_904 = arith.constant 496 : index
        %get3A_905 = tpu.vector_load %arg12[%get3A_904] {strides = array<i32>} : memref<512xf32, #tpu.memory_space<vmem>>, vector<16xf32>,
        %get3A_906 = arith.constant 496 : index
        %get3A_907 = tpu.vector_load %arg13[%get3A_906] {strides = array<i32>} : memref<512xi32, #tpu.memory_space<vmem>>, vector<16xi32>,
        %eq3A_908 = vector.broadcast %reduce_max3A_145 : f32 to vector<16xf32>
        %eq3A_909 = arith.cmpf oeq, %get3A_905, %eq3A_908 : vector<16xf32>
        %eq3A_910 = vector.broadcast %reduce_min3A_469 : i32 to vector<16xi32>
        %eq3A_911 = arith.cmpi eq, %get3A_907, %eq3A_910 : vector<16xi32>
        %and3A_912 = arith.andi %eq3A_909, %eq3A_911 : vector<16xi1>
        %jit3A_913 = arith.constant 0xFF800000 : f32
        %broadcast_in_dim3A_914 = vector.broadcast %jit3A_913 : f32 to vector<16xf32>
        %select_n3A_915 = arith.select %and3A_912, %broadcast_in_dim3A_914, %get3A_905 : vector<16xi1>, vector<16xf32>
        %swap3A_916 = arith.constant 496 : index
        %swap3A_917 = tpu.vector_load %arg12[%swap3A_916] {strides = array<i32>} : memref<512xf32, #tpu.memory_space<vmem>>, vector<16xf32>,
        tpu.vector_store %arg12[%swap3A_916], %select_n3A_915 {strides = array<i32>} : memref<512xf32, #tpu.memory_space<vmem>>, vector<16xf32>,
        %eq3A_918 = arith.constant 19 : i32
        %eq3A_919 = arith.cmpi eq, %scan3A_46, %eq3A_918 : i32
        %select_n3A_920 = arith.select %eq3A_919, %reduce_max3A_145, %scan3A_47 : f32
        %eq3A_921 = arith.constant 19 : i32
        %eq3A_922 = arith.cmpi eq, %scan3A_46, %eq3A_921 : i32
        %select_n3A_923 = arith.select %eq3A_922, %reduce_min3A_469, %scan3A_48 : i32
        scf.yield %select_n3A_920, %select_n3A_923 : f32, i32
      }
      %scan3A_34 = arith.constant 20 : i32
      %broadcast_in_dim3A_35 = vector.broadcast %scan3A_33#0 : f32 to vector<16xf32>
      %swap3A = arith.constant 0 : index
      %swap3A_36 = tpu.vector_load %arg7[%swap3A] {strides = array<i32>} : memref<32xf32, #tpu.memory_space<vmem>>, vector<16xf32>,
      tpu.vector_store %arg7[%swap3A], %broadcast_in_dim3A_35 {strides = array<i32>} : memref<32xf32, #tpu.memory_space<vmem>>, vector<16xf32>,
      %broadcast_in_dim3A_37 = vector.broadcast %scan3A_33#0 : f32 to vector<16xf32>
      %swap3A_38 = arith.constant 16 : index
      %swap3A_39 = tpu.vector_load %arg7[%swap3A_38] {strides = array<i32>} : memref<32xf32, #tpu.memory_space<vmem>>, vector<16xf32>,
      tpu.vector_store %arg7[%swap3A_38], %broadcast_in_dim3A_37 {strides = array<i32>} : memref<32xf32, #tpu.memory_space<vmem>>, vector<16xf32>,
      %broadcast_in_dim3A_40 = vector.broadcast %scan3A_33#1 : i32 to vector<16xi32>
      %swap3A_41 = arith.constant 0 : index
      %swap3A_42 = tpu.vector_load %arg8[%swap3A_41] {strides = array<i32>} : memref<32xi32, #tpu.memory_space<vmem>>, vector<16xi32>,
      tpu.vector_store %arg8[%swap3A_41], %broadcast_in_dim3A_40 {strides = array<i32>} : memref<32xi32, #tpu.memory_space<vmem>>, vector<16xi32>,
      %broadcast_in_dim3A_43 = vector.broadcast %scan3A_33#1 : i32 to vector<16xi32>
      %swap3A_44 = arith.constant 16 : index
      %swap3A_45 = tpu.vector_load %arg8[%swap3A_44] {strides = array<i32>} : memref<32xi32, #tpu.memory_space<vmem>>, vector<16xi32>,
      tpu.vector_store %arg8[%swap3A_44], %broadcast_in_dim3A_43 {strides = array<i32>} : memref<32xi32, #tpu.memory_space<vmem>>, vector<16xi32>,
      "tpu.region"() ({
        %run_scoped3A = tpu.sem_alloc : memref<!tpu.dma_semaphore, #tpu.memory_space<semaphore_mem>>
        %dma_start3A = arith.constant 0 : i32
        %dma_start3A_46 = tpu.memref_slice %arg16[%dma_start3A] : memref<512xf32, #tpu.memory_space<vmem_shared>> -> memref<32xf32, #tpu.memory_space<vmem_shared>>
        %dma_start3A_47 = arith.constant 0 : i32
        %dma_start3A_48 = tpu.memref_slice %arg16[%dma_start3A_47] : memref<512xf32, #tpu.memory_space<vmem_shared>> -> memref<32xf32, #tpu.memory_space<vmem_shared>>
        tpu.enqueue_dma source(%arg7 : memref<32xf32, #tpu.memory_space<vmem>>) target(%dma_start3A_48 : memref<32xf32, #tpu.memory_space<vmem_shared>>) target_semaphore(%run_scoped3A : memref<!tpu.dma_semaphore, #tpu.memory_space<semaphore_mem>>)
        %dma_wait3A = arith.constant 0 : i32
        %dma_wait3A_49 = tpu.memref_slice %arg16[%dma_wait3A] : memref<512xf32, #tpu.memory_space<vmem_shared>> -> memref<32xf32, #tpu.memory_space<vmem_shared>>
        %dma_wait3A_50 = arith.constant 0 : i32
        %dma_wait3A_51 = tpu.memref_slice %arg16[%dma_wait3A_50] : memref<512xf32, #tpu.memory_space<vmem_shared>> -> memref<32xf32, #tpu.memory_space<vmem_shared>>
        tpu.wait_dma2 semaphore(%run_scoped3A : memref<!tpu.dma_semaphore, #tpu.memory_space<semaphore_mem>>) src(%arg7 : memref<32xf32, #tpu.memory_space<vmem>>) dst(%dma_wait3A_51 : memref<32xf32, #tpu.memory_space<vmem_shared>>)
        tpu.yield
      }) : () -> ()
      "tpu.region"() ({
        %run_scoped3A = tpu.sem_alloc : memref<!tpu.dma_semaphore, #tpu.memory_space<semaphore_mem>>
        %dma_start3A = arith.constant 0 : i32
        %dma_start3A_46 = tpu.memref_slice %arg17[%dma_start3A] : memref<512xi32, #tpu.memory_space<vmem_shared>> -> memref<32xi32, #tpu.memory_space<vmem_shared>>
        %dma_start3A_47 = arith.constant 0 : i32
        %dma_start3A_48 = tpu.memref_slice %arg17[%dma_start3A_47] : memref<512xi32, #tpu.memory_space<vmem_shared>> -> memref<32xi32, #tpu.memory_space<vmem_shared>>
        tpu.enqueue_dma source(%arg8 : memref<32xi32, #tpu.memory_space<vmem>>) target(%dma_start3A_48 : memref<32xi32, #tpu.memory_space<vmem_shared>>) target_semaphore(%run_scoped3A : memref<!tpu.dma_semaphore, #tpu.memory_space<semaphore_mem>>)
        %dma_wait3A = arith.constant 0 : i32
        %dma_wait3A_49 = tpu.memref_slice %arg17[%dma_wait3A] : memref<512xi32, #tpu.memory_space<vmem_shared>> -> memref<32xi32, #tpu.memory_space<vmem_shared>>
        %dma_wait3A_50 = arith.constant 0 : i32
        %dma_wait3A_51 = tpu.memref_slice %arg17[%dma_wait3A_50] : memref<512xi32, #tpu.memory_space<vmem_shared>> -> memref<32xi32, #tpu.memory_space<vmem_shared>>
        tpu.wait_dma2 semaphore(%run_scoped3A : memref<!tpu.dma_semaphore, #tpu.memory_space<semaphore_mem>>) src(%arg8 : memref<32xi32, #tpu.memory_space<vmem>>) dst(%dma_wait3A_51 : memref<32xi32, #tpu.memory_space<vmem_shared>>)
        tpu.yield
      }) : () -> ()
    } else {
    }
    %barrier3A_13 = arith.constant 0 : index
    tpu.barrier barrier_id(%barrier3A_13)
    %eq3A_14 = arith.constant 0 : i32
    %eq3A_15 = arith.cmpi eq, %arg0, %eq3A_14 : i32
    %convert_element_type3A_16 = arith.extui %eq3A_15 : i1 to i32
    %cond3A_17 = arith.constant 0 : i32
    %cond3A_18 = arith.cmpi ne, %convert_element_type3A_16, %cond3A_17 : i32
    scf.if %cond3A_18 {
      "tpu.region"() ({
        %run_scoped3A = tpu.sem_alloc : memref<!tpu.dma_semaphore, #tpu.memory_space<semaphore_mem>>
        %dma_start3A = arith.constant 0 : i32
        %dma_start3A_82 = tpu.memref_slice %arg16[%dma_start3A] : memref<512xf32, #tpu.memory_space<vmem_shared>> -> memref<32xf32, #tpu.memory_space<vmem_shared>>
        %dma_start3A_83 = arith.constant 0 : i32
        %dma_start3A_84 = tpu.memref_slice %arg16[%dma_start3A_83] : memref<512xf32, #tpu.memory_space<vmem_shared>> -> memref<32xf32, #tpu.memory_space<vmem_shared>>
        tpu.enqueue_dma source(%dma_start3A_84 : memref<32xf32, #tpu.memory_space<vmem_shared>>) target(%arg7 : memref<32xf32, #tpu.memory_space<vmem>>) target_semaphore(%run_scoped3A : memref<!tpu.dma_semaphore, #tpu.memory_space<semaphore_mem>>)
        %dma_wait3A = arith.constant 0 : i32
        %dma_wait3A_85 = tpu.memref_slice %arg16[%dma_wait3A] : memref<512xf32, #tpu.memory_space<vmem_shared>> -> memref<32xf32, #tpu.memory_space<vmem_shared>>
        %dma_wait3A_86 = arith.constant 0 : i32
        %dma_wait3A_87 = tpu.memref_slice %arg16[%dma_wait3A_86] : memref<512xf32, #tpu.memory_space<vmem_shared>> -> memref<32xf32, #tpu.memory_space<vmem_shared>>
        tpu.wait_dma2 semaphore(%run_scoped3A : memref<!tpu.dma_semaphore, #tpu.memory_space<semaphore_mem>>) src(%dma_wait3A_87 : memref<32xf32, #tpu.memory_space<vmem_shared>>) dst(%arg7 : memref<32xf32, #tpu.memory_space<vmem>>)
        tpu.yield
      }) : () -> ()
      "tpu.region"() ({
        %run_scoped3A = tpu.sem_alloc : memref<!tpu.dma_semaphore, #tpu.memory_space<semaphore_mem>>
        %dma_start3A = arith.constant 0 : i32
        %dma_start3A_82 = tpu.memref_slice %arg17[%dma_start3A] : memref<512xi32, #tpu.memory_space<vmem_shared>> -> memref<32xi32, #tpu.memory_space<vmem_shared>>
        %dma_start3A_83 = arith.constant 0 : i32
        %dma_start3A_84 = tpu.memref_slice %arg17[%dma_start3A_83] : memref<512xi32, #tpu.memory_space<vmem_shared>> -> memref<32xi32, #tpu.memory_space<vmem_shared>>
        tpu.enqueue_dma source(%dma_start3A_84 : memref<32xi32, #tpu.memory_space<vmem_shared>>) target(%arg8 : memref<32xi32, #tpu.memory_space<vmem>>) target_semaphore(%run_scoped3A : memref<!tpu.dma_semaphore, #tpu.memory_space<semaphore_mem>>)
        %dma_wait3A = arith.constant 0 : i32
        %dma_wait3A_85 = tpu.memref_slice %arg17[%dma_wait3A] : memref<512xi32, #tpu.memory_space<vmem_shared>> -> memref<32xi32, #tpu.memory_space<vmem_shared>>
        %dma_wait3A_86 = arith.constant 0 : i32
        %dma_wait3A_87 = tpu.memref_slice %arg17[%dma_wait3A_86] : memref<512xi32, #tpu.memory_space<vmem_shared>> -> memref<32xi32, #tpu.memory_space<vmem_shared>>
        tpu.wait_dma2 semaphore(%run_scoped3A : memref<!tpu.dma_semaphore, #tpu.memory_space<semaphore_mem>>) src(%dma_wait3A_87 : memref<32xi32, #tpu.memory_space<vmem_shared>>) dst(%arg8 : memref<32xi32, #tpu.memory_space<vmem>>)
        tpu.yield
      }) : () -> ()
      %get3A = arith.constant 0 : index
      %get3A_28 = tpu.vector_load %arg7[%get3A] {strides = array<i32>} : memref<32xf32, #tpu.memory_space<vmem>>, vector<16xf32>,
      %get3A_29 = arith.constant 0 : index
      %get3A_30 = tpu.vector_load %arg8[%get3A_29] {strides = array<i32>} : memref<32xi32, #tpu.memory_space<vmem>>, vector<16xi32>,
      %add3A = arith.constant 0 : i32
      %add3A_31 = arith.addi %add3A, %mul3A_0 : i32
      "tpu.region"() ({
        %run_scoped3A = tpu.sem_alloc : memref<!tpu.dma_semaphore, #tpu.memory_space<semaphore_mem>>
        %dma_start3A = tpu.memref_slice %arg3[%add3A_31] : memref<196608xf32, #tpu.memory_space<hbm>> -> memref<4096xf32, #tpu.memory_space<hbm>>
        %dma_start3A_82 = tpu.memref_slice %arg3[%add3A_31] : memref<196608xf32, #tpu.memory_space<hbm>> -> memref<4096xf32, #tpu.memory_space<hbm>>
        tpu.enqueue_dma source(%dma_start3A_82 : memref<4096xf32, #tpu.memory_space<hbm>>) target(%arg6 : memref<4096xf32, #tpu.memory_space<vmem>>) target_semaphore(%run_scoped3A : memref<!tpu.dma_semaphore, #tpu.memory_space<semaphore_mem>>)
        %dma_wait3A = tpu.memref_slice %arg3[%add3A_31] : memref<196608xf32, #tpu.memory_space<hbm>> -> memref<4096xf32, #tpu.memory_space<hbm>>
        %dma_wait3A_83 = tpu.memref_slice %arg3[%add3A_31] : memref<196608xf32, #tpu.memory_space<hbm>> -> memref<4096xf32, #tpu.memory_space<hbm>>
        tpu.wait_dma2 semaphore(%run_scoped3A : memref<!tpu.dma_semaphore, #tpu.memory_space<semaphore_mem>>) src(%dma_wait3A_83 : memref<4096xf32, #tpu.memory_space<hbm>>) dst(%arg6 : memref<4096xf32, #tpu.memory_space<vmem>>)
        tpu.yield
      }) : () -> ()
      %broadcast_in_dim3A_32 = arith.constant 0.000000e+00 : f32
      %broadcast_in_dim3A_33 = vector.broadcast %broadcast_in_dim3A_32 : f32 to vector<16xf32>
      %scan3A = arith.constant 0 : i32
      %scan3A_34 = arith.constant 256 : i32
      %scan3A_35 = arith.addi %scan3A, %scan3A_34 : i32
      %scan3A_36 = arith.constant 1 : i32
      %scan3A_37:2 = scf.for %scan3A_82 = %scan3A to %scan3A_35 step %scan3A_36 iter_args(%scan3A_83 = %broadcast_in_dim3A_33, %scan3A_84 = %broadcast_in_dim3A_33) -> (vector<16xf32>, vector<16xf32>)  : i32 {
        %mul3A_85 = arith.constant 16 : i32
        %mul3A_86 = arith.muli %scan3A_82, %mul3A_85 : i32
        %get3A_87 = arith.index_cast %mul3A_86 : i32 to index
        %get3A_88 = tpu.vector_load %arg5[%get3A_87] {strides = array<i32>} : memref<4096xf32, #tpu.memory_space<vmem>>, vector<16xf32>,
        %mul3A_89 = arith.constant 16 : i32
        %mul3A_90 = arith.muli %scan3A_82, %mul3A_89 : i32
        %add3A_91 = arith.addi %mul3A_0, %mul3A_90 : i32
        %add3A_92 = vector.broadcast %add3A_91 : i32 to vector<16xi32>
        %add3A_93 = arith.addi %add3A_92, %iota3A : vector<16xi32>
        %gt3A = arith.cmpf ogt, %get3A_88, %get3A_28 : vector<16xf32>
        %eq3A_94 = arith.cmpf oeq, %get3A_88, %get3A_28 : vector<16xf32>
        %le3A = arith.cmpi sle, %add3A_93, %get3A_30 : vector<16xi32>
        %and3A_95 = arith.andi %eq3A_94, %le3A : vector<16xi1>
        %or3A = arith.ori %gt3A, %and3A_95 : vector<16xi1>
        %jit3A = arith.constant 1.000000e+00 : f32
        %jit3A_96 = arith.constant 0.000000e+00 : f32
        %broadcast_in_dim3A_97 = vector.broadcast %jit3A : f32 to vector<16xf32>
        %broadcast_in_dim3A_98 = vector.broadcast %jit3A_96 : f32 to vector<16xf32>
        %select_n3A = arith.select %or3A, %broadcast_in_dim3A_97, %broadcast_in_dim3A_98 : vector<16xi1>, vector<16xf32>
        %mul3A_99 = arith.constant 16 : i32
        %mul3A_100 = arith.muli %scan3A_82, %mul3A_99 : i32
        %get3A_101 = arith.index_cast %mul3A_100 : i32 to index
        %get3A_102 = tpu.vector_load %arg6[%get3A_101] {strides = array<i32>} : memref<4096xf32, #tpu.memory_space<vmem>>, vector<16xf32>,
        %mul3A_103 = arith.mulf %get3A_102, %select_n3A : vector<16xf32>
        %add3A_104 = arith.addf %scan3A_83, %mul3A_103 : vector<16xf32>
        %mul3A_105 = arith.mulf %mul3A_103, %get3A_102 : vector<16xf32>
        %add3A_106 = arith.addf %scan3A_84, %mul3A_105 : vector<16xf32>
        scf.yield %add3A_104, %add3A_106 : vector<16xf32>, vector<16xf32>
      }
      %scan3A_38 = arith.constant 256 : i32
      %swap3A = arith.constant 0 : index
      %swap3A_39 = tpu.vector_load %arg11[%swap3A] {strides = array<i32>} : memref<128xf32, #tpu.memory_space<vmem>>, vector<16xf32>,
      tpu.vector_store %arg11[%swap3A], %scan3A_37#0 {strides = array<i32>} : memref<128xf32, #tpu.memory_space<vmem>>, vector<16xf32>,
      %swap3A_40 = arith.constant 16 : index
      %swap3A_41 = tpu.vector_load %arg11[%swap3A_40] {strides = array<i32>} : memref<128xf32, #tpu.memory_space<vmem>>, vector<16xf32>,
      tpu.vector_store %arg11[%swap3A_40], %scan3A_37#1 {strides = array<i32>} : memref<128xf32, #tpu.memory_space<vmem>>, vector<16xf32>,
      %add3A_42 = arith.constant 65536 : i32
      %add3A_43 = arith.addi %add3A_42, %mul3A_0 : i32
      "tpu.region"() ({
        %run_scoped3A = tpu.sem_alloc : memref<!tpu.dma_semaphore, #tpu.memory_space<semaphore_mem>>
        %dma_start3A = tpu.memref_slice %arg3[%add3A_43] : memref<196608xf32, #tpu.memory_space<hbm>> -> memref<4096xf32, #tpu.memory_space<hbm>>
        %dma_start3A_82 = tpu.memref_slice %arg3[%add3A_43] : memref<196608xf32, #tpu.memory_space<hbm>> -> memref<4096xf32, #tpu.memory_space<hbm>>
        tpu.enqueue_dma source(%dma_start3A_82 : memref<4096xf32, #tpu.memory_space<hbm>>) target(%arg6 : memref<4096xf32, #tpu.memory_space<vmem>>) target_semaphore(%run_scoped3A : memref<!tpu.dma_semaphore, #tpu.memory_space<semaphore_mem>>)
        %dma_wait3A = tpu.memref_slice %arg3[%add3A_43] : memref<196608xf32, #tpu.memory_space<hbm>> -> memref<4096xf32, #tpu.memory_space<hbm>>
        %dma_wait3A_83 = tpu.memref_slice %arg3[%add3A_43] : memref<196608xf32, #tpu.memory_space<hbm>> -> memref<4096xf32, #tpu.memory_space<hbm>>
        tpu.wait_dma2 semaphore(%run_scoped3A : memref<!tpu.dma_semaphore, #tpu.memory_space<semaphore_mem>>) src(%dma_wait3A_83 : memref<4096xf32, #tpu.memory_space<hbm>>) dst(%arg6 : memref<4096xf32, #tpu.memory_space<vmem>>)
        tpu.yield
      }) : () -> ()
      %broadcast_in_dim3A_44 = arith.constant 0.000000e+00 : f32
      %broadcast_in_dim3A_45 = vector.broadcast %broadcast_in_dim3A_44 : f32 to vector<16xf32>
      %scan3A_46 = arith.constant 0 : i32
      %scan3A_47 = arith.constant 256 : i32
      %scan3A_48 = arith.addi %scan3A_46, %scan3A_47 : i32
      %scan3A_49 = arith.constant 1 : i32
      %scan3A_50:2 = scf.for %scan3A_82 = %scan3A_46 to %scan3A_48 step %scan3A_49 iter_args(%scan3A_83 = %broadcast_in_dim3A_45, %scan3A_84 = %broadcast_in_dim3A_45) -> (vector<16xf32>, vector<16xf32>)  : i32 {
        %mul3A_85 = arith.constant 16 : i32
        %mul3A_86 = arith.muli %scan3A_82, %mul3A_85 : i32
        %get3A_87 = arith.index_cast %mul3A_86 : i32 to index
        %get3A_88 = tpu.vector_load %arg5[%get3A_87] {strides = array<i32>} : memref<4096xf32, #tpu.memory_space<vmem>>, vector<16xf32>,
        %mul3A_89 = arith.constant 16 : i32
        %mul3A_90 = arith.muli %scan3A_82, %mul3A_89 : i32
        %add3A_91 = arith.addi %mul3A_0, %mul3A_90 : i32
        %add3A_92 = vector.broadcast %add3A_91 : i32 to vector<16xi32>
        %add3A_93 = arith.addi %add3A_92, %iota3A : vector<16xi32>
        %gt3A = arith.cmpf ogt, %get3A_88, %get3A_28 : vector<16xf32>
        %eq3A_94 = arith.cmpf oeq, %get3A_88, %get3A_28 : vector<16xf32>
        %le3A = arith.cmpi sle, %add3A_93, %get3A_30 : vector<16xi32>
        %and3A_95 = arith.andi %eq3A_94, %le3A : vector<16xi1>
        %or3A = arith.ori %gt3A, %and3A_95 : vector<16xi1>
        %jit3A = arith.constant 1.000000e+00 : f32
        %jit3A_96 = arith.constant 0.000000e+00 : f32
        %broadcast_in_dim3A_97 = vector.broadcast %jit3A : f32 to vector<16xf32>
        %broadcast_in_dim3A_98 = vector.broadcast %jit3A_96 : f32 to vector<16xf32>
        %select_n3A = arith.select %or3A, %broadcast_in_dim3A_97, %broadcast_in_dim3A_98 : vector<16xi1>, vector<16xf32>
        %mul3A_99 = arith.constant 16 : i32
        %mul3A_100 = arith.muli %scan3A_82, %mul3A_99 : i32
        %get3A_101 = arith.index_cast %mul3A_100 : i32 to index
        %get3A_102 = tpu.vector_load %arg6[%get3A_101] {strides = array<i32>} : memref<4096xf32, #tpu.memory_space<vmem>>, vector<16xf32>,
        %mul3A_103 = arith.mulf %get3A_102, %select_n3A : vector<16xf32>
        %add3A_104 = arith.addf %scan3A_83, %mul3A_103 : vector<16xf32>
        %mul3A_105 = arith.mulf %mul3A_103, %get3A_102 : vector<16xf32>
        %add3A_106 = arith.addf %scan3A_84, %mul3A_105 : vector<16xf32>
        scf.yield %add3A_104, %add3A_106 : vector<16xf32>, vector<16xf32>
      }
      %scan3A_51 = arith.constant 256 : i32
      %swap3A_52 = arith.constant 32 : index
      %swap3A_53 = tpu.vector_load %arg11[%swap3A_52] {strides = array<i32>} : memref<128xf32, #tpu.memory_space<vmem>>, vector<16xf32>,
      tpu.vector_store %arg11[%swap3A_52], %scan3A_50#0 {strides = array<i32>} : memref<128xf32, #tpu.memory_space<vmem>>, vector<16xf32>,
      %swap3A_54 = arith.constant 48 : index
      %swap3A_55 = tpu.vector_load %arg11[%swap3A_54] {strides = array<i32>} : memref<128xf32, #tpu.memory_space<vmem>>, vector<16xf32>,
      tpu.vector_store %arg11[%swap3A_54], %scan3A_50#1 {strides = array<i32>} : memref<128xf32, #tpu.memory_space<vmem>>, vector<16xf32>,
      %add3A_56 = arith.constant 131072 : i32
      %add3A_57 = arith.addi %add3A_56, %mul3A_0 : i32
      "tpu.region"() ({
        %run_scoped3A = tpu.sem_alloc : memref<!tpu.dma_semaphore, #tpu.memory_space<semaphore_mem>>
        %dma_start3A = tpu.memref_slice %arg3[%add3A_57] : memref<196608xf32, #tpu.memory_space<hbm>> -> memref<4096xf32, #tpu.memory_space<hbm>>
        %dma_start3A_82 = tpu.memref_slice %arg3[%add3A_57] : memref<196608xf32, #tpu.memory_space<hbm>> -> memref<4096xf32, #tpu.memory_space<hbm>>
        tpu.enqueue_dma source(%dma_start3A_82 : memref<4096xf32, #tpu.memory_space<hbm>>) target(%arg6 : memref<4096xf32, #tpu.memory_space<vmem>>) target_semaphore(%run_scoped3A : memref<!tpu.dma_semaphore, #tpu.memory_space<semaphore_mem>>)
        %dma_wait3A = tpu.memref_slice %arg3[%add3A_57] : memref<196608xf32, #tpu.memory_space<hbm>> -> memref<4096xf32, #tpu.memory_space<hbm>>
        %dma_wait3A_83 = tpu.memref_slice %arg3[%add3A_57] : memref<196608xf32, #tpu.memory_space<hbm>> -> memref<4096xf32, #tpu.memory_space<hbm>>
        tpu.wait_dma2 semaphore(%run_scoped3A : memref<!tpu.dma_semaphore, #tpu.memory_space<semaphore_mem>>) src(%dma_wait3A_83 : memref<4096xf32, #tpu.memory_space<hbm>>) dst(%arg6 : memref<4096xf32, #tpu.memory_space<vmem>>)
        tpu.yield
      }) : () -> ()
      %broadcast_in_dim3A_58 = arith.constant 0.000000e+00 : f32
      %broadcast_in_dim3A_59 = vector.broadcast %broadcast_in_dim3A_58 : f32 to vector<16xf32>
      %scan3A_60 = arith.constant 0 : i32
      %scan3A_61 = arith.constant 256 : i32
      %scan3A_62 = arith.addi %scan3A_60, %scan3A_61 : i32
      %scan3A_63 = arith.constant 1 : i32
      %scan3A_64:2 = scf.for %scan3A_82 = %scan3A_60 to %scan3A_62 step %scan3A_63 iter_args(%scan3A_83 = %broadcast_in_dim3A_59, %scan3A_84 = %broadcast_in_dim3A_59) -> (vector<16xf32>, vector<16xf32>)  : i32 {
        %mul3A_85 = arith.constant 16 : i32
        %mul3A_86 = arith.muli %scan3A_82, %mul3A_85 : i32
        %get3A_87 = arith.index_cast %mul3A_86 : i32 to index
        %get3A_88 = tpu.vector_load %arg5[%get3A_87] {strides = array<i32>} : memref<4096xf32, #tpu.memory_space<vmem>>, vector<16xf32>,
        %mul3A_89 = arith.constant 16 : i32
        %mul3A_90 = arith.muli %scan3A_82, %mul3A_89 : i32
        %add3A_91 = arith.addi %mul3A_0, %mul3A_90 : i32
        %add3A_92 = vector.broadcast %add3A_91 : i32 to vector<16xi32>
        %add3A_93 = arith.addi %add3A_92, %iota3A : vector<16xi32>
        %gt3A = arith.cmpf ogt, %get3A_88, %get3A_28 : vector<16xf32>
        %eq3A_94 = arith.cmpf oeq, %get3A_88, %get3A_28 : vector<16xf32>
        %le3A = arith.cmpi sle, %add3A_93, %get3A_30 : vector<16xi32>
        %and3A_95 = arith.andi %eq3A_94, %le3A : vector<16xi1>
        %or3A = arith.ori %gt3A, %and3A_95 : vector<16xi1>
        %jit3A = arith.constant 1.000000e+00 : f32
        %jit3A_96 = arith.constant 0.000000e+00 : f32
        %broadcast_in_dim3A_97 = vector.broadcast %jit3A : f32 to vector<16xf32>
        %broadcast_in_dim3A_98 = vector.broadcast %jit3A_96 : f32 to vector<16xf32>
        %select_n3A = arith.select %or3A, %broadcast_in_dim3A_97, %broadcast_in_dim3A_98 : vector<16xi1>, vector<16xf32>
        %mul3A_99 = arith.constant 16 : i32
        %mul3A_100 = arith.muli %scan3A_82, %mul3A_99 : i32
        %get3A_101 = arith.index_cast %mul3A_100 : i32 to index
        %get3A_102 = tpu.vector_load %arg6[%get3A_101] {strides = array<i32>} : memref<4096xf32, #tpu.memory_space<vmem>>, vector<16xf32>,
        %mul3A_103 = arith.mulf %get3A_102, %select_n3A : vector<16xf32>
        %add3A_104 = arith.addf %scan3A_83, %mul3A_103 : vector<16xf32>
        %mul3A_105 = arith.mulf %mul3A_103, %get3A_102 : vector<16xf32>
        %add3A_106 = arith.addf %scan3A_84, %mul3A_105 : vector<16xf32>
        scf.yield %add3A_104, %add3A_106 : vector<16xf32>, vector<16xf32>
      }
      %scan3A_65 = arith.constant 256 : i32
      %swap3A_66 = arith.constant 64 : index
      %swap3A_67 = tpu.vector_load %arg11[%swap3A_66] {strides = array<i32>} : memref<128xf32, #tpu.memory_space<vmem>>, vector<16xf32>,
      tpu.vector_store %arg11[%swap3A_66], %scan3A_64#0 {strides = array<i32>} : memref<128xf32, #tpu.memory_space<vmem>>, vector<16xf32>,
      %swap3A_68 = arith.constant 80 : index
      %swap3A_69 = tpu.vector_load %arg11[%swap3A_68] {strides = array<i32>} : memref<128xf32, #tpu.memory_space<vmem>>, vector<16xf32>,
      tpu.vector_store %arg11[%swap3A_68], %scan3A_64#1 {strides = array<i32>} : memref<128xf32, #tpu.memory_space<vmem>>, vector<16xf32>,
      %broadcast_in_dim3A_70 = arith.constant 0.000000e+00 : f32
      %broadcast_in_dim3A_71 = vector.broadcast %broadcast_in_dim3A_70 : f32 to vector<16xf32>
      %swap3A_72 = arith.constant 96 : index
      %swap3A_73 = tpu.vector_load %arg11[%swap3A_72] {strides = array<i32>} : memref<128xf32, #tpu.memory_space<vmem>>, vector<16xf32>,
      tpu.vector_store %arg11[%swap3A_72], %broadcast_in_dim3A_71 {strides = array<i32>} : memref<128xf32, #tpu.memory_space<vmem>>, vector<16xf32>,
      %broadcast_in_dim3A_74 = arith.constant 0.000000e+00 : f32
      %broadcast_in_dim3A_75 = vector.broadcast %broadcast_in_dim3A_74 : f32 to vector<16xf32>
      %swap3A_76 = arith.constant 112 : index
      %swap3A_77 = tpu.vector_load %arg11[%swap3A_76] {strides = array<i32>} : memref<128xf32, #tpu.memory_space<vmem>>, vector<16xf32>,
      tpu.vector_store %arg11[%swap3A_76], %broadcast_in_dim3A_75 {strides = array<i32>} : memref<128xf32, #tpu.memory_space<vmem>>, vector<16xf32>,
      %mul3A_78 = arith.constant 8 : i32
      %mul3A_79 = arith.muli %arg1, %mul3A_78 : i32
      %mul3A_80 = arith.constant 16 : i32
      %mul3A_81 = arith.muli %mul3A_79, %mul3A_80 : i32
      "tpu.region"() ({
        %run_scoped3A = tpu.sem_alloc : memref<!tpu.dma_semaphore, #tpu.memory_space<semaphore_mem>>
        %dma_start3A = tpu.memref_slice %arg18[%mul3A_81] : memref<2048xf32, #tpu.memory_space<vmem_shared>> -> memref<128xf32, #tpu.memory_space<vmem_shared>>
        %dma_start3A_82 = tpu.memref_slice %arg18[%mul3A_81] : memref<2048xf32, #tpu.memory_space<vmem_shared>> -> memref<128xf32, #tpu.memory_space<vmem_shared>>
        tpu.enqueue_dma source(%arg11 : memref<128xf32, #tpu.memory_space<vmem>>) target(%dma_start3A_82 : memref<128xf32, #tpu.memory_space<vmem_shared>>) target_semaphore(%run_scoped3A : memref<!tpu.dma_semaphore, #tpu.memory_space<semaphore_mem>>)
        %dma_wait3A = tpu.memref_slice %arg18[%mul3A_81] : memref<2048xf32, #tpu.memory_space<vmem_shared>> -> memref<128xf32, #tpu.memory_space<vmem_shared>>
        %dma_wait3A_83 = tpu.memref_slice %arg18[%mul3A_81] : memref<2048xf32, #tpu.memory_space<vmem_shared>> -> memref<128xf32, #tpu.memory_space<vmem_shared>>
        tpu.wait_dma2 semaphore(%run_scoped3A : memref<!tpu.dma_semaphore, #tpu.memory_space<semaphore_mem>>) src(%arg11 : memref<128xf32, #tpu.memory_space<vmem>>) dst(%dma_wait3A_83 : memref<128xf32, #tpu.memory_space<vmem_shared>>)
        tpu.yield
      }) : () -> ()
    } else {
    }
    %barrier3A_19 = arith.constant 0 : index
    tpu.barrier barrier_id(%barrier3A_19)
    %eq3A_20 = arith.constant 0 : i32
    %eq3A_21 = arith.cmpi eq, %arg0, %eq3A_20 : i32
    %eq3A_22 = arith.constant 0 : i32
    %eq3A_23 = arith.cmpi eq, %arg1, %eq3A_22 : i32
    %and3A_24 = arith.andi %eq3A_21, %eq3A_23 : i1
    %convert_element_type3A_25 = arith.extui %and3A_24 : i1 to i32
    %cond3A_26 = arith.constant 0 : i32
    %cond3A_27 = arith.cmpi ne, %convert_element_type3A_25, %cond3A_26 : i32
    scf.if %cond3A_27 {
      "tpu.region"() ({
        %run_scoped3A = tpu.sem_alloc : memref<!tpu.dma_semaphore, #tpu.memory_space<semaphore_mem>>
        tpu.enqueue_dma source(%arg18 : memref<2048xf32, #tpu.memory_space<vmem_shared>>) target(%arg14 : memref<2048xf32, #tpu.memory_space<vmem>>) target_semaphore(%run_scoped3A : memref<!tpu.dma_semaphore, #tpu.memory_space<semaphore_mem>>)
        tpu.wait_dma2 semaphore(%run_scoped3A : memref<!tpu.dma_semaphore, #tpu.memory_space<semaphore_mem>>) src(%arg18 : memref<2048xf32, #tpu.memory_space<vmem_shared>>) dst(%arg14 : memref<2048xf32, #tpu.memory_space<vmem>>)
        tpu.yield
      }) : () -> ()
      %broadcast_in_dim3A_28 = arith.constant 0.000000e+00 : f32
      %broadcast_in_dim3A_29 = vector.broadcast %broadcast_in_dim3A_28 : f32 to vector<16xf32>
      %broadcast_in_dim3A_30 = arith.constant 0.000000e+00 : f32
      %broadcast_in_dim3A_31 = vector.broadcast %broadcast_in_dim3A_30 : f32 to vector<16xf32>
      %get3A = arith.constant 0 : index
      %get3A_32 = tpu.vector_load %arg14[%get3A] {strides = array<i32>} : memref<2048xf32, #tpu.memory_space<vmem>>, vector<16xf32>,
      %add3A = arith.addf %broadcast_in_dim3A_29, %get3A_32 : vector<16xf32>
      %get3A_33 = arith.constant 16 : index
      %get3A_34 = tpu.vector_load %arg14[%get3A_33] {strides = array<i32>} : memref<2048xf32, #tpu.memory_space<vmem>>, vector<16xf32>,
      %add3A_35 = arith.addf %broadcast_in_dim3A_31, %get3A_34 : vector<16xf32>
      %get3A_36 = arith.constant 128 : index
      %get3A_37 = tpu.vector_load %arg14[%get3A_36] {strides = array<i32>} : memref<2048xf32, #tpu.memory_space<vmem>>, vector<16xf32>,
      %add3A_38 = arith.addf %add3A, %get3A_37 : vector<16xf32>
      %get3A_39 = arith.constant 144 : index
      %get3A_40 = tpu.vector_load %arg14[%get3A_39] {strides = array<i32>} : memref<2048xf32, #tpu.memory_space<vmem>>, vector<16xf32>,
      %add3A_41 = arith.addf %add3A_35, %get3A_40 : vector<16xf32>
      %get3A_42 = arith.constant 256 : index
      %get3A_43 = tpu.vector_load %arg14[%get3A_42] {strides = array<i32>} : memref<2048xf32, #tpu.memory_space<vmem>>, vector<16xf32>,
      %add3A_44 = arith.addf %add3A_38, %get3A_43 : vector<16xf32>
      %get3A_45 = arith.constant 272 : index
      %get3A_46 = tpu.vector_load %arg14[%get3A_45] {strides = array<i32>} : memref<2048xf32, #tpu.memory_space<vmem>>, vector<16xf32>,
      %add3A_47 = arith.addf %add3A_41, %get3A_46 : vector<16xf32>
      %get3A_48 = arith.constant 384 : index
      %get3A_49 = tpu.vector_load %arg14[%get3A_48] {strides = array<i32>} : memref<2048xf32, #tpu.memory_space<vmem>>, vector<16xf32>,
      %add3A_50 = arith.addf %add3A_44, %get3A_49 : vector<16xf32>
      %get3A_51 = arith.constant 400 : index
      %get3A_52 = tpu.vector_load %arg14[%get3A_51] {strides = array<i32>} : memref<2048xf32, #tpu.memory_space<vmem>>, vector<16xf32>,
      %add3A_53 = arith.addf %add3A_47, %get3A_52 : vector<16xf32>
      %get3A_54 = arith.constant 512 : index
      %get3A_55 = tpu.vector_load %arg14[%get3A_54] {strides = array<i32>} : memref<2048xf32, #tpu.memory_space<vmem>>, vector<16xf32>,
      %add3A_56 = arith.addf %add3A_50, %get3A_55 : vector<16xf32>
      %get3A_57 = arith.constant 528 : index
      %get3A_58 = tpu.vector_load %arg14[%get3A_57] {strides = array<i32>} : memref<2048xf32, #tpu.memory_space<vmem>>, vector<16xf32>,
      %add3A_59 = arith.addf %add3A_53, %get3A_58 : vector<16xf32>
      %get3A_60 = arith.constant 640 : index
      %get3A_61 = tpu.vector_load %arg14[%get3A_60] {strides = array<i32>} : memref<2048xf32, #tpu.memory_space<vmem>>, vector<16xf32>,
      %add3A_62 = arith.addf %add3A_56, %get3A_61 : vector<16xf32>
      %get3A_63 = arith.constant 656 : index
      %get3A_64 = tpu.vector_load %arg14[%get3A_63] {strides = array<i32>} : memref<2048xf32, #tpu.memory_space<vmem>>, vector<16xf32>,
      %add3A_65 = arith.addf %add3A_59, %get3A_64 : vector<16xf32>
      %get3A_66 = arith.constant 768 : index
      %get3A_67 = tpu.vector_load %arg14[%get3A_66] {strides = array<i32>} : memref<2048xf32, #tpu.memory_space<vmem>>, vector<16xf32>,
      %add3A_68 = arith.addf %add3A_62, %get3A_67 : vector<16xf32>
      %get3A_69 = arith.constant 784 : index
      %get3A_70 = tpu.vector_load %arg14[%get3A_69] {strides = array<i32>} : memref<2048xf32, #tpu.memory_space<vmem>>, vector<16xf32>,
      %add3A_71 = arith.addf %add3A_65, %get3A_70 : vector<16xf32>
      %get3A_72 = arith.constant 896 : index
      %get3A_73 = tpu.vector_load %arg14[%get3A_72] {strides = array<i32>} : memref<2048xf32, #tpu.memory_space<vmem>>, vector<16xf32>,
      %add3A_74 = arith.addf %add3A_68, %get3A_73 : vector<16xf32>
      %get3A_75 = arith.constant 912 : index
      %get3A_76 = tpu.vector_load %arg14[%get3A_75] {strides = array<i32>} : memref<2048xf32, #tpu.memory_space<vmem>>, vector<16xf32>,
      %add3A_77 = arith.addf %add3A_71, %get3A_76 : vector<16xf32>
      %get3A_78 = arith.constant 1024 : index
      %get3A_79 = tpu.vector_load %arg14[%get3A_78] {strides = array<i32>} : memref<2048xf32, #tpu.memory_space<vmem>>, vector<16xf32>,
      %add3A_80 = arith.addf %add3A_74, %get3A_79 : vector<16xf32>
      %get3A_81 = arith.constant 1040 : index
      %get3A_82 = tpu.vector_load %arg14[%get3A_81] {strides = array<i32>} : memref<2048xf32, #tpu.memory_space<vmem>>, vector<16xf32>,
      %add3A_83 = arith.addf %add3A_77, %get3A_82 : vector<16xf32>
      %get3A_84 = arith.constant 1152 : index
      %get3A_85 = tpu.vector_load %arg14[%get3A_84] {strides = array<i32>} : memref<2048xf32, #tpu.memory_space<vmem>>, vector<16xf32>,
      %add3A_86 = arith.addf %add3A_80, %get3A_85 : vector<16xf32>
      %get3A_87 = arith.constant 1168 : index
      %get3A_88 = tpu.vector_load %arg14[%get3A_87] {strides = array<i32>} : memref<2048xf32, #tpu.memory_space<vmem>>, vector<16xf32>,
      %add3A_89 = arith.addf %add3A_83, %get3A_88 : vector<16xf32>
      %get3A_90 = arith.constant 1280 : index
      %get3A_91 = tpu.vector_load %arg14[%get3A_90] {strides = array<i32>} : memref<2048xf32, #tpu.memory_space<vmem>>, vector<16xf32>,
      %add3A_92 = arith.addf %add3A_86, %get3A_91 : vector<16xf32>
      %get3A_93 = arith.constant 1296 : index
      %get3A_94 = tpu.vector_load %arg14[%get3A_93] {strides = array<i32>} : memref<2048xf32, #tpu.memory_space<vmem>>, vector<16xf32>,
      %add3A_95 = arith.addf %add3A_89, %get3A_94 : vector<16xf32>
      %get3A_96 = arith.constant 1408 : index
      %get3A_97 = tpu.vector_load %arg14[%get3A_96] {strides = array<i32>} : memref<2048xf32, #tpu.memory_space<vmem>>, vector<16xf32>,
      %add3A_98 = arith.addf %add3A_92, %get3A_97 : vector<16xf32>
      %get3A_99 = arith.constant 1424 : index
      %get3A_100 = tpu.vector_load %arg14[%get3A_99] {strides = array<i32>} : memref<2048xf32, #tpu.memory_space<vmem>>, vector<16xf32>,
      %add3A_101 = arith.addf %add3A_95, %get3A_100 : vector<16xf32>
      %get3A_102 = arith.constant 1536 : index
      %get3A_103 = tpu.vector_load %arg14[%get3A_102] {strides = array<i32>} : memref<2048xf32, #tpu.memory_space<vmem>>, vector<16xf32>,
      %add3A_104 = arith.addf %add3A_98, %get3A_103 : vector<16xf32>
      %get3A_105 = arith.constant 1552 : index
      %get3A_106 = tpu.vector_load %arg14[%get3A_105] {strides = array<i32>} : memref<2048xf32, #tpu.memory_space<vmem>>, vector<16xf32>,
      %add3A_107 = arith.addf %add3A_101, %get3A_106 : vector<16xf32>
      %get3A_108 = arith.constant 1664 : index
      %get3A_109 = tpu.vector_load %arg14[%get3A_108] {strides = array<i32>} : memref<2048xf32, #tpu.memory_space<vmem>>, vector<16xf32>,
      %add3A_110 = arith.addf %add3A_104, %get3A_109 : vector<16xf32>
      %get3A_111 = arith.constant 1680 : index
      %get3A_112 = tpu.vector_load %arg14[%get3A_111] {strides = array<i32>} : memref<2048xf32, #tpu.memory_space<vmem>>, vector<16xf32>,
      %add3A_113 = arith.addf %add3A_107, %get3A_112 : vector<16xf32>
      %get3A_114 = arith.constant 1792 : index
      %get3A_115 = tpu.vector_load %arg14[%get3A_114] {strides = array<i32>} : memref<2048xf32, #tpu.memory_space<vmem>>, vector<16xf32>,
      %add3A_116 = arith.addf %add3A_110, %get3A_115 : vector<16xf32>
      %get3A_117 = arith.constant 1808 : index
      %get3A_118 = tpu.vector_load %arg14[%get3A_117] {strides = array<i32>} : memref<2048xf32, #tpu.memory_space<vmem>>, vector<16xf32>,
      %add3A_119 = arith.addf %add3A_113, %get3A_118 : vector<16xf32>
      %get3A_120 = arith.constant 1920 : index
      %get3A_121 = tpu.vector_load %arg14[%get3A_120] {strides = array<i32>} : memref<2048xf32, #tpu.memory_space<vmem>>, vector<16xf32>,
      %add3A_122 = arith.addf %add3A_116, %get3A_121 : vector<16xf32>
      %get3A_123 = arith.constant 1936 : index
      %get3A_124 = tpu.vector_load %arg14[%get3A_123] {strides = array<i32>} : memref<2048xf32, #tpu.memory_space<vmem>>, vector<16xf32>,
      %add3A_125 = arith.addf %add3A_119, %get3A_124 : vector<16xf32>
      %reduce_sum3A = arith.constant true
      %reduce_sum3A_126 = vector.broadcast %reduce_sum3A : i1 to vector<16xi1>
      %reduce_sum3A_127 = tpu.scan <sum>, %add3A_122 masked %reduce_sum3A_126 : vector<16xf32>, vector<16xi1> -> vector<16xf32>
      %reduce_sum3A_128 = vector.extract %reduce_sum3A_127[15] : f32 from vector<16xf32>
      %reduce_sum3A_129 = arith.constant true
      %reduce_sum3A_130 = vector.broadcast %reduce_sum3A_129 : i1 to vector<16xi1>
      %reduce_sum3A_131 = tpu.scan <sum>, %add3A_125 masked %reduce_sum3A_130 : vector<16xf32>, vector<16xi1> -> vector<16xf32>
      %reduce_sum3A_132 = vector.extract %reduce_sum3A_131[15] : f32 from vector<16xf32>
      %mul3A_133 = arith.mulf %reduce_sum3A_128, %reduce_sum3A_128 : f32
      %mul3A_134 = arith.constant 5.000000e-02 : f32
      %mul3A_135 = arith.mulf %mul3A_133, %mul3A_134 : f32
      %sub3A = arith.subf %reduce_sum3A_132, %mul3A_135 : f32
      %mul3A_136 = arith.constant 0.0526315793 : f32
      %mul3A_137 = arith.mulf %sub3A, %mul3A_136 : f32
      %add3A_138 = arith.constant 0.000000e+00 : f32
      %add3A_139 = arith.addf %add3A_138, %mul3A_137 : f32
      %broadcast_in_dim3A_140 = arith.constant 0.000000e+00 : f32
      %broadcast_in_dim3A_141 = vector.broadcast %broadcast_in_dim3A_140 : f32 to vector<16xf32>
      %broadcast_in_dim3A_142 = arith.constant 0.000000e+00 : f32
      %broadcast_in_dim3A_143 = vector.broadcast %broadcast_in_dim3A_142 : f32 to vector<16xf32>
      %get3A_144 = arith.constant 32 : index
      %get3A_145 = tpu.vector_load %arg14[%get3A_144] {strides = array<i32>} : memref<2048xf32, #tpu.memory_space<vmem>>, vector<16xf32>,
      %add3A_146 = arith.addf %broadcast_in_dim3A_141, %get3A_145 : vector<16xf32>
      %get3A_147 = arith.constant 48 : index
      %get3A_148 = tpu.vector_load %arg14[%get3A_147] {strides = array<i32>} : memref<2048xf32, #tpu.memory_space<vmem>>, vector<16xf32>,
      %add3A_149 = arith.addf %broadcast_in_dim3A_143, %get3A_148 : vector<16xf32>
      %get3A_150 = arith.constant 160 : index
      %get3A_151 = tpu.vector_load %arg14[%get3A_150] {strides = array<i32>} : memref<2048xf32, #tpu.memory_space<vmem>>, vector<16xf32>,
      %add3A_152 = arith.addf %add3A_146, %get3A_151 : vector<16xf32>
      %get3A_153 = arith.constant 176 : index
      %get3A_154 = tpu.vector_load %arg14[%get3A_153] {strides = array<i32>} : memref<2048xf32, #tpu.memory_space<vmem>>, vector<16xf32>,
      %add3A_155 = arith.addf %add3A_149, %get3A_154 : vector<16xf32>
      %get3A_156 = arith.constant 288 : index
      %get3A_157 = tpu.vector_load %arg14[%get3A_156] {strides = array<i32>} : memref<2048xf32, #tpu.memory_space<vmem>>, vector<16xf32>,
      %add3A_158 = arith.addf %add3A_152, %get3A_157 : vector<16xf32>
      %get3A_159 = arith.constant 304 : index
      %get3A_160 = tpu.vector_load %arg14[%get3A_159] {strides = array<i32>} : memref<2048xf32, #tpu.memory_space<vmem>>, vector<16xf32>,
      %add3A_161 = arith.addf %add3A_155, %get3A_160 : vector<16xf32>
      %get3A_162 = arith.constant 416 : index
      %get3A_163 = tpu.vector_load %arg14[%get3A_162] {strides = array<i32>} : memref<2048xf32, #tpu.memory_space<vmem>>, vector<16xf32>,
      %add3A_164 = arith.addf %add3A_158, %get3A_163 : vector<16xf32>
      %get3A_165 = arith.constant 432 : index
      %get3A_166 = tpu.vector_load %arg14[%get3A_165] {strides = array<i32>} : memref<2048xf32, #tpu.memory_space<vmem>>, vector<16xf32>,
      %add3A_167 = arith.addf %add3A_161, %get3A_166 : vector<16xf32>
      %get3A_168 = arith.constant 544 : index
      %get3A_169 = tpu.vector_load %arg14[%get3A_168] {strides = array<i32>} : memref<2048xf32, #tpu.memory_space<vmem>>, vector<16xf32>,
      %add3A_170 = arith.addf %add3A_164, %get3A_169 : vector<16xf32>
      %get3A_171 = arith.constant 560 : index
      %get3A_172 = tpu.vector_load %arg14[%get3A_171] {strides = array<i32>} : memref<2048xf32, #tpu.memory_space<vmem>>, vector<16xf32>,
      %add3A_173 = arith.addf %add3A_167, %get3A_172 : vector<16xf32>
      %get3A_174 = arith.constant 672 : index
      %get3A_175 = tpu.vector_load %arg14[%get3A_174] {strides = array<i32>} : memref<2048xf32, #tpu.memory_space<vmem>>, vector<16xf32>,
      %add3A_176 = arith.addf %add3A_170, %get3A_175 : vector<16xf32>
      %get3A_177 = arith.constant 688 : index
      %get3A_178 = tpu.vector_load %arg14[%get3A_177] {strides = array<i32>} : memref<2048xf32, #tpu.memory_space<vmem>>, vector<16xf32>,
      %add3A_179 = arith.addf %add3A_173, %get3A_178 : vector<16xf32>
      %get3A_180 = arith.constant 800 : index
      %get3A_181 = tpu.vector_load %arg14[%get3A_180] {strides = array<i32>} : memref<2048xf32, #tpu.memory_space<vmem>>, vector<16xf32>,
      %add3A_182 = arith.addf %add3A_176, %get3A_181 : vector<16xf32>
      %get3A_183 = arith.constant 816 : index
      %get3A_184 = tpu.vector_load %arg14[%get3A_183] {strides = array<i32>} : memref<2048xf32, #tpu.memory_space<vmem>>, vector<16xf32>,
      %add3A_185 = arith.addf %add3A_179, %get3A_184 : vector<16xf32>
      %get3A_186 = arith.constant 928 : index
      %get3A_187 = tpu.vector_load %arg14[%get3A_186] {strides = array<i32>} : memref<2048xf32, #tpu.memory_space<vmem>>, vector<16xf32>,
      %add3A_188 = arith.addf %add3A_182, %get3A_187 : vector<16xf32>
      %get3A_189 = arith.constant 944 : index
      %get3A_190 = tpu.vector_load %arg14[%get3A_189] {strides = array<i32>} : memref<2048xf32, #tpu.memory_space<vmem>>, vector<16xf32>,
      %add3A_191 = arith.addf %add3A_185, %get3A_190 : vector<16xf32>
      %get3A_192 = arith.constant 1056 : index
      %get3A_193 = tpu.vector_load %arg14[%get3A_192] {strides = array<i32>} : memref<2048xf32, #tpu.memory_space<vmem>>, vector<16xf32>,
      %add3A_194 = arith.addf %add3A_188, %get3A_193 : vector<16xf32>
      %get3A_195 = arith.constant 1072 : index
      %get3A_196 = tpu.vector_load %arg14[%get3A_195] {strides = array<i32>} : memref<2048xf32, #tpu.memory_space<vmem>>, vector<16xf32>,
      %add3A_197 = arith.addf %add3A_191, %get3A_196 : vector<16xf32>
      %get3A_198 = arith.constant 1184 : index
      %get3A_199 = tpu.vector_load %arg14[%get3A_198] {strides = array<i32>} : memref<2048xf32, #tpu.memory_space<vmem>>, vector<16xf32>,
      %add3A_200 = arith.addf %add3A_194, %get3A_199 : vector<16xf32>
      %get3A_201 = arith.constant 1200 : index
      %get3A_202 = tpu.vector_load %arg14[%get3A_201] {strides = array<i32>} : memref<2048xf32, #tpu.memory_space<vmem>>, vector<16xf32>,
      %add3A_203 = arith.addf %add3A_197, %get3A_202 : vector<16xf32>
      %get3A_204 = arith.constant 1312 : index
      %get3A_205 = tpu.vector_load %arg14[%get3A_204] {strides = array<i32>} : memref<2048xf32, #tpu.memory_space<vmem>>, vector<16xf32>,
      %add3A_206 = arith.addf %add3A_200, %get3A_205 : vector<16xf32>
      %get3A_207 = arith.constant 1328 : index
      %get3A_208 = tpu.vector_load %arg14[%get3A_207] {strides = array<i32>} : memref<2048xf32, #tpu.memory_space<vmem>>, vector<16xf32>,
      %add3A_209 = arith.addf %add3A_203, %get3A_208 : vector<16xf32>
      %get3A_210 = arith.constant 1440 : index
      %get3A_211 = tpu.vector_load %arg14[%get3A_210] {strides = array<i32>} : memref<2048xf32, #tpu.memory_space<vmem>>, vector<16xf32>,
      %add3A_212 = arith.addf %add3A_206, %get3A_211 : vector<16xf32>
      %get3A_213 = arith.constant 1456 : index
      %get3A_214 = tpu.vector_load %arg14[%get3A_213] {strides = array<i32>} : memref<2048xf32, #tpu.memory_space<vmem>>, vector<16xf32>,
      %add3A_215 = arith.addf %add3A_209, %get3A_214 : vector<16xf32>
      %get3A_216 = arith.constant 1568 : index
      %get3A_217 = tpu.vector_load %arg14[%get3A_216] {strides = array<i32>} : memref<2048xf32, #tpu.memory_space<vmem>>, vector<16xf32>,
      %add3A_218 = arith.addf %add3A_212, %get3A_217 : vector<16xf32>
      %get3A_219 = arith.constant 1584 : index
      %get3A_220 = tpu.vector_load %arg14[%get3A_219] {strides = array<i32>} : memref<2048xf32, #tpu.memory_space<vmem>>, vector<16xf32>,
      %add3A_221 = arith.addf %add3A_215, %get3A_220 : vector<16xf32>
      %get3A_222 = arith.constant 1696 : index
      %get3A_223 = tpu.vector_load %arg14[%get3A_222] {strides = array<i32>} : memref<2048xf32, #tpu.memory_space<vmem>>, vector<16xf32>,
      %add3A_224 = arith.addf %add3A_218, %get3A_223 : vector<16xf32>
      %get3A_225 = arith.constant 1712 : index
      %get3A_226 = tpu.vector_load %arg14[%get3A_225] {strides = array<i32>} : memref<2048xf32, #tpu.memory_space<vmem>>, vector<16xf32>,
      %add3A_227 = arith.addf %add3A_221, %get3A_226 : vector<16xf32>
      %get3A_228 = arith.constant 1824 : index
      %get3A_229 = tpu.vector_load %arg14[%get3A_228] {strides = array<i32>} : memref<2048xf32, #tpu.memory_space<vmem>>, vector<16xf32>,
      %add3A_230 = arith.addf %add3A_224, %get3A_229 : vector<16xf32>
      %get3A_231 = arith.constant 1840 : index
      %get3A_232 = tpu.vector_load %arg14[%get3A_231] {strides = array<i32>} : memref<2048xf32, #tpu.memory_space<vmem>>, vector<16xf32>,
      %add3A_233 = arith.addf %add3A_227, %get3A_232 : vector<16xf32>
      %get3A_234 = arith.constant 1952 : index
      %get3A_235 = tpu.vector_load %arg14[%get3A_234] {strides = array<i32>} : memref<2048xf32, #tpu.memory_space<vmem>>, vector<16xf32>,
      %add3A_236 = arith.addf %add3A_230, %get3A_235 : vector<16xf32>
      %get3A_237 = arith.constant 1968 : index
      %get3A_238 = tpu.vector_load %arg14[%get3A_237] {strides = array<i32>} : memref<2048xf32, #tpu.memory_space<vmem>>, vector<16xf32>,
      %add3A_239 = arith.addf %add3A_233, %get3A_238 : vector<16xf32>
      %reduce_sum3A_240 = arith.constant true
      %reduce_sum3A_241 = vector.broadcast %reduce_sum3A_240 : i1 to vector<16xi1>
      %reduce_sum3A_242 = tpu.scan <sum>, %add3A_236 masked %reduce_sum3A_241 : vector<16xf32>, vector<16xi1> -> vector<16xf32>
      %reduce_sum3A_243 = vector.extract %reduce_sum3A_242[15] : f32 from vector<16xf32>
      %reduce_sum3A_244 = arith.constant true
      %reduce_sum3A_245 = vector.broadcast %reduce_sum3A_244 : i1 to vector<16xi1>
      %reduce_sum3A_246 = tpu.scan <sum>, %add3A_239 masked %reduce_sum3A_245 : vector<16xf32>, vector<16xi1> -> vector<16xf32>
      %reduce_sum3A_247 = vector.extract %reduce_sum3A_246[15] : f32 from vector<16xf32>
      %mul3A_248 = arith.mulf %reduce_sum3A_243, %reduce_sum3A_243 : f32
      %mul3A_249 = arith.constant 5.000000e-02 : f32
      %mul3A_250 = arith.mulf %mul3A_248, %mul3A_249 : f32
      %sub3A_251 = arith.subf %reduce_sum3A_247, %mul3A_250 : f32
      %mul3A_252 = arith.constant 0.0526315793 : f32
      %mul3A_253 = arith.mulf %sub3A_251, %mul3A_252 : f32
      %add3A_254 = arith.addf %add3A_139, %mul3A_253 : f32
      %broadcast_in_dim3A_255 = arith.constant 0.000000e+00 : f32
      %broadcast_in_dim3A_256 = vector.broadcast %broadcast_in_dim3A_255 : f32 to vector<16xf32>
      %broadcast_in_dim3A_257 = arith.constant 0.000000e+00 : f32
      %broadcast_in_dim3A_258 = vector.broadcast %broadcast_in_dim3A_257 : f32 to vector<16xf32>
      %get3A_259 = arith.constant 64 : index
      %get3A_260 = tpu.vector_load %arg14[%get3A_259] {strides = array<i32>} : memref<2048xf32, #tpu.memory_space<vmem>>, vector<16xf32>,
      %add3A_261 = arith.addf %broadcast_in_dim3A_256, %get3A_260 : vector<16xf32>
      %get3A_262 = arith.constant 80 : index
      %get3A_263 = tpu.vector_load %arg14[%get3A_262] {strides = array<i32>} : memref<2048xf32, #tpu.memory_space<vmem>>, vector<16xf32>,
      %add3A_264 = arith.addf %broadcast_in_dim3A_258, %get3A_263 : vector<16xf32>
      %get3A_265 = arith.constant 192 : index
      %get3A_266 = tpu.vector_load %arg14[%get3A_265] {strides = array<i32>} : memref<2048xf32, #tpu.memory_space<vmem>>, vector<16xf32>,
      %add3A_267 = arith.addf %add3A_261, %get3A_266 : vector<16xf32>
      %get3A_268 = arith.constant 208 : index
      %get3A_269 = tpu.vector_load %arg14[%get3A_268] {strides = array<i32>} : memref<2048xf32, #tpu.memory_space<vmem>>, vector<16xf32>,
      %add3A_270 = arith.addf %add3A_264, %get3A_269 : vector<16xf32>
      %get3A_271 = arith.constant 320 : index
      %get3A_272 = tpu.vector_load %arg14[%get3A_271] {strides = array<i32>} : memref<2048xf32, #tpu.memory_space<vmem>>, vector<16xf32>,
      %add3A_273 = arith.addf %add3A_267, %get3A_272 : vector<16xf32>
      %get3A_274 = arith.constant 336 : index
      %get3A_275 = tpu.vector_load %arg14[%get3A_274] {strides = array<i32>} : memref<2048xf32, #tpu.memory_space<vmem>>, vector<16xf32>,
      %add3A_276 = arith.addf %add3A_270, %get3A_275 : vector<16xf32>
      %get3A_277 = arith.constant 448 : index
      %get3A_278 = tpu.vector_load %arg14[%get3A_277] {strides = array<i32>} : memref<2048xf32, #tpu.memory_space<vmem>>, vector<16xf32>,
      %add3A_279 = arith.addf %add3A_273, %get3A_278 : vector<16xf32>
      %get3A_280 = arith.constant 464 : index
      %get3A_281 = tpu.vector_load %arg14[%get3A_280] {strides = array<i32>} : memref<2048xf32, #tpu.memory_space<vmem>>, vector<16xf32>,
      %add3A_282 = arith.addf %add3A_276, %get3A_281 : vector<16xf32>
      %get3A_283 = arith.constant 576 : index
      %get3A_284 = tpu.vector_load %arg14[%get3A_283] {strides = array<i32>} : memref<2048xf32, #tpu.memory_space<vmem>>, vector<16xf32>,
      %add3A_285 = arith.addf %add3A_279, %get3A_284 : vector<16xf32>
      %get3A_286 = arith.constant 592 : index
      %get3A_287 = tpu.vector_load %arg14[%get3A_286] {strides = array<i32>} : memref<2048xf32, #tpu.memory_space<vmem>>, vector<16xf32>,
      %add3A_288 = arith.addf %add3A_282, %get3A_287 : vector<16xf32>
      %get3A_289 = arith.constant 704 : index
      %get3A_290 = tpu.vector_load %arg14[%get3A_289] {strides = array<i32>} : memref<2048xf32, #tpu.memory_space<vmem>>, vector<16xf32>,
      %add3A_291 = arith.addf %add3A_285, %get3A_290 : vector<16xf32>
      %get3A_292 = arith.constant 720 : index
      %get3A_293 = tpu.vector_load %arg14[%get3A_292] {strides = array<i32>} : memref<2048xf32, #tpu.memory_space<vmem>>, vector<16xf32>,
      %add3A_294 = arith.addf %add3A_288, %get3A_293 : vector<16xf32>
      %get3A_295 = arith.constant 832 : index
      %get3A_296 = tpu.vector_load %arg14[%get3A_295] {strides = array<i32>} : memref<2048xf32, #tpu.memory_space<vmem>>, vector<16xf32>,
      %add3A_297 = arith.addf %add3A_291, %get3A_296 : vector<16xf32>
      %get3A_298 = arith.constant 848 : index
      %get3A_299 = tpu.vector_load %arg14[%get3A_298] {strides = array<i32>} : memref<2048xf32, #tpu.memory_space<vmem>>, vector<16xf32>,
      %add3A_300 = arith.addf %add3A_294, %get3A_299 : vector<16xf32>
      %get3A_301 = arith.constant 960 : index
      %get3A_302 = tpu.vector_load %arg14[%get3A_301] {strides = array<i32>} : memref<2048xf32, #tpu.memory_space<vmem>>, vector<16xf32>,
      %add3A_303 = arith.addf %add3A_297, %get3A_302 : vector<16xf32>
      %get3A_304 = arith.constant 976 : index
      %get3A_305 = tpu.vector_load %arg14[%get3A_304] {strides = array<i32>} : memref<2048xf32, #tpu.memory_space<vmem>>, vector<16xf32>,
      %add3A_306 = arith.addf %add3A_300, %get3A_305 : vector<16xf32>
      %get3A_307 = arith.constant 1088 : index
      %get3A_308 = tpu.vector_load %arg14[%get3A_307] {strides = array<i32>} : memref<2048xf32, #tpu.memory_space<vmem>>, vector<16xf32>,
      %add3A_309 = arith.addf %add3A_303, %get3A_308 : vector<16xf32>
      %get3A_310 = arith.constant 1104 : index
      %get3A_311 = tpu.vector_load %arg14[%get3A_310] {strides = array<i32>} : memref<2048xf32, #tpu.memory_space<vmem>>, vector<16xf32>,
      %add3A_312 = arith.addf %add3A_306, %get3A_311 : vector<16xf32>
      %get3A_313 = arith.constant 1216 : index
      %get3A_314 = tpu.vector_load %arg14[%get3A_313] {strides = array<i32>} : memref<2048xf32, #tpu.memory_space<vmem>>, vector<16xf32>,
      %add3A_315 = arith.addf %add3A_309, %get3A_314 : vector<16xf32>
      %get3A_316 = arith.constant 1232 : index
      %get3A_317 = tpu.vector_load %arg14[%get3A_316] {strides = array<i32>} : memref<2048xf32, #tpu.memory_space<vmem>>, vector<16xf32>,
      %add3A_318 = arith.addf %add3A_312, %get3A_317 : vector<16xf32>
      %get3A_319 = arith.constant 1344 : index
      %get3A_320 = tpu.vector_load %arg14[%get3A_319] {strides = array<i32>} : memref<2048xf32, #tpu.memory_space<vmem>>, vector<16xf32>,
      %add3A_321 = arith.addf %add3A_315, %get3A_320 : vector<16xf32>
      %get3A_322 = arith.constant 1360 : index
      %get3A_323 = tpu.vector_load %arg14[%get3A_322] {strides = array<i32>} : memref<2048xf32, #tpu.memory_space<vmem>>, vector<16xf32>,
      %add3A_324 = arith.addf %add3A_318, %get3A_323 : vector<16xf32>
      %get3A_325 = arith.constant 1472 : index
      %get3A_326 = tpu.vector_load %arg14[%get3A_325] {strides = array<i32>} : memref<2048xf32, #tpu.memory_space<vmem>>, vector<16xf32>,
      %add3A_327 = arith.addf %add3A_321, %get3A_326 : vector<16xf32>
      %get3A_328 = arith.constant 1488 : index
      %get3A_329 = tpu.vector_load %arg14[%get3A_328] {strides = array<i32>} : memref<2048xf32, #tpu.memory_space<vmem>>, vector<16xf32>,
      %add3A_330 = arith.addf %add3A_324, %get3A_329 : vector<16xf32>
      %get3A_331 = arith.constant 1600 : index
      %get3A_332 = tpu.vector_load %arg14[%get3A_331] {strides = array<i32>} : memref<2048xf32, #tpu.memory_space<vmem>>, vector<16xf32>,
      %add3A_333 = arith.addf %add3A_327, %get3A_332 : vector<16xf32>
      %get3A_334 = arith.constant 1616 : index
      %get3A_335 = tpu.vector_load %arg14[%get3A_334] {strides = array<i32>} : memref<2048xf32, #tpu.memory_space<vmem>>, vector<16xf32>,
      %add3A_336 = arith.addf %add3A_330, %get3A_335 : vector<16xf32>
      %get3A_337 = arith.constant 1728 : index
      %get3A_338 = tpu.vector_load %arg14[%get3A_337] {strides = array<i32>} : memref<2048xf32, #tpu.memory_space<vmem>>, vector<16xf32>,
      %add3A_339 = arith.addf %add3A_333, %get3A_338 : vector<16xf32>
      %get3A_340 = arith.constant 1744 : index
      %get3A_341 = tpu.vector_load %arg14[%get3A_340] {strides = array<i32>} : memref<2048xf32, #tpu.memory_space<vmem>>, vector<16xf32>,
      %add3A_342 = arith.addf %add3A_336, %get3A_341 : vector<16xf32>
      %get3A_343 = arith.constant 1856 : index
      %get3A_344 = tpu.vector_load %arg14[%get3A_343] {strides = array<i32>} : memref<2048xf32, #tpu.memory_space<vmem>>, vector<16xf32>,
      %add3A_345 = arith.addf %add3A_339, %get3A_344 : vector<16xf32>
      %get3A_346 = arith.constant 1872 : index
      %get3A_347 = tpu.vector_load %arg14[%get3A_346] {strides = array<i32>} : memref<2048xf32, #tpu.memory_space<vmem>>, vector<16xf32>,
      %add3A_348 = arith.addf %add3A_342, %get3A_347 : vector<16xf32>
      %get3A_349 = arith.constant 1984 : index
      %get3A_350 = tpu.vector_load %arg14[%get3A_349] {strides = array<i32>} : memref<2048xf32, #tpu.memory_space<vmem>>, vector<16xf32>,
      %add3A_351 = arith.addf %add3A_345, %get3A_350 : vector<16xf32>
      %get3A_352 = arith.constant 2000 : index
      %get3A_353 = tpu.vector_load %arg14[%get3A_352] {strides = array<i32>} : memref<2048xf32, #tpu.memory_space<vmem>>, vector<16xf32>,
      %add3A_354 = arith.addf %add3A_348, %get3A_353 : vector<16xf32>
      %reduce_sum3A_355 = arith.constant true
      %reduce_sum3A_356 = vector.broadcast %reduce_sum3A_355 : i1 to vector<16xi1>
      %reduce_sum3A_357 = tpu.scan <sum>, %add3A_351 masked %reduce_sum3A_356 : vector<16xf32>, vector<16xi1> -> vector<16xf32>
      %reduce_sum3A_358 = vector.extract %reduce_sum3A_357[15] : f32 from vector<16xf32>
      %reduce_sum3A_359 = arith.constant true
      %reduce_sum3A_360 = vector.broadcast %reduce_sum3A_359 : i1 to vector<16xi1>
      %reduce_sum3A_361 = tpu.scan <sum>, %add3A_354 masked %reduce_sum3A_360 : vector<16xf32>, vector<16xi1> -> vector<16xf32>
      %reduce_sum3A_362 = vector.extract %reduce_sum3A_361[15] : f32 from vector<16xf32>
      %mul3A_363 = arith.mulf %reduce_sum3A_358, %reduce_sum3A_358 : f32
      %mul3A_364 = arith.constant 5.000000e-02 : f32
      %mul3A_365 = arith.mulf %mul3A_363, %mul3A_364 : f32
      %sub3A_366 = arith.subf %reduce_sum3A_362, %mul3A_365 : f32
      %mul3A_367 = arith.constant 0.0526315793 : f32
      %mul3A_368 = arith.mulf %sub3A_366, %mul3A_367 : f32
      %add3A_369 = arith.addf %add3A_254, %mul3A_368 : f32
      %mul3A_370 = arith.constant 2.000000e-02 : f32
      %mul3A_371 = arith.mulf %mul3A_370, %add3A_369 : f32
      %broadcast_in_dim3A_372 = vector.broadcast %mul3A_371 : f32 to vector<16xf32>
      %swap3A = arith.constant 0 : index
      %swap3A_373 = tpu.vector_load %arg15[%swap3A] {strides = array<i32>} : memref<16xf32, #tpu.memory_space<vmem>>, vector<16xf32>,
      tpu.vector_store %arg15[%swap3A], %broadcast_in_dim3A_372 {strides = array<i32>} : memref<16xf32, #tpu.memory_space<vmem>>, vector<16xf32>,
      "tpu.region"() ({
        %run_scoped3A = tpu.sem_alloc : memref<!tpu.dma_semaphore, #tpu.memory_space<semaphore_mem>>
        tpu.enqueue_dma source(%arg15 : memref<16xf32, #tpu.memory_space<vmem>>) target(%arg4 : memref<16xf32, #tpu.memory_space<hbm>>) target_semaphore(%run_scoped3A : memref<!tpu.dma_semaphore, #tpu.memory_space<semaphore_mem>>)
        tpu.wait_dma2 semaphore(%run_scoped3A : memref<!tpu.dma_semaphore, #tpu.memory_space<semaphore_mem>>) src(%arg15 : memref<16xf32, #tpu.memory_space<vmem>>) dst(%arg4 : memref<16xf32, #tpu.memory_space<hbm>>)
        tpu.yield
      }) : () -> ()
    } else {
    }
    return
  }
}

module attributes {stable_mosaic.version = 14 : i64} {
  func.func @_l1_kernel(%arg0: i32, %arg1: memref<1024x2048xf32, #tpu.memory_space<vmem>>, %arg2: memref<1024x2048xf32, #tpu.memory_space<vmem>>, %arg3: memref<1x1xf32, #tpu.memory_space<smem>>, %arg4: memref<1x1xf32, #tpu.memory_space<smem>>) attributes {dimension_semantics = [#tpu.dimension_semantics<arbitrary>], iteration_bounds = array<i64: 16>, scalar_prefetch = 0 : i64, scratch_operands = 1 : i64, tpu.core_type = #tpu.core_type<tc>, window_params = [{transform_indices = @transform_0, window_bounds = array<i64: 1024, 2048>}, {transform_indices = @transform_1, window_bounds = array<i64: 1024, 2048>}, {transform_indices = @transform_2, window_bounds = array<i64: 1, 1>}]} {
    %eq3A = arith.constant 0 : i32
    %eq3A_0 = arith.cmpi eq, %arg0, %eq3A : i32
    %convert_element_type3A = arith.extui %eq3A_0 : i1 to i32
    %cond3A = arith.constant 0 : i32
    %cond3A_1 = arith.cmpi ne, %convert_element_type3A, %cond3A : i32
    scf.if %cond3A_1 {
      %swap3A_21 = arith.constant 0.000000e+00 : f32
      %swap3A_22 = arith.constant 0 : index
      %swap3A_23 = arith.constant 0 : index
      %swap3A_24 = memref.load %arg4[%swap3A_22, %swap3A_23] : memref<1x1xf32, #tpu.memory_space<smem>>
      memref.store %swap3A_21, %arg4[%swap3A_22, %swap3A_23] : memref<1x1xf32, #tpu.memory_space<smem>>
    } else {
    }
    %get3A = arith.constant 0 : index
    %get3A_2 = arith.constant 0 : index
    %get3A_3 = memref.load %arg4[%get3A, %get3A_2] : memref<1x1xf32, #tpu.memory_space<smem>>
    %get3A_4 = arith.constant 0 : index
    %get3A_5 = arith.constant 0 : index
    %get3A_6 = vector.load %arg1[%get3A_4, %get3A_5] : memref<1024x2048xf32, #tpu.memory_space<vmem>>, vector<1024x2048xf32>
    %get3A_7 = arith.constant 0 : index
    %get3A_8 = arith.constant 0 : index
    %get3A_9 = vector.load %arg2[%get3A_7, %get3A_8] : memref<1024x2048xf32, #tpu.memory_space<vmem>>, vector<1024x2048xf32>
    %sub3A = arith.subf %get3A_6, %get3A_9 : vector<1024x2048xf32>
    %abs3A = math.absf %sub3A : vector<1024x2048xf32>
    %reduce_sum3A = vector.shape_cast %abs3A : vector<1024x2048xf32> to vector<1x1024x2048xf32>
    %reduce_sum3A_10 = arith.constant dense<0.000000e+00> : vector<1xf32>
    %reduce_sum3A_11 = vector.multi_reduction <add>, %reduce_sum3A, %reduce_sum3A_10 [1, 2] : vector<1x1024x2048xf32> to vector<1xf32>
    %reduce_sum3A_12 = vector.shape_cast %reduce_sum3A_11 : vector<1xf32> to vector<1x1x1xf32>
    %reduce_sum3A_13 = vector.extract %reduce_sum3A_12[0, 0, 0] : f32 from vector<1x1x1xf32>
    %add3A = arith.addf %get3A_3, %reduce_sum3A_13 : f32
    %swap3A = arith.constant 0 : index
    %swap3A_14 = arith.constant 0 : index
    %swap3A_15 = memref.load %arg4[%swap3A, %swap3A_14] : memref<1x1xf32, #tpu.memory_space<smem>>
    memref.store %add3A, %arg4[%swap3A, %swap3A_14] : memref<1x1xf32, #tpu.memory_space<smem>>
    %eq3A_16 = arith.constant 15 : i32
    %eq3A_17 = arith.cmpi eq, %arg0, %eq3A_16 : i32
    %convert_element_type3A_18 = arith.extui %eq3A_17 : i1 to i32
    %cond3A_19 = arith.constant 0 : i32
    %cond3A_20 = arith.cmpi ne, %convert_element_type3A_18, %cond3A_19 : i32
    scf.if %cond3A_20 {
      %get3A_21 = arith.constant 0 : index
      %get3A_22 = arith.constant 0 : index
      %get3A_23 = memref.load %arg4[%get3A_21, %get3A_22] : memref<1x1xf32, #tpu.memory_space<smem>>
      %div3A = arith.constant 0x4C000000 : f32
      %div3A_24 = arith.divf %get3A_23, %div3A : f32
      %swap3A_25 = arith.constant 0 : index
      %swap3A_26 = arith.constant 0 : index
      %swap3A_27 = memref.load %arg3[%swap3A_25, %swap3A_26] : memref<1x1xf32, #tpu.memory_space<smem>>
      memref.store %div3A_24, %arg3[%swap3A_25, %swap3A_26] : memref<1x1xf32, #tpu.memory_space<smem>>
    } else {
    }
    return
  }
  func.func @transform_0(%arg0: i32) -> (i32, i32) {
    %c0_i32 = arith.constant 0 : i32
    %c0_i32_0 = arith.constant 0 : i32
    return %arg0, %c0_i32 : i32, i32
  }
  func.func @transform_1(%arg0: i32) -> (i32, i32) {
    %c0_i32 = arith.constant 0 : i32
    %c0_i32_0 = arith.constant 0 : i32
    return %arg0, %c0_i32 : i32, i32
  }
  func.func @transform_2(%arg0: i32) -> (i32, i32) {
    %c0_i32 = arith.constant 0 : i32
    %c0_i32_0 = arith.constant 0 : i32
    %c0_i32_1 = arith.constant 0 : i32
    return %c0_i32, %c0_i32_0 : i32, i32
  }
}

</mosaic_0001>

<sc_bundles>
// kernel: kernel.4.cloned.1.call-start
scs
__scs_entry_jumppad:
0x0: {  	(pc) =	sbr.rel $0x88, $3  }
0x1: {  	(tag) =	ssettag $0x0;
	lr =	simm.s32 $0x1  }
0x2: {  	[smem:$0x3F9D] =	sst lr;
	_ =	strace $0xD0000000  }
0x3: {  	_ = 	snop  }
0x4: {  	_ = 	snop  }
0x5: {  	_ = 	snop  }
0x6: {  	_ = 	snop  }
0x7: {  	_ = 	snop  }
__scs_overlays_trampoline_lowered:
0x8: {  	[smem:$0x3FAC] =	sst s0  }
0x9: {  	[smem:$0x3FAD] =	sst s1  }
0xa: {  	[smem:$0x3FAE] =	sst s2  }
0xb: {  	[smem:$0x3FAF] =	sst s3  }
0xc: {  	[smem:$0x3FB0] =	sst s4  }
0xd: {  	[smem:$0x3FB1] =	sst s5  }
0xe: {  	[smem:$0x3FB2] =	sst s6  }
0xf: {  	[smem:$0x3FB3] =	sst s7  }
0x10: {  	[smem:$0x3FB4] =	sst s8  }
0x11: {  	[smem:$0x3FB5] =	sst s9;
	s0 =	simm.s32 @!p0 $0x0  }
0x12: {  	s1 =	sld [smem:$0x3F9B];
	s0 =	simm.s32 @p0 $0x1  }
0x13: {  	[smem:$0x3FB6] =	sst s0;
	s0 =	simm.s32 @!p1 $0x0  }
0x14: {  	s2 =	sld [smem:$0x3F9A];
	s0 =	simm.s32 @p1 $0x1  }
0x15: {  	[smem:$0x3FB7] =	sst s0;
	s0 =	simm.s32 @!p2 $0x0  }
0x16: {  	s3 =	sld [smem:$0x3FDB];
	s0 =	simm.s32 @p2 $0x1  }
0x17: {  	s4 =	simm.s32 $0x1BF5;
	[smem:$0x3FB9] =	sst s0  }
0x18: {  	s0 =	sld [smem:$0x3F9C];
	_ =	swait.ge [sflag:s4], $0x0  }
0x19: {  	s7 =	sld [smem:$0x3F9D]  }
0x1a: {  	s8 =	sadd.s32 $0xFFFFE003, lr  }
0x1b: {  	s9 =	sadd.s32 $0xFFFFFEF7, lr;
	s5 =	simm.s32 $0xFFFFFFFF;
	p2 =	slt.u32 s8, $0xFFFFF086  }
0x1c: {  	p1 =	slt.u32 s9, $0xF7A;
	s5 =	simm.s32 @!p2 $0x0  }
0x1d: {  	s5 =	simm.s32 @p1 $0x1;
	p0 =	seq.s32 s7, s2  }
0x1e: {  	s7 =	smul.u32 @!p0 $0xF7A, s2;
	p2 =	seq.s32 @!p0 s5, $0x0  }
0x1f: {  	s9 =	smul.u32 $0xF7A, s1;
	s8 =	simm.s32 @!p0 $0x1BF5;
	p2 =	por !p2, p0  }
0x20: {  	[sflag:s8] =	ssyncset.s32 @!p0 $0xFFFFF086;
	s6 =	sadd.s32 @!p0 s3, s7;
	s7 =	simm.s32 @!p0 $0x108  }
0x21: {  	s3 =	sadd.s32 s3, s9;
	s6 =	sadd.s32 @!p0 $0x88, s6;
	s7 =	simm.s32 @p2 $0x1082  }
0x22: {  	[simem:s7], [sflag:s8] =	dma.local @!p0 [hbm:s6], $0xF7A  }
0x23: {  	s9 =	sor.u32 $0xD0000000, s2;
	s6 =	simm.s32 $0x108;
	_ =	swait.ge @!p0 [sflag:s8], $0x0  }
0x24: {  	s3 =	sadd.s32 $0x88, s3;
	s6 =	simm.s32 @!p1 $0x1082;
	[sflag:s4] =	ssyncset.s32 $0xFFFFF086  }
0x25: {  	[simem:s6], [sflag:s4] =	dma.local [hbm:s3], $0xF7A  }
0x26: {  	[smem:$0x3F9D] =	sst s1;
	(tag) =	ssettag s2;
	_ =	strace s9  }
0x27: {  	s1 =	sld [smem:$0x3FAD]  }
0x28: {  	s2 =	sld [smem:$0x3FAE]  }
0x29: {  	s4 =	sld [smem:$0x3FB0]  }
0x2a: {  	p0 =	seq.s32 s5, $0x0;
	s5 =	sld [smem:$0x3FB1]  }
0x2b: {  	s6 =	sld [smem:$0x3FB2]  }
0x2c: {  	s7 =	sld [smem:$0x3FB3]  }
0x2d: {  	s3 =	simm.s32 $0x108;
	s8 =	sld [smem:$0x3FB4]  }
0x2e: {  	s3 =	simm.s32 @!p0 $0x1082;
	s9 =	sld [smem:$0x3FB5]  }
0x2f: {  	lr =	sadd.s32 s0, s3;
	s0 =	sld [smem:$0x3FAC]  }
0x30: {  	s3 =	sld [smem:$0x3FAF]  }
0x31: {  	[smem:$0x3FB8] =	sst s10  }
0x32: {  	s10 =	sld [smem:$0x3FB6];
	_ =	sdelay $0x3  }
0x33: {  	p0 =	seq.s32 s10, $0x1;
	s10 =	sld [smem:$0x3FB8];
	_ =	sdelay $0x3  }
0x34: {  	[smem:$0x3FB8] =	sst s10  }
0x35: {  	s10 =	sld [smem:$0x3FB7];
	_ =	sdelay $0x3  }
0x36: {  	p1 =	seq.s32 s10, $0x1;
	s10 =	sld [smem:$0x3FB8];
	_ =	sdelay $0x3  }
0x37: {  	[smem:$0x3FB8] =	sst s10  }
0x38: {  	s10 =	sld [smem:$0x3FB9]  }
0x39: {  	_ = 	snop;
	(pc) =	sbr.ind lr, $3  }
0x3a: {  	_ = 	snop  }
0x3b: {  	_ = 	snop  }
0x3c: {  	p2 =	seq.s32 s10, $0x1;
	s10 =	sld [smem:$0x3FB8]  }
0x3d: {  	_ =	shalt  }
0x3e: {  	_ =	shalt  }
0x3f: {  	_ =	shalt  }
0x40: {  	_ =	shalt  }
0x41: {  	_ =	shalt  }
0x42: {  	_ =	shalt  }
0x43: {  	_ =	shalt  }
0x44: {  	_ =	shalt  }
0x45: {  	_ =	shalt  }
0x46: {  	_ =	shalt  }
0x47: {  	_ =	shalt  }
0x48: {  	_ =	shalt  }
0x49: {  	_ =	shalt  }
0x4a: {  	_ =	shalt  }
0x4b: {  	_ =	shalt  }
0x4c: {  	_ =	shalt  }
0x4d: {  	_ =	shalt  }
0x4e: {  	_ =	shalt  }
0x4f: {  	_ =	shalt  }
0x50: {  	_ =	shalt  }
0x51: {  	_ =	shalt  }
0x52: {  	_ =	shalt  }
0x53: {  	_ =	shalt  }
0x54: {  	_ =	shalt  }
0x55: {  	_ =	shalt  }
0x56: {  	_ =	shalt  }
0x57: {  	_ =	shalt  }
0x58: {  	_ =	shalt  }
0x59: {  	_ =	shalt  }
0x5a: {  	_ =	shalt  }
0x5b: {  	_ =	shalt  }
0x5c: {  	_ =	shalt  }
0x5d: {  	_ =	shalt  }
0x5e: {  	_ =	shalt  }
0x5f: {  	_ =	shalt  }
0x60: {  	_ =	shalt  }
0x61: {  	_ =	shalt  }
0x62: {  	_ =	shalt  }
0x63: {  	_ =	shalt  }
0x64: {  	_ =	shalt  }
0x65: {  	_ =	shalt  }
0x66: {  	_ =	shalt  }
0x67: {  	_ =	shalt  }
0x68: {  	_ =	shalt  }
0x69: {  	_ =	shalt  }
0x6a: {  	_ =	shalt  }
0x6b: {  	_ =	shalt  }
0x6c: {  	_ =	shalt  }
0x6d: {  	_ =	shalt  }
0x6e: {  	_ =	shalt  }
0x6f: {  	_ =	shalt  }
0x70: {  	_ =	shalt  }
0x71: {  	_ =	shalt  }
0x72: {  	_ =	shalt  }
0x73: {  	_ =	shalt  }
0x74: {  	_ =	shalt  }
0x75: {  	_ =	shalt  }
0x76: {  	_ =	shalt  }
0x77: {  	_ =	shalt  }
0x78: {  	_ =	shalt  }
0x79: {  	_ =	shalt  }
0x7a: {  	_ =	shalt  }
0x7b: {  	_ =	shalt  }
0x7c: {  	_ =	shalt  }
0x7d: {  	_ =	shalt  }
0x7e: {  	_ =	shalt  }
0x7f: {  	_ =	shalt  }
0x80: {  	_ =	shalt  }
0x81: {  	_ =	shalt  }
0x82: {  	_ =	shalt  }
0x83: {  	_ =	shalt  }
0x84: {  	_ =	shalt  }
0x85: {  	_ =	shalt  }
0x86: {  	_ =	shalt  }
0x87: {  	_ =	shalt  }
.Lfunc_end0:
.L_simem_size_0:
called_computation_lowered:
.L_overlay_start_0:
0x88: {  	s2 =	sld [smem:$0x3FD9]  }
0x89: {  	s3 =	sld [smem:$0x3FFE];
	_ =	sdelay $0x1  }
0x8a: {  	s1 =	srdreg.scid  }
0x8b: {  	s0 =	sand.u32 $0x1, s1  }
0x8c: {  	s14 =	sshll.u32 s0, $0xA;
	s2 =	sadd.s32 s3, s2  }
0x8d: {  	s2 =	sadd.s32 s2, s14  }
0x8e: {  	[smem:$0x3FC4] =	sst s2  }
0x8f: {  	_ = 	snop  }
0x90: {  	s2 =	sld [smem:$0x3FD0];
	_ =	sdelay $0x2  }
0x91: {  	s4 =	simm.s32 $0xA;
	s5 =	simm.s32 $0x10;
	s15 =	sld [smem:$0x3FC7]  }
0x92: {  	[smem:s5], [sflag:s4] =	dma.local [hbm:s2], $0x1  }
0x93: {  	_ =	swait.eq [sflag:s4], $0x1  }
0x94: {  	[sflag:s4] =	ssyncset.done $0x0  }
0x95: {  	[sflag:s4] =	ssyncadd.s32 $0xFFFFFFFF  }
0x96: {  	s16 =	sld [smem:$0x12];
	(tm) =	ssettm $0x1  }
0x97: {  	s17 =	sld [smem:$0x3FFB];
	_ =	sdelay $0x3  }
0x98: {  	_ =	strace s17  }
0x99: {  	s4 =	sld [smem:$0x3FFC];
	_ =	sdelay $0x3  }
0x9a: {  	_ =	strace s4  }
0x9b: {  	s4 =	sld [smem:$0x3FFD];
	_ =	sdelay $0x3  }
0x9c: {  	_ =	strace s4  }
0x9d: {  	_ =	strace $0x8FFFFFFF  }
0x9e: {  	s18 =	sld [smem:$0x3FDB];
	_ =	sdelay $0x1  }
0x9f: {  	s19 =	simm.s32 $_scs_section_size  }
0xa0: {  	s6 =	simm.s32 $_size__tile_overlayer_lowered;
	s7 =	simm.s32 $_tile_overlayer_lowered  }
0xa1: {  	s22 =	simm.s32 $0x1BFF;
	s21 =	sshll.u32 s7, $0x1;
	s4 =	sadd.s32 s19, s18  }
0xa2: {  	s8 =	simm.s32 $0x0;
	s20 =	sshll.u32 s6, $0x1;
	s6 =	sadd.s32 s21, s4  }
0xa3: {  	[timem:s8], [sflag:s22] =	dma.local [hbm:s6], s20  }
0xa4: {  	_ =	swait.ge [sflag:s22], s20  }
0xa5: {  	s5 =	ssub.s32 $0x0, s20;
	[sflag:s22] =	ssyncset.done $0x0  }
0xa6: {  	[sflag:s22] =	ssyncadd.s32 s5;
	_ =	sdelay $0x1  }
0xa7: {  	s23 =	simm.s32 $0x1B8B  }
0xa8: {  	_ =	swait.ge [sflag:s23], $0x1  }
0xa9: {  	[sflag:s23] =	ssyncset.done $0x0  }
0xaa: {  	s25 =	simm.s32 $0x1B8E;
	s24 =	sld [smem:$0x3FFE];
	[sflag:s23] =	ssyncadd.s32 $0xFFFFFFFF  }
0xab: {  	s26 =	simm.s32 $execute0_lowered;
	[smem:$0x3FD2] =	sst s25  }
0xac: {  	s6 =	sshll.u32 s26, $0x1;
	_ =	strace $0x80000046;
	[dreg:$0x1] =	wrdreg $0xFFFFFFFF  }
0xad: {  	s28 =	simm.s32 $_size_execute0_lowered;
	s4 =	sadd.s32 s4, s6;
	[dreg:$0x0] =	wrdreg $0x0  }
0xae: {  	s6 =	sshll.u32 s28, $0x1;
	[dreg:$0x2] =	wrdreg s4  }
0xaf: {  	[dreg:$0x3] =	wrdreg s6  }
0xb0: {  	[dreg:$0x4] =	wrdreg $0xC0  }
0xb1: {  	_ =	task [dreg:s8], $0x5FFFF  }
0xb2: {  	[dreg:$0x1] =	wrdreg $0xFFFFFFFF  }
0xb3: {  	[dreg:$0x0] =	wrdreg $0x60  }
0xb4: {  	[dreg:$0x2] =	wrdreg s15  }
0xb5: {  	[dreg:$0x3] =	wrdreg s24  }
0xb6: {  	[dreg:$0x4] =	wrdreg s16  }
0xb7: {  	[dreg:$0x5] =	wrdreg $0x2F000  }
0xb8: {  	[dreg:$0x6] =	wrdreg $0x2F200  }
0xb9: {  	[dreg:$0x7] =	wrdreg $0x2F400  }
0xba: {  	[dreg:$0x8] =	wrdreg $0x9  }
0xbb: {  	_ =	task.clear_ibuf [dreg:s8], $0x9FFFF;
	_ =	strace $0x90000046  }
0xbc: {  	s29 =	simm.s32 $0x9;
	_ =	strace $0x80000048  }
0xbd: {  	_ =	swait.ge [sflag:s29], $0x1  }
0xbe: {  	[sflag:s29] =	ssyncadd.s32 $0xFFFFFFFF  }
0xbf: {  	_ =	strace $0x90000048  }
0xc0: {  	_ =	sfence  }
0xc1: {  	s30 =	sld [smem:$0x0];
	_ =	sdelay $0x2  }
0xc2: {  	s31 =	sshll.u32 s1, $0xD;
	s1 =	sshrl.u32 s1, $0x2  }
0xc3: {  	s3 =	sand.u32 $0x4000, s31;
	s1 =	sadd.s32 s1, s30  }
0xc4: {  	s0 =	sor.u32 s3, s0;
	s1 =	sshll.u32 s1, $0x11  }
0xc5: {  	s0 =	sor.u32 s1, s0  }
0xc6: {  	s0 =	sadd.s32 $0x8F2B, s0  }
0xc7: {  	[sflag:s0] =	ssyncadd.remote.s32 $0x1  }
0xc8: {  	_ =	sfence.sel $0xFFFF  }
0xc9: {  	[dreg:$0x0] =	wrdreg $0xFFFFFFFF;
	(pc) =	sbr.abs _section_cstart, $3  }
0xca: {  	[dreg:$0x1] =	wrdreg $0xFFFFFFFF  }
0xcb: {  	_ =	task.clear_ibuf [dreg:s8], $0x2FFFF;
	_ =	strace $0x9FFFFFFF  }
0xcc: {  	(tm) =	ssettm $0x7FFFFFFF  }
0xcd: {  	_ =	shalt  }
tec
execute0_lowered:
.L_overlay_start_1:
0x0: {  	(tag) =	ssettag $0x1  }
0x1: {  	s8 =	rddreg [dreg:$0x0]  }
0x2: {  	s7 =	rddreg [dreg:$0x1]  }
0x3: {  	s1 =	rddreg [dreg:$0x2]  }
0x4: {  	s2 =	rddreg [dreg:$0x3]  }
0x5: {  	s3 =	rddreg [dreg:$0x4]  }
0x6: {  	s5 =	rddreg [dreg:$0x5];
	s9 =	srdreg.scid;
	s6 =	simm.s32 $0x0  }
0x7: {  	s4 =	stileid.u32;
	s17 =	simm.s32 $0x2100;
	s18 =	simm.s32 $0x2180  }
0x8: {  	s20 =	simm.s32 $0x2480;
	s21 =	simm.s32 $0x2000;
	s22 =	simm.s32 $0x2080  }
0x9: {  	s23 =	simm.s32 $0x1000;
	s24 =	simm.s32 $0x2200;
	s25 =	simm.s32 $0x2680  }
0xa: {  	s26 =	simm.s32 $0x2E80;
	s28 =	simm.s32 $0x0;
	s16 =	sand.u32 $0x1, s9  }
0xb: {  	[smem:$0x7FF] =	sst s6;
	s12 =	sshll.u32 s4, $0x9;
	s10 =	sshll.u32 s4, $0x5  }
0xc: {  	s9 =	ssub.s32 $0x2, s16;
	_ =	strace $0x80000047;
	s13 =	sadd.s32 s12, s7  }
0xd: {  	s7 =	sshll.u32 s4, $0xC;
	s8 =	sadd.s32 s8, s12;
	s19 =	sor.u32 s4, s16  }
.Ltmp0:
0xe: {  	s14 =	sshrl.u32 s12, $0x2;
	p0 =	sne.s32 s16, $0x0;
	(pc) =	sbr.rel .LBB2_1-.Ltmp0, $4  }
0xf: {  	s16 =	simm.s32 $0x1;
	s31 =	sshrl.u32 s9, $0x1;
	s11 =	sadd.s32 $0x400, s13  }
0x10: {  	s12 =	sadd.s32 $0x2400, s13;
	s13 =	sadd.s32 $0x4400, s13;
	s14 =	sadd.s32 s14, s5  }
0x11: {  	p1 =	sne.s32 s19, $0x0;
	s19 =	simm.s32 $0x2280;
	s15 =	ssub.s32 s9, s31  }
0x12: {  	v48 =	vlaneseq.u32;
	v40 =	vimm.f32 $0.0e+00;
	s9 =	sadd.s32 s10, s2;
	s10 =	sadd.s32 s10, s3;
	s15 =	smax.u32 s15, $0x1  }
.LBB2_18:
0x13: {  	vm0 =	veq.f32 v5, v2;
	vm1 =	vle.s32 v8, v3  }
0x14: {  	vm2 =	vgt.f32 v5, v2;
	vm0 =	vmand vm1, vm0  }
0x15: {  	vm0 =	vmor vm2, vm0  }
0x16: {  	v59 =	vsel vm0, $0x3F800000, v40  }
0x17: {  	v60 =	vmul.f32 v0, v7;
	v2 =	vmul.f32 v59, v6  }
0x18: {  	v61 =	vadd.f32 v0, v1  }
0x19: {  	v62 =	vadd.f32 v60, v4;
	v63 =	vmul.f32 v2, v6  }
0x1a: {  	[tilespmem:$0x2260] =	vst v40;
	v0 =	vadd.f32 v2, v61  }
0x1b: {  	[tilespmem:$0x2270] =	vst v40;
	v1 =	vadd.f32 v63, v62  }
0x1c: {  	[tilespmem:$0x2240] =	vst v0  }
0x1d: {  	[tilespmem:$0x2250] =	vst v1  }
0x1e: {  	[spmem:s14] =	stream.linear.scatter [tilespmem:s24], [sflag:$0x1], $0x80, $0x38;
	[tilespmem:$0x2FC0] =	vst v63  }
0x1f: {  	_ =	swait.ge [sflag:s16], $0x80  }
0x20: {  	[sflag:s16] =	ssyncset.done $0x0  }
0x21: {  	[sflag:s16] =	ssyncadd.s32 $0xFFFFFF80  }
.LBB2_19:
.Ltmp1:
0x22: {  	(pc) =	sbr.rel @!p1 .LBB2_20-.Ltmp1, $2  }
0x23: {  	_ =	sdelay $0x1  }
0x24: {  	[bflag:$0x0] =	sbarrier.arrive $0xFFFF;
	_ =	sdelay $0x1  }
.LBB2_21:
0x25: {  	s28 =	sadd.s32 $0x1, s28  }
0x26: {  	p2 =	sne.s32 s28, s15  }
.Ltmp2:
0x27: {  	_ = 	snop;
	(pc) =	sbr.rel @!p2 .LBB2_22-.Ltmp2, $1  }
0x28: {  	_ =	sdelay $0x3  }
.LBB2_1:
.Ltmp3:
0x29: {  	(pc) =	sbr.rel @p0 .LBB2_7-.Ltmp3, $1  }
0x2a: {  	_ =	sdelay $0x3  }
0x2b: {  	s29 =	simm.s32 $0x0  }
0x2c: {  	[tilespmem:s29], [sflag:$0x1] =	stream.linear.gather [hbm4b:s8+s29], $0x1000, $0x38;
	[tilespmem:$0x2FC0] =	vst v63  }
0x2d: {  	_ =	swait.ge [sflag:s16], $0x1000  }
0x2e: {  	[sflag:s16] =	ssyncset.done $0x0  }
0x2f: {  	s30 =	simm.s32 $0x0;
	[sflag:s16] =	ssyncadd.s32 $0xFFFFF000  }
0x30: {  	v0 =	vld [tilespmem:s30+$0x0];
	_ =	sdelay $0x3  }
0x31: {  	v42 =	vimm.f32 $-Inf  }
0x32: {  	vm1 =	vgt.f32 v0, v42  }
0x33: {  	v1 =	vsel vm1, v42, v0  }
0x34: {  	vm3 =	vgt.f32 v1, v42  }
0x35: {  	v3 =	vsel vm3, v42, v1  }
0x36: {  	vm4 =	vgt.f32 v3, v42  }
0x37: {  	v4 =	vsel vm4, v42, v3  }
0x38: {  	vm8 =	vgt.f32 v4, v42  }
0x39: {  	v5 =	vsel vm8, v42, v4  }
0x3a: {  	v2 =	vimm.s32 $0x7FFFFFFF;
	v9 =	vor.u32 s7, v48;
	vm5 =	vgt.f32 v5, v42  }
0x3b: {  	v0 =	vsel vm1, v0, v42;
	v10 =	vsel vm1, v2, v9;
	v6 =	vsel vm5, v42, v5  }
0x3c: {  	v15 =	vsel vm1, v9, v2;
	v1 =	vsel vm3, v1, v42;
	vm7 =	vgt.f32 v6, v42  }
0x3d: {  	v12 =	vsel vm3, v2, v10;
	v20 =	vsel vm3, v10, v2;
	v7 =	vsel vm7, v42, v6  }
0x3e: {  	v9 =	vsel vm4, v2, v12;
	v16 =	vsel vm4, v3, v42;
	vm2 =	vgt.f32 v7, v42  }
0x3f: {  	s30 =	simm.s32 $0x10;
	v12 =	vsel vm4, v12, v2;
	v3 =	vsel vm8, v2, v9;
	v8 =	vsel vm2, v42, v7  }
0x40: {  	v10 =	vsel vm5, v2, v3;
	v28 =	vsel vm5, v3, v2;
	v3 =	vld [tilespmem:s30+$0x0];
	vm6 =	vgt.f32 v8, v42  }
0x41: {  	v22 =	vsel vm8, v4, v42;
	v24 =	vsel vm8, v9, v2;
	v11 =	vsel vm6, v42, v8  }
0x42: {  	v26 =	vsel vm5, v5, v42;
	v21 =	vsel vm7, v2, v10;
	vm0 =	vgt.f32 v11, v42  }
0x43: {  	v30 =	vsel vm7, v6, v42;
	v4 =	vsel vm2, v2, v21;
	v13 =	vsel vm0, v42, v11  }
0x44: {  	v33 =	vsel vm2, v7, v42;
	v9 =	vsel vm2, v21, v2;
	vm1 =	vgt.f32 v13, v42  }
0x45: {  	vm9 =	vgt.f32 v3, v0;
	v25 =	vsel vm6, v2, v4;
	v14 =	vsel vm1, v42, v13  }
0x46: {  	v19 =	vsel vm6, v8, v42;
	v8 =	vsel vm7, v10, v2;
	vm4 =	vgt.f32 v14, v42  }
0x47: {  	v35 =	vsel vm9, v3, v0;
	v10 =	vsel vm6, v4, v2;
	v23 =	vsel vm4, v42, v14  }
0x48: {  	v27 =	vsel vm0, v2, v25;
	v18 =	vsel vm0, v11, v42;
	vm3 =	vgt.f32 v23, v42  }
0x49: {  	v29 =	vsel vm1, v2, v27;
	v17 =	vsel vm1, v13, v42;
	v5 =	vsel vm3, v42, v23  }
0x4a: {  	v31 =	vsel vm4, v2, v29;
	v14 =	vsel vm4, v14, v42;
	vm8 =	vgt.f32 v5, v42  }
0x4b: {  	v40 =	vsel vm3, v2, v31;
	v13 =	vsel vm3, v23, v42;
	v32 =	vsel vm8, v42, v5  }
0x4c: {  	s30 =	sadd.s32 $0x10, s7;
	v34 =	vsel vm8, v2, v40;
	v11 =	vsel vm8, v5, v42;
	v5 =	vsel vm9, v0, v3  }
0x4d: {  	v0 =	vor.u32 s30, v48;
	vm5 =	vgt.f32 v32, v42;
	vm2 =	vgt.f32 v5, v1  }
0x4e: {  	v3 =	vsel vm9, v15, v0;
	v4 =	vsel vm9, v0, v15;
	v15 =	vsel vm1, v27, v2  }
0x4f: {  	v23 =	vsel vm5, v34, v2;
	v7 =	vsel vm2, v1, v5;
	v36 =	vsel vm2, v5, v1  }
0x50: {  	v0 =	vsel vm2, v20, v3;
	v3 =	vsel vm2, v3, v20;
	v60 =	vsel vm5, v42, v32  }
0x51: {  	v21 =	vsel vm5, v32, v42;
	vm6 =	vgt.f32 v7, v16;
	vm10 =	vgt.f32 v60, v42  }
0x52: {  	v1 =	vsel vm6, v16, v7;
	v38 =	vsel vm6, v7, v16;
	v7 =	vsel vm6, v12, v0  }
0x53: {  	v5 =	vsel vm6, v0, v12;
	v12 =	vsel vm0, v25, v2;
	v16 =	vsel vm4, v29, v2  }
0x54: {  	v62 =	vsel vm10, v42, v60;
	v25 =	vimm.f32 $-Inf;
	vm2 =	vgt.f32 v1, v22  }
0x55: {  	v29 =	vimm.f32 $-Inf;
	vm14 =	vgt.f32 v62, v42;
	v0 =	vsel vm2, v22, v1  }
0x56: {  	v37 =	vsel vm2, v1, v22;
	v1 =	vsel vm2, v24, v7;
	vm6 =	vgt.f32 v0, v26  }
0x57: {  	[tilespmem:$0x1FFE0] =	vst v3;
	v3 =	vsel vm2, v7, v24;
	v20 =	vsel vm6, v26, v0;
	v39 =	vsel vm6, v0, v26  }
0x58: {  	v26 =	vsel vm8, v40, v2;
	v6 =	vsel vm6, v1, v28;
	vm2 =	vgt.f32 v20, v30  }
0x59: {  	v52 =	vsel vm6, v28, v1;
	v1 =	vsel vm14, v42, v62;
	v0 =	vsel vm2, v30, v20  }
0x5a: {  	v40 =	vimm.s32 $0x7FFFFFFF;
	vm9 =	vgt.f32 v1, v42;
	vm6 =	vgt.f32 v0, v33  }
0x5b: {  	v45 =	vsel vm2, v20, v30;
	v20 =	vsel vm3, v31, v2;
	v55 =	vsel vm6, v33, v0  }
0x5c: {  	v51 =	vsel vm2, v8, v52;
	v24 =	vsel vm9, v42, v1;
	vm7 =	vgt.f32 v55, v19  }
0x5d: {  	v53 =	vsel vm9, v1, v42;
	v31 =	vimm.f32 $-Inf;
	v56 =	vsel vm7, v19, v55  }
0x5e: {  	vm11 =	vgt.f32 v24, v42;
	v41 =	vsel vm6, v0, v33;
	vm0 =	vgt.f32 v56, v18  }
0x5f: {  	v50 =	vsel vm6, v9, v51;
	v0 =	vsel vm5, v2, v34;
	v59 =	vsel vm0, v18, v56  }
0x60: {  	v1 =	vsel vm11, v42, v24;
	v54 =	vsel vm11, v24, v42;
	vm1 =	vgt.f32 v59, v17  }
0x61: {  	v24 =	vimm.f32 $-Inf;
	v33 =	vimm.s32 $0x7FFFFFFF;
	v61 =	vsel vm1, v17, v59  }
0x62: {  	v34 =	vimm.s32 $0x7FFFFFFF;
	v28 =	vsel vm10, v0, v2;
	vm5 =	vgt.f32 v61, v14  }
0x63: {  	v0 =	vsel vm10, v2, v0;
	vm12 =	vgt.f32 v1, v42;
	v63 =	vsel vm5, v14, v61  }
0x64: {  	v46 =	vsel vm7, v10, v50;
	v57 =	vsel vm14, v2, v0;
	vm3 =	vgt.f32 v63, v13  }
0x65: {  	v30 =	vsel vm14, v0, v2;
	v0 =	vsel vm12, v42, v1;
	v22 =	vsel vm3, v13, v63  }
0x66: {  	v32 =	vsel vm9, v57, v2;
	v47 =	vsel vm0, v12, v46;
	vm8 =	vgt.f32 v22, v11  }
0x67: {  	v27 =	vmovc v21;
	vm13 =	vgt.f32 v0, v42;
	v49 =	vsel vm1, v15, v47;
	v58 =	vsel vm8, v11, v22  }
0x68: {  	s31 =	simm.s32 $0x80;
	v44 =	vmovc v23;
	[tilespmem:$0x1FFF0] =	vst v3;
	v43 =	vmovc v28;
	v42 =	vimm.s32 $0x7FFFFFFF;
	v48 =	vsel vm5, v16, v49;
	vm4 =	vgt.f32 v58, v21  }
.LBB2_3:
0x69: {  	s0 =	sshra.s32 s31, $0x2;
	v2 =	vsel vm3, v20, v48  }
0x6a: {  	v3 =	vsel vm9, v42, v57;
	v24 =	vsel vm13, v0, v24;
	v25 =	vsel vm12, v1, v25;
	v57 =	vld [tilespmem:s0+$0x0]  }
0x6b: {  	v29 =	vsel vm10, v60, v29;
	v31 =	vsel vm14, v62, v31;
	v19 =	vsel vm7, v55, v19  }
0x6c: {  	v18 =	vsel vm0, v56, v18;
	v17 =	vsel vm1, v59, v17;
	v14 =	vsel vm5, v61, v14  }
0x6d: {  	v13 =	vsel vm3, v63, v13;
	v11 =	vsel vm8, v22, v11;
	v8 =	vsel vm2, v52, v8  }
0x6e: {  	v9 =	vsel vm6, v51, v9;
	v62 =	vld [tilespmem:$0x1FFE0];
	v7 =	vsel vm11, v40, v3;
	v40 =	vsel vm11, v3, v40  }
0x6f: {  	v3 =	vsel vm12, v33, v7;
	v33 =	vsel vm12, v7, v33;
	vm9 =	vgt.f32 v57, v35  }
0x70: {  	s30 =	sadd.s32 $0x10, s30;
	v7 =	vlaneseq.u32;
	v34 =	vsel vm13, v3, v34;
	v3 =	vsel vm9, v35, v57  }
0x71: {  	v10 =	vsel vm7, v50, v10;
	v7 =	vor.u32 s30, v7;
	vm2 =	vgt.f32 v3, v36  }
0x72: {  	v12 =	vsel vm0, v46, v12;
	v22 =	vsel vm9, v4, v7;
	v61 =	vsel vm2, v36, v3  }
0x73: {  	v36 =	vsel vm2, v3, v36;
	v3 =	vsel vm2, v62, v22;
	v51 =	vsel vm2, v22, v62;
	v22 =	vld [tilespmem:$0x1FFF0]  }
0x74: {  	v15 =	vsel vm1, v47, v15;
	v16 =	vsel vm5, v49, v16;
	vm6 =	vgt.f32 v61, v38  }
0x75: {  	v20 =	vsel vm3, v48, v20;
	v4 =	vsel vm9, v7, v4;
	v7 =	vsel vm6, v38, v61  }
0x76: {  	v38 =	vsel vm6, v61, v38;
	v63 =	vsel vm6, v5, v3;
	vm2 =	vgt.f32 v7, v37  }
0x77: {  	v5 =	vsel vm6, v3, v5;
	v3 =	vsel vm2, v37, v7;
	v37 =	vsel vm2, v7, v37  }
0x78: {  	v7 =	vsel vm2, v22, v63;
	v22 =	vsel vm2, v63, v22;
	vm6 =	vgt.f32 v3, v39  }
0x79: {  	v21 =	vsel vm4, v58, v21;
	v60 =	vsel vm4, v27, v58;
	[tilespmem:$0x1FFF0] =	vst v22;
	v22 =	vsel vm6, v39, v3  }
0x7a: {  	v1 =	vsel vm8, v26, v2;
	v26 =	vsel vm8, v2, v26;
	vm2 =	vgt.f32 v22, v45  }
0x7b: {  	v0 =	vmovc v6;
	vm10 =	vgt.f32 v60, v29;
	v39 =	vsel vm6, v3, v39;
	v2 =	vsel vm2, v45, v22  }
0x7c: {  	v6 =	vsel vm6, v7, v6;
	v52 =	vsel vm6, v0, v7;
	vm6 =	vgt.f32 v2, v41  }
0x7d: {  	v23 =	vsel vm4, v1, v23;
	v62 =	vsel vm10, v29, v60;
	v55 =	vsel vm6, v41, v2  }
0x7e: {  	v35 =	vsel vm9, v57, v35;
	vm14 =	vgt.f32 v62, v31;
	vm7 =	vgt.f32 v55, v19  }
0x7f: {  	v0 =	vsel vm4, v44, v1;
	v1 =	vsel vm14, v31, v62;
	v56 =	vsel vm7, v19, v55  }
0x80: {  	v28 =	vsel vm10, v0, v28;
	v0 =	vsel vm10, v43, v0;
	vm0 =	vgt.f32 v56, v18  }
0x81: {  	vm9 =	vgt.f32 v1, v53;
	v45 =	vsel vm2, v22, v45;
	v59 =	vsel vm0, v18, v56  }
0x82: {  	[tilespmem:$0x1FFE0] =	vst v51;
	v51 =	vsel vm2, v8, v52;
	v57 =	vsel vm14, v30, v0;
	vm1 =	vgt.f32 v59, v17  }
0x83: {  	v42 =	vmovc v32;
	v30 =	vsel vm14, v0, v30;
	v32 =	vsel vm9, v57, v32;
	v61 =	vsel vm1, v17, v59  }
0x84: {  	v41 =	vsel vm6, v2, v41;
	v50 =	vsel vm6, v9, v51;
	vm5 =	vgt.f32 v61, v14  }
0x85: {  	p2 =	sne.s32 s31, $0x3FC0;
	v2 =	vsel vm9, v53, v1;
	v53 =	vsel vm9, v1, v53;
	v63 =	vsel vm5, v14, v61  }
.Ltmp4:
0x86: {  	vm11 =	vgt.f32 v2, v54;
	v46 =	vsel vm7, v10, v50;
	vm3 =	vgt.f32 v63, v13;
	(pc) =	sbr.rel @p2 .LBB2_3-.Ltmp4, $4  }
0x87: {  	v1 =	vsel vm11, v54, v2;
	v54 =	vsel vm11, v2, v54;
	v22 =	vsel vm3, v13, v63  }
0x88: {  	v27 =	vmovc v21;
	vm12 =	vgt.f32 v1, v25;
	v47 =	vsel vm0, v12, v46;
	vm8 =	vgt.f32 v22, v11  }
0x89: {  	v44 =	vmovc v23;
	v0 =	vsel vm12, v25, v1;
	v49 =	vsel vm1, v15, v47;
	v58 =	vsel vm8, v11, v22  }
0x8a: {  	s31 =	sadd.s32 $0x40, s31;
	v43 =	vmovc v28;
	vm13 =	vgt.f32 v0, v24;
	v48 =	vsel vm5, v16, v49;
	vm4 =	vgt.f32 v58, v21  }
0x8b: {  	v2 =	vmax.f32 v35, v36  }
0x8c: {  	v0 =	vsel vm13, v0, v24;
	v1 =	vsel vm12, v1, v25;
	v3 =	vsel vm10, v60, v29  }
0x8d: {  	v7 =	vsel vm14, v62, v31;
	v55 =	vsel vm7, v55, v19;
	v2 =	vmax.f32 v2, v38  }
0x8e: {  	v19 =	vsel vm4, v27, v58;
	v56 =	vsel vm0, v56, v18;
	v2 =	vmax.f32 v2, v37  }
0x8f: {  	v29 =	vsel vm1, v59, v17;
	v18 =	vimm.s32 $0x0;
	v2 =	vmax.f32 v2, v39  }
0x90: {  	v31 =	vsel vm5, v61, v14;
	vm10 =	vgt.f32 v19, v3;
	v2 =	vmax.f32 v2, v45  }
0x91: {  	v25 =	vsel vm3, v63, v13;
	v17 =	vsel vm10, v3, v19;
	v2 =	vmax.f32 v2, v41  }
0x92: {  	v27 =	vsel vm8, v22, v11;
	vm15 =	vgt.f32 v17, v7;
	v2 =	vmax.f32 v2, v55  }
0x93: {  	v11 =	vimm.s32 $0x0;
	v13 =	vsel vm15, v7, v17;
	v2 =	vmax.f32 v2, v56  }
0x94: {  	v21 =	vsel vm4, v58, v21;
	vm14 =	vgt.f32 v13, v53;
	v2 =	vmax.f32 v2, v29  }
0x95: {  	v18 =	vsel vm10, $0xFFFFFFFF, v18;
	v11 =	vsel vm14, $0xFFFFFFFF, v11;
	v2 =	vmax.f32 v2, v31  }
0x96: {  	v24 =	vsel vm10, v19, v3;
	[tilespmem:$0x1FF30] =	vst v11;
	v11 =	vsel vm14, v53, v13;
	v2 =	vmax.f32 v2, v25  }
0x97: {  	v3 =	vimm.s32 $0x0;
	vm10 =	vgt.f32 v11, v54;
	v2 =	vmax.f32 v2, v27  }
0x98: {  	v3 =	vsel vm10, $0xFFFFFFFF, v3;
	v2 =	vmax.f32 v2, v21  }
0x99: {  	v17 =	vsel vm15, v17, v7;
	[tilespmem:$0x1FF40] =	vst v3;
	v3 =	vsel vm10, v54, v11;
	v2 =	vmax.f32 v2, v24  }
0x9a: {  	v19 =	vsel vm14, v13, v53;
	vm14 =	vgt.f32 v3, v1;
	v2 =	vmax.f32 v2, v17  }
0x9b: {  	v13 =	vsel vm10, v11, v54;
	v7 =	vsel vm14, v1, v3;
	v2 =	vmax.f32 v2, v19  }
0x9c: {  	v14 =	vsel vm14, v3, v1;
	vm10 =	vgt.f32 v7, v0;
	v1 =	vmax.f32 v2, v13  }
0x9d: {  	v11 =	vsel vm10, v7, v0;
	v0 =	vmax.f32 v1, v14  }
0x9e: {  	v0 =	vmax.f32 v0, v11  }
0x9f: {  	(xrf0) =	vmax.scan.msk.f32 $0xffff, v0;
	_ =	sdelay $0x5  }
0xa0: {  	v58 =	vld [tilespmem:$0x1FFE0];
	v0, _, _ =	vpop (xrf0)  }
0xa1: {  	v63 =	vbroadcast v0, $0xF  }
0xa2: {  	v2 =	vimm.s32 $0x0  }
0xa3: {  	v2 =	vsel vm10, $0xFFFFFFFF, v2;
	v0 =	vimm.s32 $0x0;
	vm10 =	veq.f32 v36, v63  }
0xa4: {  	v0 =	vsel vm10, $0xFFFFFFFF, v0  }
0xa5: {  	[tilespmem:$0x1FF70] =	vst v0;
	v0 =	vnsel vm10, $0x7FFFFFFF, v58  }
0xa6: {  	vm10 =	vlt.s32 v4, v0  }
0xa7: {  	v1 =	vsel vm10, v4, v0;
	vm10 =	veq.f32 v35, v63  }
0xa8: {  	[tilespmem:$0x1FF50] =	vst v2;
	v2 =	vimm.s32 $0x0;
	v0 =	vsel vm10, v1, v0  }
0xa9: {  	v2 =	vsel vm10, $0xFFFFFFFF, v2;
	vm10 =	vlt.s32 v0, v5  }
0xaa: {  	v54 =	vmov v4;
	v4 =	vmov v5;
	v1 =	vsel vm10, v0, v5;
	v5 =	vld [tilespmem:$0x1FFF0];
	_ =	sdelay $0x2  }
0xab: {  	vm10 =	veq.f32 v38, v63  }
0xac: {  	[tilespmem:$0x1FF60] =	vst v2;
	v2 =	vimm.s32 $0x0;
	v0 =	vsel vm10, v1, v0  }
0xad: {  	v2 =	vsel vm10, $0xFFFFFFFF, v2;
	vm10 =	vlt.s32 v0, v5  }
0xae: {  	v1 =	vsel vm10, v0, v5;
	vm10 =	veq.f32 v37, v63  }
0xaf: {  	[tilespmem:$0x1FF80] =	vst v2;
	v2 =	vimm.s32 $0x0;
	v0 =	vsel vm10, v1, v0  }
0xb0: {  	v2 =	vsel vm10, $0xFFFFFFFF, v2;
	vm10 =	vlt.s32 v0, v6  }
0xb1: {  	v1 =	vsel vm10, v0, v6;
	vm10 =	veq.f32 v39, v63  }
0xb2: {  	v8 =	vsel vm2, v52, v8;
	v0 =	vsel vm10, v1, v0  }
0xb3: {  	[tilespmem:$0x1FF90] =	vst v2;
	v2 =	vimm.s32 $0x0;
	vm2 =	vlt.s32 v0, v8  }
0xb4: {  	v2 =	vsel vm10, $0xFFFFFFFF, v2;
	v1 =	vsel vm2, v0, v8;
	vm2 =	veq.f32 v45, v63  }
0xb5: {  	v9 =	vsel vm6, v51, v9;
	[tilespmem:$0x1FFA0] =	vst v2;
	v2 =	vimm.s32 $0x0;
	v0 =	vsel vm2, v1, v0  }
0xb6: {  	v2 =	vsel vm2, $0xFFFFFFFF, v2;
	vm2 =	vlt.s32 v0, v9  }
0xb7: {  	v1 =	vsel vm2, v0, v9;
	vm2 =	veq.f32 v41, v63  }
0xb8: {  	v10 =	vsel vm7, v50, v10;
	[tilespmem:$0x1FFB0] =	vst v2;
	v2 =	vimm.s32 $0x0;
	v0 =	vsel vm2, v1, v0  }
0xb9: {  	v2 =	vsel vm2, $0xFFFFFFFF, v2;
	vm2 =	vlt.s32 v0, v10  }
0xba: {  	v1 =	vsel vm2, v0, v10;
	vm2 =	veq.f32 v55, v63  }
0xbb: {  	v12 =	vsel vm0, v46, v12;
	v0 =	vsel vm2, v1, v0  }
0xbc: {  	vm0 =	vlt.s32 v0, v12  }
0xbd: {  	v1 =	vsel vm0, v0, v12;
	vm0 =	veq.f32 v56, v63  }
0xbe: {  	v15 =	vsel vm1, v47, v15;
	v0 =	vsel vm0, v1, v0  }
0xbf: {  	[tilespmem:$0x1FFC0] =	vst v2;
	v2 =	vimm.s32 $0x0;
	vm1 =	vlt.s32 v0, v15  }
0xc0: {  	v2 =	vsel vm2, $0xFFFFFFFF, v2;
	v1 =	vsel vm1, v0, v15;
	vm1 =	veq.f32 v29, v63  }
0xc1: {  	v16 =	vsel vm5, v49, v16;
	[tilespmem:$0x1FFD0] =	vst v2;
	v2 =	vimm.s32 $0x0;
	v0 =	vsel vm1, v1, v0  }
0xc2: {  	v2 =	vsel vm1, $0xFFFFFFFF, v2;
	vm1 =	vlt.s32 v0, v16  }
0xc3: {  	vm5 =	veq.f32 v31, v63;
	v1 =	vsel vm1, v0, v16  }
0xc4: {  	[tilespmem:$0x1FF20] =	vst v18;
	v18 =	vsel vm3, v48, v20;
	v0 =	vsel vm5, v1, v0  }
0xc5: {  	vm1 =	vlt.s32 v0, v18  }
0xc6: {  	[tilespmem:$0x1FF10] =	vst v2;
	v1 =	vsel vm3, v20, v48;
	vm3 =	veq.f32 v25, v63;
	v2 =	vsel vm1, v0, v18  }
0xc7: {  	v20 =	vsel vm8, v1, v26;
	v0 =	vsel vm3, v2, v0  }
0xc8: {  	vm1 =	vlt.s32 v0, v20  }
0xc9: {  	vm7 =	veq.f32 v27, v63;
	v1 =	vsel vm8, v26, v1;
	v2 =	vsel vm1, v0, v20  }
0xca: {  	v23 =	vsel vm4, v1, v23;
	v0 =	vsel vm7, v2, v0  }
0xcb: {  	vm1 =	vlt.s32 v0, v23  }
0xcc: {  	v1 =	vsel vm4, v44, v1;
	vm4 =	veq.f32 v21, v63;
	v2 =	vsel vm1, v0, v23  }
0xcd: {  	v0 =	vsel vm4, v2, v0;
	v2 =	vld [tilespmem:$0x1FF20];
	_ =	sdelay $0x4  }
0xce: {  	vm2 =	vnez.u8 v2  }
0xcf: {  	v26 =	vsel vm2, v1, v28  }
0xd0: {  	vm1 =	vlt.s32 v0, v26  }
0xd1: {  	vm8 =	veq.f32 v24, v63;
	v1 =	vsel vm2, v43, v1;
	v2 =	vsel vm1, v0, v26  }
0xd2: {  	v28 =	vsel vm15, v1, v30;
	v0 =	vsel vm8, v2, v0  }
0xd3: {  	vm1 =	vlt.s32 v0, v28  }
0xd4: {  	vm6 =	veq.f32 v17, v63;
	v2 =	vsel vm1, v0, v28  }
0xd5: {  	v0 =	vsel vm6, v2, v0;
	v2 =	vld [tilespmem:$0x1FF30];
	_ =	sdelay $0x4  }
0xd6: {  	v1 =	vsel vm15, v30, v1;
	vm1 =	vnez.u8 v2  }
0xd7: {  	v30 =	vsel vm1, v1, v32  }
0xd8: {  	v1 =	vsel vm1, v32, v1;
	vm1 =	vlt.s32 v0, v30  }
0xd9: {  	vm10 =	veq.f32 v19, v63;
	v3 =	vsel vm1, v0, v30  }
0xda: {  	v0 =	vsel vm10, v3, v0;
	v3 =	vld [tilespmem:$0x1FF40];
	_ =	sdelay $0x3  }
0xdb: {  	v2 =	vsel vm9, v42, v57  }
0xdc: {  	v7 =	vsel vm11, v2, v40;
	v2 =	vsel vm11, v40, v2;
	vm1 =	vnez.u8 v3  }
0xdd: {  	v32 =	vsel vm1, v1, v7;
	v1 =	vsel vm1, v7, v1;
	v7 =	vsel vm12, v2, v33  }
0xde: {  	v2 =	vsel vm12, v33, v2;
	v33 =	vsel vm14, v1, v7;
	v1 =	vsel vm14, v7, v1;
	v7 =	vld [tilespmem:$0x1FF50]  }
0xdf: {  	vm1 =	vlt.s32 v0, v32  }
0xe0: {  	vm9 =	veq.f32 v13, v63;
	v3 =	vsel vm1, v0, v32  }
0xe1: {  	v0 =	vsel vm9, v3, v0  }
0xe2: {  	vm12 =	veq.f32 v14, v63;
	vm1 =	vlt.s32 v0, v33  }
0xe3: {  	v2 =	vsel vm13, v2, v34;
	v3 =	vsel vm1, v0, v33;
	vm1 =	vnez.u8 v7  }
0xe4: {  	v0 =	vsel vm12, v3, v0;
	v34 =	vsel vm1, v1, v2  }
0xe5: {  	vm1 =	vlt.s32 v0, v34  }
0xe6: {  	vm11 =	veq.f32 v11, v63;
	v1 =	vsel vm1, v0, v34  }
0xe7: {  	v0 =	vsel vm11, v1, v0  }
0xe8: {  	v0 =	vxor.u32 $0x80000000, v0  }
0xe9: {  	(xrf0) =	vmin.scan.msk.u32 $0xffff, v0;
	_ =	sdelay $0x5  }
0xea: {  	v0, _, _ =	vpop (xrf0)  }
0xeb: {  	(v2sf) =	vpush v0, $0xF;
	_ =	sdelay $0x2  }
0xec: {  	v0 =	vld [tilespmem:$0x1FF60];
	_ =	sdelay $0x4  }
0xed: {  	vm2 =	vnez.u8 v0;
	v0 =	vld [tilespmem:$0x1FF70];
	_ =	sdelay $0x4  }
0xee: {  	vm14 =	vnez.u8 v0;
	v0 =	vld [tilespmem:$0x1FF80];
	_ =	sdelay $0x1  }
0xef: {  	s0 =	spop (v2sf)  }
0xf0: {  	s31 =	sxor.u32 $0x80000000, s0  }
0xf1: {  	vm13 =	veq.s32 v58, s31  }
0xf2: {  	vm13 =	vmand vm14, vm13;
	vm14 =	vnez.u8 v0;
	v0 =	vld [tilespmem:$0x1FF90];
	_ =	sdelay $0x1  }
0xf3: {  	vm1 =	veq.s32 v54, s31  }
0xf4: {  	vm1 =	vmand vm2, vm1;
	vm2 =	veq.s32 v4, s31  }
0xf5: {  	vm2 =	vmand vm14, vm2  }
0xf6: {  	v40 =	vsel vm2, $0xFF800000, v38;
	vm2 =	vnez.u8 v0;
	v0 =	vld [tilespmem:$0x1FFA0];
	_ =	sdelay $0x4  }
0xf7: {  	vm14 =	vnez.u8 v0;
	v0 =	vld [tilespmem:$0x1FFB0];
	_ =	sdelay $0x1  }
0xf8: {  	v2 =	vld [tilespmem:$0x1FFC0]  }
0xf9: {  	v43 =	vsel vm1, $0xFF800000, v35;
	vm1 =	veq.s32 v5, s31  }
0xfa: {  	v46 =	vsel vm13, $0xFF800000, v36;
	vm13 =	veq.s32 v6, s31;
	vm1 =	vmand vm2, vm1  }
0xfb: {  	vm2 =	veq.s32 v8, s31;
	vm13 =	vmand vm14, vm13;
	vm14 =	vnez.u8 v0  }
0xfc: {  	v49 =	vimm.s32 $0x7FFFFFFF;
	vm2 =	vmand vm14, vm2  }
0xfd: {  	v1 =	vlaneseq.u32;
	v38 =	vsel vm2, $0xFF800000, v45;
	vm2 =	vnez.u8 v2;
	v2 =	vld [tilespmem:$0x1FFD0]  }
0xfe: {  	v48 =	vlaneseq.u32;
	v35 =	vor.u32 $0x10, v1;
	v44 =	vsel vm1, $0xFF800000, v37  }
0xff: {  	vm1 =	veq.s32 v9, s31;
	v37 =	vimm.s32 $0x7FFFFFFF;
	v42 =	vsel vm13, $0xFF800000, v39  }
0x100: {  	v0 =	vmov s29;
	vm1 =	vmand vm2, vm1;
	vm2 =	veq.s32 v12, s31  }
0x101: {  	vm13 =	veq.s32 v10, s31;
	vm0 =	vmand vm0, vm2;
	vm2 =	veq.s32 v0, v35  }
0x102: {  	v45 =	vsel vm1, $0xFF800000, v41;
	vm1 =	veq.s32 v16, s31;
	vm14 =	vnez.u8 v2  }
0x103: {  	vm13 =	vmand vm14, vm13;
	vm14 =	veq.s32 v0, v1;
	v0 =	vimm.f32 $-Inf  }
0x104: {  	v39 =	vsel vm0, $0xFF800000, v56;
	vm0 =	veq.s32 v15, s31;
	v36 =	vsel vm14, v63, v0  }
0x105: {  	s30 =	simm.s32 $0x2;
	s29 =	simm.s32 $0x1;
	v22 =	vsel vm2, v63, v0;
	v41 =	vsel vm13, $0xFF800000, v55;
	v0 =	vmax.f32 v43, v46  }
.LBB2_5:
0x106: {  	v0 =	vmax.f32 v0, v40;
	v1 =	vld [tilespmem:$0x1FF10]  }
0x107: {  	vm1 =	vmand vm5, vm1;
	v0 =	vmax.f32 v0, v44  }
0x108: {  	v31 =	vsel vm1, $0xFF800000, v31;
	vm1 =	veq.s32 v20, s31;
	v0 =	vmax.f32 v0, v42  }
0x109: {  	vm1 =	vmand vm7, vm1;
	v0 =	vmax.f32 v0, v38  }
0x10a: {  	v27 =	vsel vm1, $0xFF800000, v27;
	vm1 =	veq.s32 v26, s31;
	v0 =	vmax.f32 v0, v45  }
0x10b: {  	vm1 =	vmand vm8, vm1;
	vm13 =	vnez.u8 v1;
	v0 =	vmax.f32 v0, v41  }
0x10c: {  	v24 =	vsel vm1, $0xFF800000, v24;
	vm1 =	veq.s32 v30, s31;
	vm0 =	vmand vm13, vm0  }
0x10d: {  	v0 =	vmax.f32 v0, v39;
	v29 =	vsel vm0, $0xFF800000, v29;
	vm0 =	veq.s32 v18, s31  }
0x10e: {  	vm1 =	vmand vm10, vm1;
	vm0 =	vmand vm3, vm0;
	v0 =	vmax.f32 v0, v29  }
0x10f: {  	v25 =	vsel vm0, $0xFF800000, v25;
	vm0 =	veq.s32 v23, s31;
	v0 =	vmax.f32 v0, v31  }
0x110: {  	v19 =	vsel vm1, $0xFF800000, v19;
	vm0 =	vmand vm4, vm0;
	v0 =	vmax.f32 v0, v25  }
0x111: {  	v21 =	vsel vm0, $0xFF800000, v21;
	vm0 =	veq.s32 v28, s31;
	v0 =	vmax.f32 v0, v27  }
0x112: {  	vm1 =	veq.s32 v33, s31;
	vm0 =	vmand vm6, vm0;
	v0 =	vmax.f32 v0, v21  }
0x113: {  	v17 =	vsel vm0, $0xFF800000, v17;
	vm0 =	veq.s32 v32, s31;
	v0 =	vmax.f32 v0, v24  }
0x114: {  	vm1 =	vmand vm12, vm1;
	vm0 =	vmand vm9, vm0;
	v0 =	vmax.f32 v0, v17  }
0x115: {  	v13 =	vsel vm0, $0xFF800000, v13;
	v0 =	vmax.f32 v0, v19;
	vm0 =	veq.s32 v34, s31  }
0x116: {  	v14 =	vsel vm1, $0xFF800000, v14;
	v0 =	vmax.f32 v0, v13;
	vm0 =	vmand vm11, vm0  }
0x117: {  	v0 =	vmax.f32 v0, v14;
	v11 =	vsel vm0, $0xFF800000, v11  }
0x118: {  	v0 =	vmax.f32 v0, v11  }
0x119: {  	(xrf0) =	vmax.scan.msk.f32 $0xffff, v0;
	_ =	sdelay $0x5  }
0x11a: {  	v0, _, _ =	vpop (xrf0)  }
0x11b: {  	v47 =	vbroadcast v0, $0xF;
	v0 =	vmov s29  }
0x11c: {  	vm1 =	veq.s32 v0, v48;
	vm0 =	veq.s32 v0, v35;
	v0 =	vimm.s32 $0x0  }
0x11d: {  	v0 =	vsel vm0, $0xFFFFFFFF, v0  }
0x11e: {  	v37 =	vsel vm2, s31, v37;
	vm2 =	veq.f32 v46, v47;
	[tilespmem:$0x1FF00] =	vst v0;
	v0 =	vimm.s32 $0x0  }
0x11f: {  	v0 =	vsel vm2, $0xFFFFFFFF, v0  }
0x120: {  	v1 =	vimm.s32 $0x0;
	[tilespmem:$0x1FE90] =	vst v0;
	v0 =	vnsel vm2, $0x7FFFFFFF, v58  }
0x121: {  	v1 =	vsel vm1, $0xFFFFFFFF, v1;
	v22 =	vsel vm0, v47, v22;
	vm0 =	vlt.s32 v54, v0  }
0x122: {  	v36 =	vsel vm1, v47, v36;
	vm13 =	veq.f32 v43, v47;
	[tilespmem:$0x1FEF0] =	vst v1;
	v1 =	vsel vm0, v54, v0  }
0x123: {  	vm1 =	veq.f32 v40, v47;
	v0 =	vsel vm13, v1, v0;
	v1 =	vimm.s32 $0x0  }
0x124: {  	vm0 =	vlt.s32 v0, v4;
	v1 =	vsel vm1, $0xFFFFFFFF, v1  }
0x125: {  	[tilespmem:$0x1FEA0] =	vst v1;
	v1 =	vsel vm0, v0, v4  }
0x126: {  	v0 =	vsel vm1, v1, v0;
	vm1 =	veq.f32 v44, v47;
	v1 =	vimm.s32 $0x0  }
0x127: {  	vm0 =	vlt.s32 v0, v5;
	v1 =	vsel vm1, $0xFFFFFFFF, v1  }
0x128: {  	[tilespmem:$0x1FEB0] =	vst v1;
	v1 =	vsel vm0, v0, v5  }
0x129: {  	v0 =	vsel vm1, v1, v0;
	vm1 =	veq.f32 v42, v47;
	v1 =	vimm.s32 $0x0  }
0x12a: {  	vm0 =	vlt.s32 v0, v6;
	v1 =	vsel vm1, $0xFFFFFFFF, v1  }
0x12b: {  	[tilespmem:$0x1FEC0] =	vst v1;
	v1 =	vsel vm0, v0, v6  }
0x12c: {  	v0 =	vsel vm1, v1, v0;
	vm1 =	veq.f32 v38, v47;
	v1 =	vimm.s32 $0x0  }
0x12d: {  	vm0 =	vlt.s32 v0, v8;
	v1 =	vsel vm1, $0xFFFFFFFF, v1  }
0x12e: {  	[tilespmem:$0x1FED0] =	vst v1;
	v1 =	vsel vm0, v0, v8  }
0x12f: {  	v0 =	vsel vm1, v1, v0;
	vm1 =	veq.f32 v45, v47;
	v1 =	vimm.s32 $0x0  }
0x130: {  	vm0 =	vlt.s32 v0, v9;
	v1 =	vsel vm1, $0xFFFFFFFF, v1  }
0x131: {  	[tilespmem:$0x1FEE0] =	vst v1;
	v1 =	vsel vm0, v0, v9  }
0x132: {  	v0 =	vsel vm1, v1, v0  }
0x133: {  	vm0 =	vlt.s32 v0, v10  }
0x134: {  	vm1 =	veq.f32 v41, v47;
	v1 =	vsel vm0, v0, v10  }
0x135: {  	v0 =	vsel vm1, v1, v0  }
0x136: {  	vm2 =	vlt.s32 v0, v12  }
0x137: {  	vm0 =	veq.f32 v39, v47;
	v1 =	vsel vm2, v0, v12  }
0x138: {  	v0 =	vsel vm0, v1, v0  }
0x139: {  	vm3 =	vlt.s32 v0, v15  }
0x13a: {  	vm2 =	veq.f32 v29, v47;
	v1 =	vsel vm3, v0, v15  }
0x13b: {  	v0 =	vsel vm2, v1, v0  }
0x13c: {  	vm3 =	vlt.s32 v0, v16  }
0x13d: {  	vm5 =	veq.f32 v31, v47;
	v1 =	vsel vm3, v0, v16  }
0x13e: {  	v0 =	vsel vm5, v1, v0  }
0x13f: {  	vm4 =	vlt.s32 v0, v18  }
0x140: {  	vm3 =	veq.f32 v25, v47;
	v1 =	vsel vm4, v0, v18  }
0x141: {  	v0 =	vsel vm3, v1, v0  }
0x142: {  	vm4 =	vlt.s32 v0, v20  }
0x143: {  	vm7 =	veq.f32 v27, v47;
	v1 =	vsel vm4, v0, v20  }
0x144: {  	v0 =	vsel vm7, v1, v0  }
0x145: {  	vm6 =	vlt.s32 v0, v23  }
0x146: {  	vm4 =	veq.f32 v21, v47;
	v1 =	vsel vm6, v0, v23  }
0x147: {  	v0 =	vsel vm4, v1, v0  }
0x148: {  	vm6 =	vlt.s32 v0, v26  }
0x149: {  	vm8 =	veq.f32 v24, v47;
	v1 =	vsel vm6, v0, v26  }
0x14a: {  	v0 =	vsel vm8, v1, v0  }
0x14b: {  	vm9 =	vlt.s32 v0, v28  }
0x14c: {  	vm6 =	veq.f32 v17, v47;
	v1 =	vsel vm9, v0, v28  }
0x14d: {  	v0 =	vsel vm6, v1, v0  }
0x14e: {  	vm9 =	vlt.s32 v0, v30  }
0x14f: {  	vm10 =	veq.f32 v19, v47;
	v1 =	vsel vm9, v0, v30  }
0x150: {  	v0 =	vsel vm10, v1, v0  }
0x151: {  	vm11 =	vlt.s32 v0, v32  }
0x152: {  	vm9 =	veq.f32 v13, v47;
	v1 =	vsel vm11, v0, v32  }
0x153: {  	v0 =	vsel vm9, v1, v0  }
0x154: {  	vm11 =	vlt.s32 v0, v33  }
0x155: {  	vm12 =	veq.f32 v14, v47;
	v1 =	vsel vm11, v0, v33  }
0x156: {  	v2 =	vimm.s32 $0x0;
	v0 =	vsel vm12, v1, v0  }
0x157: {  	v2 =	vsel vm2, $0xFFFFFFFF, v2;
	vm2 =	vlt.s32 v0, v34  }
0x158: {  	vm11 =	veq.f32 v11, v47;
	v1 =	vsel vm2, v0, v34  }
0x159: {  	v0 =	vsel vm11, v1, v0  }
0x15a: {  	v0 =	vxor.u32 $0x80000000, v0  }
0x15b: {  	(xrf0) =	vmin.scan.msk.u32 $0xffff, v0;
	_ =	sdelay $0x5  }
0x15c: {  	v0, _, _ =	vpop (xrf0)  }
0x15d: {  	(v2sf) =	vpush v0, $0xF;
	_ =	sdelay $0xc  }
0x15e: {  	v0 =	vld [tilespmem:$0x1FE90];
	_ =	sdelay $0x1  }
0x15f: {  	s0 =	spop (v2sf)  }
0x160: {  	v49 =	vsel vm14, s31, v49;
	s31 =	sxor.u32 $0x80000000, s0  }
0x161: {  	vm2 =	veq.s32 v54, s31  }
0x162: {  	vm2 =	vmand vm13, vm2;
	vm13 =	vnez.u8 v0;
	v0 =	vld [tilespmem:$0x1FEA0];
	_ =	sdelay $0x3  }
0x163: {  	vm15 =	veq.s32 v58, s31  }
0x164: {  	vm15 =	vmand vm13, vm15;
	vm13 =	vnez.u8 v0;
	v0 =	vld [tilespmem:$0x1FEB0];
	_ =	sdelay $0x3  }
0x165: {  	vm14 =	veq.s32 v4, s31  }
0x166: {  	vm14 =	vmand vm13, vm14;
	vm13 =	vnez.u8 v0;
	v0 =	vld [tilespmem:$0x1FEC0];
	_ =	sdelay $0x3  }
0x167: {  	v43 =	vsel vm2, $0xFF800000, v43;
	vm2 =	veq.s32 v5, s31  }
0x168: {  	vm2 =	vmand vm13, vm2;
	vm13 =	vnez.u8 v0;
	v0 =	vld [tilespmem:$0x1FED0];
	_ =	sdelay $0x3  }
0x169: {  	v40 =	vsel vm14, $0xFF800000, v40;
	vm14 =	veq.s32 v6, s31  }
0x16a: {  	vm14 =	vmand vm13, vm14;
	vm13 =	vnez.u8 v0;
	v0 =	vld [tilespmem:$0x1FEE0];
	_ =	sdelay $0x3  }
0x16b: {  	v46 =	vsel vm15, $0xFF800000, v46;
	vm15 =	veq.s32 v8, s31  }
0x16c: {  	vm13 =	vmand vm13, vm15;
	vm15 =	vnez.u8 v0;
	v0 =	vld [tilespmem:$0x1FEF0];
	_ =	sdelay $0x3  }
0x16d: {  	v42 =	vsel vm14, $0xFF800000, v42;
	vm14 =	veq.s32 v12, s31  }
0x16e: {  	p2 =	sne.s32 s30, $0x13;
	vm0 =	vmand vm0, vm14;
	vm14 =	vnez.u8 v0;
	v0 =	vld [tilespmem:$0x1FF00]  }
.Ltmp5:
0x16f: {  	v44 =	vsel vm2, $0xFF800000, v44;
	(pc) =	sbr.rel @p2 .LBB2_5-.Ltmp5, $4  }
0x170: {  	vm2 =	veq.s32 v9, s31;
	v38 =	vsel vm13, $0xFF800000, v38;
	vm13 =	veq.s32 v10, s31  }
0x171: {  	v39 =	vsel vm0, $0xFF800000, v39;
	vm0 =	veq.s32 v15, s31;
	vm1 =	vmand vm1, vm13  }
0x172: {  	v41 =	vsel vm1, $0xFF800000, v41;
	vm1 =	veq.s32 v16, s31;
	vm2 =	vmand vm15, vm2  }
0x173: {  	s29 =	smov.u32 s30;
	s30 =	sadd.s32 $0x1, s30;
	[tilespmem:$0x1FF10] =	vst v2;
	v45 =	vsel vm2, $0xFF800000, v45;
	vm2 =	vnez.u8 v0;
	v0 =	vmax.f32 v43, v46  }
0x174: {  	v1 =	vld [tilespmem:$0x1FF10]  }
0x175: {  	v0 =	vmax.f32 v0, v40;
	vm1 =	vmand vm5, vm1  }
0x176: {  	vm15 =	veq.s32 v18, s31;
	vm5 =	veq.s32 v20, s31;
	v0 =	vmax.f32 v0, v44  }
0x177: {  	v2 =	vsel vm1, $0xFF800000, v31;
	vm1 =	vmand vm7, vm5;
	v0 =	vmax.f32 v0, v42  }
0x178: {  	vm7 =	veq.s32 v23, s31;
	vm5 =	veq.s32 v32, s31;
	v0 =	vmax.f32 v0, v38  }
0x179: {  	v7 =	vsel vm1, $0xFF800000, v27;
	v0 =	vmax.f32 v0, v45;
	vm13 =	vnez.u8 v1  }
0x17a: {  	v0 =	vmax.f32 v0, v41;
	vm0 =	vmand vm13, vm0;
	vm13 =	veq.s32 v26, s31  }
0x17b: {  	v0 =	vmax.f32 v0, v39;
	v53 =	vsel vm0, $0xFF800000, v29;
	vm0 =	vmand vm3, vm15  }
0x17c: {  	vm1 =	vmand vm8, vm13;
	vm15 =	veq.s32 v28, s31;
	v0 =	vmax.f32 v0, v53  }
0x17d: {  	v3 =	vsel vm0, $0xFF800000, v25;
	vm0 =	vmand vm4, vm7;
	v0 =	vmax.f32 v0, v2  }
0x17e: {  	v24 =	vsel vm1, $0xFF800000, v24;
	vm4 =	veq.s32 v30, s31;
	v0 =	vmax.f32 v0, v3  }
0x17f: {  	vm7 =	veq.s32 v34, s31;
	v21 =	vsel vm0, $0xFF800000, v21;
	v0 =	vmax.f32 v0, v7  }
0x180: {  	vm0 =	vmand vm6, vm15;
	vm1 =	vmand vm10, vm4;
	v0 =	vmax.f32 v0, v21  }
0x181: {  	vm6 =	veq.s32 v33, s31;
	v17 =	vsel vm0, $0xFF800000, v17;
	v0 =	vmax.f32 v0, v24  }
0x182: {  	v19 =	vsel vm1, $0xFF800000, v19;
	vm0 =	vmand vm9, vm5;
	v0 =	vmax.f32 v0, v17  }
0x183: {  	vm1 =	vmand vm12, vm6;
	v13 =	vsel vm0, $0xFF800000, v13;
	v0 =	vmax.f32 v0, v19  }
0x184: {  	v14 =	vsel vm1, $0xFF800000, v14;
	vm0 =	vmand vm11, vm7;
	v0 =	vmax.f32 v0, v13  }
0x185: {  	v11 =	vsel vm0, $0xFF800000, v11;
	v0 =	vmax.f32 v0, v14  }
0x186: {  	v0 =	vmax.f32 v0, v11  }
0x187: {  	(xrf0) =	vmax.scan.msk.f32 $0xffff, v0;
	_ =	sdelay $0x5  }
0x188: {  	v0, _, _ =	vpop (xrf0)  }
0x189: {  	v0 =	vbroadcast v0, $0xF;
	_ =	sdelay $0x1  }
0x18a: {  	vm8 =	veq.f32 v46, v0  }
0x18b: {  	v55 =	vnsel vm8, $0x7FFFFFFF, v58  }
0x18c: {  	vm0 =	vlt.s32 v54, v55  }
0x18d: {  	vm9 =	veq.f32 v43, v0;
	v56 =	vsel vm0, v54, v55  }
0x18e: {  	v25 =	vsel vm9, v56, v55  }
0x18f: {  	vm10 =	vlt.s32 v25, v4  }
0x190: {  	vm11 =	veq.f32 v40, v0;
	v4 =	vsel vm10, v25, v4  }
0x191: {  	v4 =	vsel vm11, v4, v25  }
0x192: {  	vm12 =	vlt.s32 v4, v5  }
0x193: {  	vm13 =	veq.f32 v44, v0;
	v5 =	vsel vm12, v4, v5  }
0x194: {  	v4 =	vsel vm13, v5, v4  }
0x195: {  	vm15 =	vlt.s32 v4, v6  }
0x196: {  	vm4 =	veq.f32 v42, v0;
	v5 =	vsel vm15, v4, v6  }
0x197: {  	v4 =	vsel vm4, v5, v4  }
0x198: {  	vm5 =	vlt.s32 v4, v8  }
0x199: {  	vm6 =	veq.f32 v38, v0;
	v5 =	vsel vm5, v4, v8  }
0x19a: {  	v4 =	vsel vm6, v5, v4  }
0x19b: {  	vm7 =	vlt.s32 v4, v9  }
0x19c: {  	vm8 =	veq.f32 v45, v0;
	v5 =	vsel vm7, v4, v9  }
0x19d: {  	v4 =	vsel vm8, v5, v4  }
0x19e: {  	vm9 =	vlt.s32 v4, v10  }
0x19f: {  	vm10 =	veq.f32 v41, v0;
	v5 =	vsel vm9, v4, v10  }
0x1a0: {  	v4 =	vsel vm10, v5, v4  }
0x1a1: {  	vm11 =	vlt.s32 v4, v12  }
0x1a2: {  	vm12 =	veq.f32 v39, v0;
	v5 =	vsel vm11, v4, v12  }
0x1a3: {  	v4 =	vsel vm12, v5, v4  }
0x1a4: {  	vm13 =	vlt.s32 v4, v15  }
0x1a5: {  	vm15 =	veq.f32 v53, v0;
	v57 =	vsel vm13, v4, v15  }
0x1a6: {  	v1 =	vsel vm15, v57, v4  }
0x1a7: {  	vm4 =	vlt.s32 v1, v16  }
0x1a8: {  	vm5 =	veq.f32 v2, v0;
	v58 =	vsel vm4, v1, v16  }
0x1a9: {  	v1 =	vsel vm5, v58, v1  }
0x1aa: {  	vm6 =	vlt.s32 v1, v18  }
0x1ab: {  	vm7 =	veq.f32 v3, v0;
	v2 =	vsel vm6, v1, v18  }
0x1ac: {  	v1 =	vsel vm7, v2, v1  }
0x1ad: {  	vm8 =	vlt.s32 v1, v20  }
0x1ae: {  	vm9 =	veq.f32 v7, v0;
	v2 =	vsel vm8, v1, v20  }
0x1af: {  	v1 =	vsel vm9, v2, v1  }
0x1b0: {  	vm10 =	vlt.s32 v1, v23  }
0x1b1: {  	vm11 =	veq.f32 v21, v0;
	v2 =	vsel vm10, v1, v23  }
0x1b2: {  	v1 =	vsel vm11, v2, v1  }
0x1b3: {  	vm12 =	vlt.s32 v1, v26  }
0x1b4: {  	vm13 =	veq.f32 v24, v0;
	v2 =	vsel vm12, v1, v26  }
0x1b5: {  	v1 =	vsel vm13, v2, v1  }
0x1b6: {  	vm15 =	vlt.s32 v1, v28  }
0x1b7: {  	vm4 =	veq.f32 v17, v0;
	v2 =	vsel vm15, v1, v28  }
0x1b8: {  	v1 =	vsel vm4, v2, v1  }
0x1b9: {  	vm5 =	vlt.s32 v1, v30  }
0x1ba: {  	vm6 =	veq.f32 v19, v0;
	v2 =	vsel vm5, v1, v30  }
0x1bb: {  	v1 =	vsel vm6, v2, v1  }
0x1bc: {  	vm7 =	vlt.s32 v1, v32  }
0x1bd: {  	vm8 =	veq.f32 v13, v0;
	v2 =	vsel vm7, v1, v32  }
0x1be: {  	v1 =	vsel vm8, v2, v1  }
0x1bf: {  	vm9 =	vlt.s32 v1, v33  }
0x1c0: {  	vm10 =	veq.f32 v14, v0;
	v2 =	vsel vm9, v1, v33  }
0x1c1: {  	v1 =	vsel vm10, v2, v1  }
0x1c2: {  	vm11 =	vlt.s32 v1, v34  }
0x1c3: {  	vm12 =	veq.f32 v11, v0;
	v2 =	vsel vm11, v1, v34  }
0x1c4: {  	v1 =	vsel vm12, v2, v1  }
0x1c5: {  	v1 =	vxor.u32 $0x80000000, v1  }
0x1c6: {  	(xrf0) =	vmin.scan.msk.u32 $0xffff, v1;
	_ =	sdelay $0x5  }
0x1c7: {  	v1, _, _ =	vpop (xrf0)  }
0x1c8: {  	(v2sf) =	vpush v1, $0xF;
	_ =	sdelay $0xc  }
0x1c9: {  	v59 =	vmov s29  }
0x1ca: {  	vm13 =	veq.s32 v59, v48  }
0x1cb: {  	v60 =	vsel vm13, v0, v36;
	vm15 =	veq.s32 v59, v35;
	s0 =	spop (v2sf)  }
0x1cc: {  	v61 =	vsel vm14, s31, v49;
	[tilespmem:$0x2100] =	vst v60;
	v0 =	vsel vm15, v0, v22;
	s0 =	sxor.u32 $0x80000000, s0  }
0x1cd: {  	v62 =	vsel vm2, s31, v37;
	[tilespmem:$0x2110] =	vst v0;
	v2 =	vsel vm13, s0, v61  }
0x1ce: {  	v63 =	vsel vm15, s0, v62;
	[tilespmem:$0x2180] =	vst v2  }
0x1cf: {  	[tilespmem:$0x2190] =	vst v63  }
0x1d0: {  	[spmem:s9] =	stream.linear.scatter [tilespmem:s17], [sflag:$0x1], $0x20, $0x38;
	[tilespmem:$0x2FC0] =	vst v63  }
0x1d1: {  	_ =	swait.ge [sflag:s16], $0x20  }
0x1d2: {  	[sflag:s16] =	ssyncset.done $0x0  }
0x1d3: {  	[sflag:s16] =	ssyncadd.s32 $0xFFFFFFE0  }
0x1d4: {  	[spmem:s10] =	stream.linear.scatter [tilespmem:s18], [sflag:$0x1], $0x20, $0x38;
	[tilespmem:$0x2FC0] =	vst v63  }
0x1d5: {  	_ =	swait.ge [sflag:s16], $0x20  }
0x1d6: {  	[sflag:s16] =	ssyncset.done $0x0  }
0x1d7: {  	v40 =	vimm.f32 $0.0e+00;
	[sflag:s16] =	ssyncadd.s32 $0xFFFFFFE0  }
.LBB2_7:
.Ltmp6:
0x1d8: {  	(pc) =	sbr.rel @p1 .LBB2_11-.Ltmp6, $2  }
0x1d9: {  	_ =	sdelay $0x1  }
0x1da: {  	[bflag:$0x0] =	sbarrier.arrive $0xFFFF;
	_ =	sdelay $0x1  }
0x1db: {  	[tilespmem:s19], [sflag:$0x1] =	stream.linear.gather [spmem:s2], $0x200, $0x38;
	[tilespmem:$0x2FC0] =	vst v63  }
0x1dc: {  	_ =	swait.ge [sflag:s16], $0x200  }
0x1dd: {  	[sflag:s16] =	ssyncset.done $0x0  }
0x1de: {  	[sflag:s16] =	ssyncadd.s32 $0xFFFFFE00  }
0x1df: {  	[tilespmem:s20], [sflag:$0x1] =	stream.linear.gather [spmem:s3], $0x200, $0x38;
	[tilespmem:$0x2FC0] =	vst v63  }
0x1e0: {  	_ =	swait.ge [sflag:s16], $0x200  }
0x1e1: {  	[sflag:s16] =	ssyncset.done $0x0  }
0x1e2: {  	s29 =	simm.s32 $0x14;
	[sflag:s16] =	ssyncadd.s32 $0xFFFFFE00  }
.LBB2_9:
0x1e3: {  	v34 =	vld [tilespmem:$0x2280]  }
0x1e4: {  	v33 =	vld [tilespmem:$0x2290]  }
0x1e5: {  	v32 =	vld [tilespmem:$0x22A0]  }
0x1e6: {  	v31 =	vld [tilespmem:$0x22B0]  }
0x1e7: {  	v30 =	vld [tilespmem:$0x22C0]  }
0x1e8: {  	v29 =	vld [tilespmem:$0x22D0]  }
0x1e9: {  	v28 =	vld [tilespmem:$0x22E0];
	v0 =	vmax.f32 v34, v33  }
0x1ea: {  	v27 =	vld [tilespmem:$0x22F0];
	v0 =	vmax.f32 v0, v32  }
0x1eb: {  	v26 =	vld [tilespmem:$0x2300];
	v0 =	vmax.f32 v0, v31  }
0x1ec: {  	v25 =	vld [tilespmem:$0x2310];
	v0 =	vmax.f32 v0, v30  }
0x1ed: {  	v24 =	vld [tilespmem:$0x2320];
	v0 =	vmax.f32 v0, v29  }
0x1ee: {  	v23 =	vld [tilespmem:$0x2330];
	v0 =	vmax.f32 v0, v28  }
0x1ef: {  	v22 =	vld [tilespmem:$0x2340];
	v0 =	vmax.f32 v0, v27  }
0x1f0: {  	v21 =	vld [tilespmem:$0x2350];
	v0 =	vmax.f32 v0, v26  }
0x1f1: {  	v20 =	vld [tilespmem:$0x2360];
	v0 =	vmax.f32 v0, v25  }
0x1f2: {  	v19 =	vld [tilespmem:$0x2370];
	v0 =	vmax.f32 v0, v24  }
0x1f3: {  	v18 =	vld [tilespmem:$0x2380];
	v0 =	vmax.f32 v0, v23  }
0x1f4: {  	v17 =	vld [tilespmem:$0x2390];
	v0 =	vmax.f32 v0, v22  }
0x1f5: {  	v16 =	vld [tilespmem:$0x23A0];
	v0 =	vmax.f32 v0, v21  }
0x1f6: {  	v15 =	vld [tilespmem:$0x23B0];
	v0 =	vmax.f32 v0, v20  }
0x1f7: {  	v14 =	vld [tilespmem:$0x23C0];
	v0 =	vmax.f32 v0, v19  }
0x1f8: {  	v13 =	vld [tilespmem:$0x23D0];
	v0 =	vmax.f32 v0, v18  }
0x1f9: {  	v12 =	vld [tilespmem:$0x23E0];
	v0 =	vmax.f32 v0, v17  }
0x1fa: {  	v11 =	vld [tilespmem:$0x23F0];
	v0 =	vmax.f32 v0, v16  }
0x1fb: {  	v10 =	vld [tilespmem:$0x2400];
	v0 =	vmax.f32 v0, v15  }
0x1fc: {  	v9 =	vld [tilespmem:$0x2410];
	v0 =	vmax.f32 v0, v14  }
0x1fd: {  	v8 =	vld [tilespmem:$0x2420];
	v0 =	vmax.f32 v0, v13  }
0x1fe: {  	v7 =	vld [tilespmem:$0x2430];
	v0 =	vmax.f32 v0, v12  }
0x1ff: {  	v6 =	vld [tilespmem:$0x2440];
	v0 =	vmax.f32 v0, v11  }
0x200: {  	v5 =	vld [tilespmem:$0x2450];
	v0 =	vmax.f32 v0, v10  }
0x201: {  	v4 =	vld [tilespmem:$0x2460];
	v0 =	vmax.f32 v0, v9  }
0x202: {  	v3 =	vld [tilespmem:$0x2470];
	v0 =	vmax.f32 v0, v8  }
0x203: {  	v0 =	vmax.f32 v0, v7  }
0x204: {  	v0 =	vmax.f32 v0, v6  }
0x205: {  	v0 =	vmax.f32 v0, v5  }
0x206: {  	v0 =	vmax.f32 v0, v4  }
0x207: {  	v0 =	vmax.f32 v0, v3  }
0x208: {  	(xrf0) =	vmax.scan.msk.f32 $0xffff, v0;
	_ =	sdelay $0x5  }
0x209: {  	v1, _, _ =	vpop (xrf0)  }
0x20a: {  	v0 =	vld [tilespmem:$0x2490];
	v2 =	vbroadcast v1, $0xF  }
0x20b: {  	v35 =	vld [tilespmem:$0x2480]  }
0x20c: {  	v1 =	vimm.s32 $0x0;
	vm0 =	veq.f32 v33, v2  }
0x20d: {  	v1 =	vsel vm0, $0xFFFFFFFF, v1  }
0x20e: {  	[tilespmem:$0x1FD80] =	vst v1;
	v1 =	vld [tilespmem:$0x24A0]  }
0x20f: {  	v0 =	vnsel vm0, $0x7FFFFFFF, v0  }
0x210: {  	vm0 =	vlt.s32 v35, v0  }
0x211: {  	v37 =	vld [tilespmem:$0x24B0];
	vm4 =	veq.f32 v34, v2;
	v36 =	vsel vm0, v35, v0  }
0x212: {  	v0 =	vsel vm4, v36, v0  }
0x213: {  	vm5 =	vlt.s32 v0, v1  }
0x214: {  	v43 =	vld [tilespmem:$0x24C0];
	vm1 =	veq.f32 v32, v2;
	v1 =	vsel vm5, v0, v1  }
0x215: {  	vm7 =	veq.f32 v31, v2;
	v0 =	vsel vm1, v1, v0;
	v1 =	vimm.s32 $0x0  }
0x216: {  	vm6 =	vlt.s32 v0, v37;
	v1 =	vsel vm7, $0xFFFFFFFF, v1  }
0x217: {  	v44 =	vld [tilespmem:$0x24D0];
	[tilespmem:$0x1FDA0] =	vst v1;
	v1 =	vsel vm6, v0, v37  }
0x218: {  	vm9 =	veq.f32 v30, v2;
	v0 =	vsel vm7, v1, v0;
	v1 =	vimm.s32 $0x0  }
0x219: {  	vm8 =	vlt.s32 v0, v43;
	v1 =	vsel vm9, $0xFFFFFFFF, v1  }
0x21a: {  	v45 =	vld [tilespmem:$0x24E0];
	[tilespmem:$0x1FDB0] =	vst v1;
	v1 =	vsel vm8, v0, v43  }
0x21b: {  	vm11 =	veq.f32 v29, v2;
	v0 =	vsel vm9, v1, v0;
	v1 =	vimm.s32 $0x0  }
0x21c: {  	vm10 =	vlt.s32 v0, v44;
	v1 =	vsel vm11, $0xFFFFFFFF, v1  }
0x21d: {  	v46 =	vld [tilespmem:$0x24F0];
	[tilespmem:$0x1FDC0] =	vst v1;
	v1 =	vsel vm10, v0, v44  }
0x21e: {  	vm13 =	veq.f32 v28, v2;
	v0 =	vsel vm11, v1, v0;
	v1 =	vimm.s32 $0x0  }
0x21f: {  	vm12 =	vlt.s32 v0, v45;
	v1 =	vsel vm13, $0xFFFFFFFF, v1  }
0x220: {  	v47 =	vld [tilespmem:$0x2500];
	[tilespmem:$0x1FDD0] =	vst v1;
	v1 =	vsel vm12, v0, v45  }
0x221: {  	vm15 =	veq.f32 v27, v2;
	v0 =	vsel vm13, v1, v0;
	v1 =	vimm.s32 $0x0  }
0x222: {  	vm14 =	vlt.s32 v0, v46;
	v1 =	vsel vm15, $0xFFFFFFFF, v1  }
0x223: {  	v49 =	vld [tilespmem:$0x2510];
	[tilespmem:$0x1FDE0] =	vst v1;
	v1 =	vsel vm14, v0, v46  }
0x224: {  	vm6 =	veq.f32 v26, v2;
	v0 =	vsel vm15, v1, v0;
	v1 =	vimm.s32 $0x0  }
0x225: {  	vm5 =	vlt.s32 v0, v47;
	v1 =	vsel vm6, $0xFFFFFFFF, v1  }
0x226: {  	v50 =	vld [tilespmem:$0x2520];
	[tilespmem:$0x1FDF0] =	vst v1;
	v1 =	vsel vm5, v0, v47  }
0x227: {  	vm8 =	veq.f32 v25, v2;
	v0 =	vsel vm6, v1, v0;
	v1 =	vimm.s32 $0x0  }
0x228: {  	vm7 =	vlt.s32 v0, v49;
	v1 =	vsel vm8, $0xFFFFFFFF, v1  }
0x229: {  	v51 =	vld [tilespmem:$0x2530];
	[tilespmem:$0x1FE00] =	vst v1;
	v1 =	vsel vm7, v0, v49  }
0x22a: {  	vm10 =	veq.f32 v24, v2;
	v0 =	vsel vm8, v1, v0;
	v1 =	vimm.s32 $0x0  }
0x22b: {  	vm9 =	vlt.s32 v0, v50;
	v1 =	vsel vm10, $0xFFFFFFFF, v1  }
0x22c: {  	v52 =	vld [tilespmem:$0x2540];
	[tilespmem:$0x1FE10] =	vst v1;
	v1 =	vsel vm9, v0, v50  }
0x22d: {  	vm12 =	veq.f32 v23, v2;
	v0 =	vsel vm10, v1, v0;
	v1 =	vimm.s32 $0x0  }
0x22e: {  	vm11 =	vlt.s32 v0, v51;
	v1 =	vsel vm12, $0xFFFFFFFF, v1  }
0x22f: {  	v53 =	vld [tilespmem:$0x2550];
	[tilespmem:$0x1FE20] =	vst v1;
	v1 =	vsel vm11, v0, v51  }
0x230: {  	vm14 =	veq.f32 v22, v2;
	v0 =	vsel vm12, v1, v0;
	v1 =	vimm.s32 $0x0  }
0x231: {  	vm13 =	vlt.s32 v0, v52;
	v1 =	vsel vm14, $0xFFFFFFFF, v1  }
0x232: {  	v54 =	vld [tilespmem:$0x2560];
	[tilespmem:$0x1FE30] =	vst v1;
	v1 =	vsel vm13, v0, v52  }
0x233: {  	vm5 =	veq.f32 v21, v2;
	v0 =	vsel vm14, v1, v0;
	v1 =	vimm.s32 $0x0  }
0x234: {  	vm15 =	vlt.s32 v0, v53;
	v1 =	vsel vm5, $0xFFFFFFFF, v1  }
0x235: {  	v55 =	vld [tilespmem:$0x2570];
	[tilespmem:$0x1FE40] =	vst v1;
	v1 =	vsel vm15, v0, v53  }
0x236: {  	vm7 =	veq.f32 v20, v2;
	v0 =	vsel vm5, v1, v0;
	v1 =	vimm.s32 $0x0  }
0x237: {  	vm6 =	vlt.s32 v0, v54;
	v1 =	vsel vm7, $0xFFFFFFFF, v1  }
0x238: {  	v56 =	vld [tilespmem:$0x2580];
	[tilespmem:$0x1FE50] =	vst v1;
	v1 =	vsel vm6, v0, v54  }
0x239: {  	v0 =	vsel vm7, v1, v0  }
0x23a: {  	vm8 =	vlt.s32 v0, v55  }
0x23b: {  	v57 =	vld [tilespmem:$0x2590];
	vm14 =	veq.f32 v19, v2;
	v1 =	vsel vm8, v0, v55  }
0x23c: {  	v0 =	vsel vm14, v1, v0  }
0x23d: {  	vm9 =	vlt.s32 v0, v56  }
0x23e: {  	v58 =	vld [tilespmem:$0x25A0];
	vm6 =	veq.f32 v18, v2;
	v1 =	vsel vm9, v0, v56  }
0x23f: {  	v0 =	vsel vm6, v1, v0  }
0x240: {  	vm10 =	vlt.s32 v0, v57  }
0x241: {  	v59 =	vld [tilespmem:$0x25B0];
	vm15 =	veq.f32 v17, v2;
	v1 =	vsel vm10, v0, v57  }
0x242: {  	v0 =	vsel vm15, v1, v0  }
0x243: {  	vm11 =	vlt.s32 v0, v58  }
0x244: {  	v60 =	vld [tilespmem:$0x25C0];
	vm9 =	veq.f32 v16, v2;
	v1 =	vsel vm11, v0, v58  }
0x245: {  	v0 =	vsel vm9, v1, v0  }
0x246: {  	vm12 =	vlt.s32 v0, v59  }
0x247: {  	v61 =	vld [tilespmem:$0x25D0];
	vm10 =	veq.f32 v15, v2;
	v1 =	vsel vm12, v0, v59  }
0x248: {  	v0 =	vsel vm10, v1, v0  }
0x249: {  	vm13 =	vlt.s32 v0, v60  }
0x24a: {  	v62 =	vld [tilespmem:$0x25E0];
	vm11 =	veq.f32 v14, v2;
	v1 =	vsel vm13, v0, v60  }
0x24b: {  	v0 =	vsel vm11, v1, v0  }
0x24c: {  	vm5 =	vlt.s32 v0, v61  }
0x24d: {  	v63 =	vld [tilespmem:$0x25F0];
	vm12 =	veq.f32 v13, v2;
	v1 =	vsel vm5, v0, v61  }
0x24e: {  	v0 =	vsel vm12, v1, v0  }
0x24f: {  	vm7 =	vlt.s32 v0, v62  }
0x250: {  	v41 =	vld [tilespmem:$0x2600];
	vm13 =	veq.f32 v12, v2;
	v1 =	vsel vm7, v0, v62  }
0x251: {  	v0 =	vsel vm13, v1, v0  }
0x252: {  	v42 =	vimm.s32 $0x0;
	vm8 =	vlt.s32 v0, v63  }
0x253: {  	v36 =	vsel vm1, $0xFFFFFFFF, v42;
	v42 =	vld [tilespmem:$0x2610];
	vm5 =	veq.f32 v11, v2;
	v1 =	vsel vm8, v0, v63  }
0x254: {  	v0 =	vsel vm5, v1, v0  }
0x255: {  	vm0 =	vlt.s32 v0, v41  }
0x256: {  	v43 =	vld [tilespmem:$0x2620];
	vm7 =	veq.f32 v10, v2;
	v1 =	vsel vm0, v0, v41  }
0x257: {  	v0 =	vsel vm7, v1, v0  }
0x258: {  	vm0 =	vlt.s32 v0, v42  }
0x259: {  	v38 =	vimm.s32 $0x0;
	v45 =	vld [tilespmem:$0x2630];
	vm8 =	veq.f32 v9, v2;
	v1 =	vsel vm0, v0, v42  }
0x25a: {  	v44 =	vimm.s32 $0x0;
	v38 =	vsel vm5, $0xFFFFFFFF, v38;
	v0 =	vsel vm8, v1, v0  }
0x25b: {  	v46 =	vimm.s32 $0x0;
	[tilespmem:$0x1FE60] =	vst v38;
	v38 =	vsel vm7, $0xFFFFFFFF, v44;
	vm0 =	vlt.s32 v0, v43  }
0x25c: {  	v47 =	vld [tilespmem:$0x2640];
	[tilespmem:$0x1FE70] =	vst v38;
	v38 =	vsel vm8, $0xFFFFFFFF, v46;
	vm8 =	veq.f32 v8, v2;
	v1 =	vsel vm0, v0, v43  }
0x25d: {  	v0 =	vsel vm8, v1, v0  }
0x25e: {  	vm5 =	vlt.s32 v0, v45  }
0x25f: {  	v49 =	vld [tilespmem:$0x2650];
	v1 =	vsel vm5, v0, v45;
	vm5 =	veq.f32 v7, v2  }
0x260: {  	v0 =	vsel vm5, v1, v0  }
0x261: {  	vm7 =	vlt.s32 v0, v47  }
0x262: {  	vm3 =	veq.f32 v6, v2;
	v50 =	vld [tilespmem:$0x2660];
	v1 =	vsel vm7, v0, v47  }
0x263: {  	v0 =	vsel vm3, v1, v0  }
0x264: {  	vm7 =	vlt.s32 v0, v49  }
0x265: {  	vm2 =	veq.f32 v5, v2;
	v51 =	vld [tilespmem:$0x2670];
	v1 =	vsel vm7, v0, v49  }
0x266: {  	v0 =	vsel vm2, v1, v0  }
0x267: {  	vm7 =	vlt.s32 v0, v50  }
0x268: {  	vm1 =	veq.f32 v4, v2;
	v1 =	vsel vm7, v0, v50  }
0x269: {  	v0 =	vsel vm1, v1, v0  }
0x26a: {  	vm7 =	vlt.s32 v0, v51  }
0x26b: {  	vm0 =	veq.f32 v3, v2;
	v1 =	vsel vm7, v0, v51  }
0x26c: {  	v0 =	vsel vm0, v1, v0  }
0x26d: {  	v0 =	vxor.u32 $0x80000000, v0  }
0x26e: {  	(xrf0) =	vmin.scan.msk.u32 $0xffff, v0;
	_ =	sdelay $0x5  }
0x26f: {  	v0, _, _ =	vpop (xrf0)  }
0x270: {  	(v2sf) =	vpush v0, $0xF;
	_ =	sdelay $0xa  }
0x271: {  	v39 =	vld [tilespmem:$0x2550]  }
0x272: {  	v37 =	vld [tilespmem:$0x2540]  }
0x273: {  	v56 =	vld [tilespmem:$0x1FD80]  }
0x274: {  	[tilespmem:$0x1FD90] =	vst v36;
	v0 =	vld [tilespmem:$0x2490]  }
0x275: {  	v58 =	vld [tilespmem:$0x1FD90];
	s0 =	spop (v2sf)  }
0x276: {  	v1 =	vld [tilespmem:$0x24A0];
	s30 =	sxor.u32 $0x80000000, s0  }
0x277: {  	v52 =	vld [tilespmem:$0x24B0];
	vm7 =	veq.s32 v35, s30  }
0x278: {  	v59 =	vld [tilespmem:$0x1FDA0];
	vm4 =	vmand vm4, vm7  }
0x279: {  	v53 =	vld [tilespmem:$0x24C0];
	vm7 =	veq.s32 v0, s30;
	v0 =	vsel vm4, $0xFF800000, v34;
	vm4 =	vnez.u8 v56  }
0x27a: {  	v60 =	vld [tilespmem:$0x1FDB0];
	vm4 =	vmand vm4, vm7  }
0x27b: {  	v54 =	vld [tilespmem:$0x24D0];
	vm7 =	veq.s32 v1, s30;
	v1 =	vsel vm4, $0xFF800000, v33;
	vm4 =	vnez.u8 v58  }
0x27c: {  	v62 =	vld [tilespmem:$0x1FDC0];
	vm4 =	vmand vm4, vm7  }
0x27d: {  	v36 =	vld [tilespmem:$0x1FDD0];
	vm7 =	veq.s32 v52, s30;
	v32 =	vsel vm4, $0xFF800000, v32;
	vm4 =	vnez.u8 v59  }
0x27e: {  	v55 =	vld [tilespmem:$0x24E0];
	vm4 =	vmand vm4, vm7  }
0x27f: {  	v57 =	vld [tilespmem:$0x24F0];
	vm7 =	veq.s32 v53, s30;
	v31 =	vsel vm4, $0xFF800000, v31;
	vm4 =	vnez.u8 v60  }
0x280: {  	[tilespmem:$0x1FE80] =	vst v38;
	v38 =	vld [tilespmem:$0x1FDE0];
	vm4 =	vmand vm4, vm7  }
0x281: {  	v41 =	vld [tilespmem:$0x1FDF0];
	vm7 =	veq.s32 v54, s30;
	v30 =	vsel vm4, $0xFF800000, v30;
	vm4 =	vnez.u8 v62  }
0x282: {  	[tilespmem:$0x2280] =	vst v0;
	v0 =	vld [tilespmem:$0x2500];
	vm4 =	vmand vm4, vm7  }
0x283: {  	v43 =	vld [tilespmem:$0x1FE00];
	vm7 =	veq.s32 v55, s30;
	v29 =	vsel vm4, $0xFF800000, v29;
	vm4 =	vnez.u8 v36  }
0x284: {  	[tilespmem:$0x2290] =	vst v1;
	v1 =	vld [tilespmem:$0x2510];
	vm4 =	vmand vm4, vm7  }
0x285: {  	v61 =	vld [tilespmem:$0x2520];
	vm7 =	veq.s32 v57, s30;
	v28 =	vsel vm4, $0xFF800000, v28;
	vm4 =	vnez.u8 v38  }
0x286: {  	v44 =	vld [tilespmem:$0x1FE10];
	vm4 =	vmand vm4, vm7  }
0x287: {  	v63 =	vld [tilespmem:$0x2530];
	vm7 =	veq.s32 v0, s30;
	v0 =	vsel vm4, $0xFF800000, v27;
	vm4 =	vnez.u8 v41  }
0x288: {  	v45 =	vld [tilespmem:$0x1FE20];
	vm4 =	vmand vm4, vm7  }
0x289: {  	v46 =	vld [tilespmem:$0x2590];
	vm7 =	veq.s32 v1, s30;
	v1 =	vsel vm4, $0xFF800000, v26;
	vm4 =	vnez.u8 v43  }
0x28a: {  	v47 =	vld [tilespmem:$0x1FE30];
	vm4 =	vmand vm4, vm7  }
0x28b: {  	v42 =	vld [tilespmem:$0x2560];
	[tilespmem:$0x22A0] =	vst v32;
	vm7 =	veq.s32 v61, s30;
	v25 =	vsel vm4, $0xFF800000, v25;
	vm4 =	vnez.u8 v44  }
0x28c: {  	v50 =	vld [tilespmem:$0x1FE40];
	[tilespmem:$0x22B0] =	vst v31;
	vm4 =	vmand vm4, vm7  }
0x28d: {  	v49 =	vld [tilespmem:$0x25A0];
	[tilespmem:$0x22C0] =	vst v30;
	vm7 =	veq.s32 v63, s30;
	v24 =	vsel vm4, $0xFF800000, v24;
	vm4 =	vnez.u8 v45  }
0x28e: {  	v52 =	vld [tilespmem:$0x1FE50];
	[tilespmem:$0x22D0] =	vst v29;
	vm4 =	vmand vm4, vm7  }
0x28f: {  	[tilespmem:$0x22F0] =	vst v0;
	v0 =	vld [tilespmem:$0x2570];
	vm7 =	veq.s32 v37, s30;
	v23 =	vsel vm4, $0xFF800000, v23;
	vm4 =	vnez.u8 v47  }
0x290: {  	[tilespmem:$0x2300] =	vst v1;
	v1 =	vld [tilespmem:$0x2580];
	vm4 =	vmand vm4, vm7  }
0x291: {  	v51 =	vld [tilespmem:$0x25B0];
	[tilespmem:$0x22E0] =	vst v28;
	vm7 =	veq.s32 v39, s30;
	v22 =	vsel vm4, $0xFF800000, v22;
	vm4 =	vnez.u8 v50  }
0x292: {  	v58 =	vld [tilespmem:$0x1FE60];
	[tilespmem:$0x2310] =	vst v25;
	vm4 =	vmand vm4, vm7  }
0x293: {  	v53 =	vld [tilespmem:$0x25C0];
	[tilespmem:$0x2320] =	vst v24;
	vm7 =	veq.s32 v42, s30;
	v21 =	vsel vm4, $0xFF800000, v21;
	vm4 =	vnez.u8 v52  }
0x294: {  	v60 =	vld [tilespmem:$0x1FE70];
	[tilespmem:$0x2330] =	vst v23;
	vm4 =	vmand vm4, vm7;
	vm7 =	veq.s32 v0, s30  }
0x295: {  	v54 =	vld [tilespmem:$0x25D0];
	[tilespmem:$0x2340] =	vst v22;
	v0 =	vsel vm4, $0xFF800000, v20;
	vm4 =	vmand vm14, vm7;
	vm14 =	veq.s32 v1, s30  }
0x296: {  	v1 =	vsel vm4, $0xFF800000, v19;
	vm4 =	vmand vm6, vm14;
	[tilespmem:$0x2360] =	vst v0;
	v0 =	vld [tilespmem:$0x25E0];
	vm14 =	veq.s32 v46, s30  }
0x297: {  	v55 =	vld [tilespmem:$0x2600];
	[tilespmem:$0x2350] =	vst v21;
	v18 =	vsel vm4, $0xFF800000, v18;
	vm14 =	vmand vm15, vm14;
	vm15 =	veq.s32 v49, s30  }
0x298: {  	[tilespmem:$0x2370] =	vst v1;
	v1 =	vld [tilespmem:$0x25F0];
	v17 =	vsel vm14, $0xFF800000, v17;
	vm9 =	vmand vm9, vm15;
	vm14 =	veq.s32 v51, s30  }
0x299: {  	v56 =	vld [tilespmem:$0x2610];
	[tilespmem:$0x2380] =	vst v18;
	v16 =	vsel vm9, $0xFF800000, v16;
	vm15 =	vmand vm10, vm14;
	vm9 =	veq.s32 v53, s30  }
0x29a: {  	v62 =	vld [tilespmem:$0x1FE80];
	[tilespmem:$0x2390] =	vst v17;
	v15 =	vsel vm15, $0xFF800000, v15;
	vm10 =	vmand vm11, vm9;
	vm11 =	veq.s32 v54, s30  }
0x29b: {  	v57 =	vld [tilespmem:$0x2620];
	[tilespmem:$0x23A0] =	vst v16;
	v14 =	vsel vm10, $0xFF800000, v14;
	vm12 =	vmand vm12, vm11;
	vm14 =	veq.s32 v0, s30  }
0x29c: {  	[tilespmem:$0x23B0] =	vst v15;
	v0 =	vld [tilespmem:$0x2630];
	vm10 =	vnez.u8 v58;
	vm11 =	veq.s32 v55, s30;
	v13 =	vsel vm12, $0xFF800000, v13  }
0x29d: {  	[tilespmem:$0x23C0] =	vst v14;
	vm15 =	vmand vm13, vm14;
	vm9 =	veq.s32 v1, s30;
	v1 =	vld [tilespmem:$0x2640];
	vm12 =	vnez.u8 v60  }
0x29e: {  	v59 =	vld [tilespmem:$0x2650];
	vm13 =	veq.s32 v56, s30;
	v12 =	vsel vm15, $0xFF800000, v12;
	[tilespmem:$0x23D0] =	vst v13;
	vm4 =	vmand vm10, vm9  }
0x29f: {  	v61 =	vld [tilespmem:$0x2660];
	vm14 =	vnez.u8 v62;
	v11 =	vsel vm4, $0xFF800000, v11;
	[tilespmem:$0x23E0] =	vst v12;
	vm4 =	vmand vm12, vm11  }
0x2a0: {  	v63 =	vld [tilespmem:$0x2670];
	vm15 =	veq.s32 v57, s30;
	v10 =	vsel vm4, $0xFF800000, v10;
	[tilespmem:$0x23F0] =	vst v11;
	vm4 =	vmand vm14, vm13  }
0x2a1: {  	vm9 =	vmand vm8, vm15;
	v9 =	vsel vm4, $0xFF800000, v9;
	[tilespmem:$0x2400] =	vst v10;
	vm10 =	veq.s32 v0, s30  }
0x2a2: {  	v0 =	vsel vm9, $0xFF800000, v8;
	[tilespmem:$0x2410] =	vst v9;
	vm11 =	vmand vm5, vm10;
	vm12 =	veq.s32 v1, s30  }
0x2a3: {  	p2 =	sne.s32 s29, $0x1;
	vm13 =	veq.s32 v59, s30;
	[tilespmem:$0x2420] =	vst v0;
	v1 =	vsel vm11, $0xFF800000, v7;
	vm3 =	vmand vm3, vm12  }
.Ltmp7:
0x2a4: {  	vm14 =	veq.s32 v61, s30;
	vm2 =	vmand vm2, vm13;
	v0 =	vsel vm3, $0xFF800000, v6;
	[tilespmem:$0x2430] =	vst v1;
	(pc) =	sbr.rel @p2 .LBB2_9-.Ltmp7, $4  }
0x2a5: {  	vm15 =	veq.s32 v63, s30;
	vm1 =	vmand vm1, vm14;
	v1 =	vsel vm2, $0xFF800000, v5;
	[tilespmem:$0x2440] =	vst v0  }
0x2a6: {  	vm0 =	vmand vm0, vm15;
	v0 =	vsel vm1, $0xFF800000, v4;
	[tilespmem:$0x2450] =	vst v1  }
0x2a7: {  	v1 =	vsel vm0, $0xFF800000, v3;
	[tilespmem:$0x2460] =	vst v0  }
0x2a8: {  	s29 =	sadd.s32 $0xFFFFFFFF, s29;
	[tilespmem:$0x2470] =	vst v1  }
0x2a9: {  	[tilespmem:$0x2000] =	vst v2  }
0x2aa: {  	v0 =	vmov s30;
	[tilespmem:$0x2010] =	vst v2  }
0x2ab: {  	[tilespmem:$0x2080] =	vst v0  }
0x2ac: {  	[tilespmem:$0x2090] =	vst v0  }
0x2ad: {  	[spmem:s2] =	stream.linear.scatter [tilespmem:s21], [sflag:$0x1], $0x20, $0x38;
	[tilespmem:$0x2FC0] =	vst v63  }
0x2ae: {  	_ =	swait.ge [sflag:s16], $0x20  }
0x2af: {  	[sflag:s16] =	ssyncset.done $0x0  }
0x2b0: {  	[sflag:s16] =	ssyncadd.s32 $0xFFFFFFE0  }
0x2b1: {  	[spmem:s3] =	stream.linear.scatter [tilespmem:s22], [sflag:$0x1], $0x20, $0x38;
	[tilespmem:$0x2FC0] =	vst v63  }
0x2b2: {  	_ =	swait.ge [sflag:s16], $0x20  }
0x2b3: {  	[sflag:s16] =	ssyncset.done $0x0  }
0x2b4: {  	[sflag:s16] =	ssyncadd.s32 $0xFFFFFFE0  }
.LBB2_11:
.Ltmp8:
0x2b5: {  	(pc) =	sbr.rel @p0 .LBB2_19-.Ltmp8, $2  }
0x2b6: {  	_ =	sdelay $0x1  }
0x2b7: {  	[bflag:$0x0] =	sbarrier.arrive $0xFFFF;
	_ =	sdelay $0x1  }
0x2b8: {  	[tilespmem:s21], [sflag:$0x1] =	stream.linear.gather [spmem:s2], $0x20, $0x38;
	[tilespmem:$0x2FC0] =	vst v63  }
0x2b9: {  	_ =	swait.ge [sflag:s16], $0x20  }
0x2ba: {  	[sflag:s16] =	ssyncset.done $0x0  }
0x2bb: {  	[sflag:s16] =	ssyncadd.s32 $0xFFFFFFE0  }
0x2bc: {  	[tilespmem:s22], [sflag:$0x1] =	stream.linear.gather [spmem:s3], $0x20, $0x38;
	[tilespmem:$0x2FC0] =	vst v63  }
0x2bd: {  	_ =	swait.ge [sflag:s16], $0x20  }
0x2be: {  	[sflag:s16] =	ssyncset.done $0x0  }
0x2bf: {  	[sflag:s16] =	ssyncadd.s32 $0xFFFFFFE0  }
0x2c0: {  	s0 =	simm.s32 $0x0;
	v2 =	vld [tilespmem:$0x2000]  }
0x2c1: {  	v3 =	vld [tilespmem:$0x2080];
	[tilespmem:s23], [sflag:$0x1] =	stream.linear.gather [hbm4b:s11+s0], $0x1000, $0x38  }
0x2c2: {  	_ =	swait.ge [sflag:s16], $0x1000  }
0x2c3: {  	[sflag:s16] =	ssyncset.done $0x0  }
0x2c4: {  	s31 =	simm.s32 $0x0;
	[sflag:s16] =	ssyncadd.s32 $0xFFFFF000  }
0x2c5: {  	v0 =	vld [tilespmem:s31+$0x0];
	_ =	sdelay $0x3  }
0x2c6: {  	v1 =	vor.u32 s7, v48;
	v7 =	vld [tilespmem:s31+$0x1000]  }
0x2c7: {  	s31 =	simm.s32 $0x10;
	vm0 =	vle.s32 v1, v3;
	vm1 =	veq.f32 v0, v2  }
0x2c8: {  	v5 =	vld [tilespmem:s31+$0x0];
	vm2 =	vgt.f32 v0, v2;
	vm1 =	vmand vm0, vm1  }
0x2c9: {  	vm1 =	vmor vm2, vm1  }
0x2ca: {  	v0 =	vsel vm1, $0x3F800000, v40  }
0x2cb: {  	s29 =	sadd.s32 $0x10, s7;
	v0 =	vmul.f32 v0, v7  }
0x2cc: {  	s30 =	simm.s32 $0x80;
	v4 =	vimm.f32 $0.0e+00;
	v8 =	vor.u32 s29, v48;
	v1 =	vimm.f32 $0.0e+00;
	v6 =	vld [tilespmem:s31+$0x1000]  }
.LBB2_13:
0x2cd: {  	s0 =	sshra.s32 s30, $0x2;
	p2 =	sne.s32 s30, $0x3FC0;
	s30 =	sadd.s32 $0x40, s30;
	vm1 =	veq.f32 v5, v2;
	vm2 =	vle.s32 v8, v3;
	v7 =	vmul.f32 v0, v7  }
.Ltmp9:
0x2ce: {  	vm3 =	vgt.f32 v5, v2;
	v1 =	vadd.f32 v0, v1;
	v5 =	vld [tilespmem:s0+$0x0];
	vm1 =	vmand vm2, vm1;
	(pc) =	sbr.rel @p2 .LBB2_13-.Ltmp9, $4  }
0x2cf: {  	vm1 =	vmor vm3, vm1;
	v4 =	vadd.f32 v7, v4  }
0x2d0: {  	v0 =	vsel vm1, $0x3F800000, v40  }
0x2d1: {  	s29 =	sadd.s32 $0x10, s29;
	v0 =	vmul.f32 v0, v6;
	v7 =	vmov v6  }
0x2d2: {  	v8 =	vor.u32 s29, v48;
	v6 =	vld [tilespmem:s0+$0x1000]  }
0x2d3: {  	vm1 =	veq.f32 v5, v2;
	vm2 =	vle.s32 v8, v3  }
0x2d4: {  	vm3 =	vgt.f32 v5, v2;
	vm1 =	vmand vm2, vm1  }
0x2d5: {  	vm1 =	vmor vm3, vm1  }
0x2d6: {  	v5 =	vsel vm1, $0x3F800000, v40  }
0x2d7: {  	v7 =	vmul.f32 v0, v7;
	v5 =	vmul.f32 v5, v6  }
0x2d8: {  	v0 =	vadd.f32 v0, v1  }
0x2d9: {  	v1 =	vadd.f32 v7, v4;
	v4 =	vmul.f32 v5, v6  }
0x2da: {  	v0 =	vadd.f32 v5, v0  }
0x2db: {  	v1 =	vadd.f32 v4, v1  }
0x2dc: {  	[tilespmem:$0x2200] =	vst v0  }
0x2dd: {  	s0 =	simm.s32 $0x0;
	[tilespmem:$0x2210] =	vst v1  }
0x2de: {  	[tilespmem:s23], [sflag:$0x1] =	stream.linear.gather [hbm4b:s12+s0], $0x1000, $0x38;
	[tilespmem:$0x2FC0] =	vst v63  }
0x2df: {  	_ =	swait.ge [sflag:s16], $0x1000  }
0x2e0: {  	[sflag:s16] =	ssyncset.done $0x0  }
0x2e1: {  	s31 =	simm.s32 $0x0;
	[sflag:s16] =	ssyncadd.s32 $0xFFFFF000  }
0x2e2: {  	v0 =	vld [tilespmem:s31+$0x0];
	_ =	sdelay $0x3  }
0x2e3: {  	v7 =	vld [tilespmem:s31+$0x1000]  }
0x2e4: {  	s31 =	simm.s32 $0x10;
	vm1 =	veq.f32 v0, v2  }
0x2e5: {  	v5 =	vld [tilespmem:s31+$0x0];
	vm2 =	vgt.f32 v0, v2;
	vm1 =	vmand vm0, vm1  }
0x2e6: {  	vm1 =	vmor vm2, vm1  }
0x2e7: {  	v0 =	vsel vm1, $0x3F800000, v40  }
0x2e8: {  	s29 =	sadd.s32 $0x10, s7;
	v0 =	vmul.f32 v0, v7  }
0x2e9: {  	s30 =	simm.s32 $0x80;
	v8 =	vor.u32 s29, v48;
	v4 =	vimm.f32 $0.0e+00;
	v1 =	vimm.f32 $0.0e+00;
	v6 =	vld [tilespmem:s31+$0x1000]  }
.LBB2_15:
0x2ea: {  	s0 =	sshra.s32 s30, $0x2;
	p2 =	sne.s32 s30, $0x3FC0;
	s30 =	sadd.s32 $0x40, s30;
	vm1 =	veq.f32 v5, v2;
	vm2 =	vle.s32 v8, v3;
	v7 =	vmul.f32 v0, v7  }
.Ltmp10:
0x2eb: {  	vm3 =	vgt.f32 v5, v2;
	v1 =	vadd.f32 v0, v1;
	v5 =	vld [tilespmem:s0+$0x0];
	vm1 =	vmand vm2, vm1;
	(pc) =	sbr.rel @p2 .LBB2_15-.Ltmp10, $4  }
0x2ec: {  	vm1 =	vmor vm3, vm1;
	v4 =	vadd.f32 v7, v4  }
0x2ed: {  	v0 =	vsel vm1, $0x3F800000, v40  }
0x2ee: {  	s29 =	sadd.s32 $0x10, s29;
	v0 =	vmul.f32 v0, v6;
	v7 =	vmov v6  }
0x2ef: {  	v8 =	vor.u32 s29, v48;
	v6 =	vld [tilespmem:s0+$0x1000]  }
0x2f0: {  	vm1 =	veq.f32 v5, v2;
	vm2 =	vle.s32 v8, v3  }
0x2f1: {  	vm3 =	vgt.f32 v5, v2;
	vm1 =	vmand vm2, vm1  }
0x2f2: {  	vm1 =	vmor vm3, vm1  }
0x2f3: {  	v5 =	vsel vm1, $0x3F800000, v40  }
0x2f4: {  	v7 =	vmul.f32 v0, v7;
	v5 =	vmul.f32 v5, v6  }
0x2f5: {  	v0 =	vadd.f32 v0, v1  }
0x2f6: {  	v1 =	vadd.f32 v7, v4;
	v4 =	vmul.f32 v5, v6  }
0x2f7: {  	v0 =	vadd.f32 v5, v0  }
0x2f8: {  	v1 =	vadd.f32 v4, v1  }
0x2f9: {  	[tilespmem:$0x2220] =	vst v0  }
0x2fa: {  	s0 =	simm.s32 $0x0;
	[tilespmem:$0x2230] =	vst v1  }
0x2fb: {  	[tilespmem:s23], [sflag:$0x1] =	stream.linear.gather [hbm4b:s13+s0], $0x1000, $0x38;
	[tilespmem:$0x2FC0] =	vst v63  }
0x2fc: {  	_ =	swait.ge [sflag:s16], $0x1000  }
0x2fd: {  	[sflag:s16] =	ssyncset.done $0x0  }
0x2fe: {  	s31 =	simm.s32 $0x0;
	[sflag:s16] =	ssyncadd.s32 $0xFFFFF000  }
0x2ff: {  	v0 =	vld [tilespmem:s31+$0x0];
	_ =	sdelay $0x3  }
0x300: {  	v7 =	vld [tilespmem:s31+$0x1000]  }
0x301: {  	s31 =	simm.s32 $0x10;
	vm14 =	veq.f32 v0, v2  }
0x302: {  	v5 =	vld [tilespmem:s31+$0x0];
	vm15 =	vgt.f32 v0, v2;
	vm0 =	vmand vm0, vm14  }
0x303: {  	vm0 =	vmor vm15, vm0  }
0x304: {  	v0 =	vsel vm0, $0x3F800000, v40  }
0x305: {  	s29 =	sadd.s32 $0x10, s7;
	v0 =	vmul.f32 v0, v7  }
0x306: {  	s30 =	simm.s32 $0x80;
	v8 =	vor.u32 s29, v48;
	v4 =	vimm.f32 $0.0e+00;
	v1 =	vimm.f32 $0.0e+00;
	v6 =	vld [tilespmem:s31+$0x1000]  }
.LBB2_17:
0x307: {  	s0 =	sshra.s32 s30, $0x2;
	p2 =	sne.s32 s30, $0x3FC0;
	s30 =	sadd.s32 $0x40, s30;
	vm0 =	veq.f32 v5, v2;
	vm1 =	vle.s32 v8, v3;
	v7 =	vmul.f32 v0, v7  }
.Ltmp11:
0x308: {  	vm2 =	vgt.f32 v5, v2;
	v1 =	vadd.f32 v0, v1;
	v5 =	vld [tilespmem:s0+$0x0];
	vm0 =	vmand vm1, vm0;
	(pc) =	sbr.rel @p2 .LBB2_17-.Ltmp11, $4  }
0x309: {  	vm0 =	vmor vm2, vm0;
	v4 =	vadd.f32 v7, v4  }
0x30a: {  	v0 =	vsel vm0, $0x3F800000, v40  }
0x30b: {  	s29 =	sadd.s32 $0x10, s29;
	v0 =	vmul.f32 v0, v6;
	v7 =	vmov v6  }
0x30c: {  	v8 =	vor.u32 s29, v48;
	v6 =	vld [tilespmem:s0+$0x1000]  }
.Ltmp12:
0x30d: {  	_ = 	snop;
	(pc) =	sbr.rel .LBB2_18-.Ltmp12, $1  }
0x30e: {  	_ =	sdelay $0x3  }
.LBB2_20:
0x30f: {  	[tilespmem:s25], [sflag:$0x1] =	stream.linear.gather [spmem:s5], $0x800, $0x38;
	[tilespmem:$0x2FC0] =	vst v63  }
0x310: {  	_ =	swait.ge [sflag:s16], $0x800  }
0x311: {  	[sflag:s16] =	ssyncset.done $0x0  }
0x312: {  	[sflag:s16] =	ssyncadd.s32 $0xFFFFF800  }
0x313: {  	v0 =	vld [tilespmem:$0x2680]  }
0x314: {  	v1 =	vld [tilespmem:$0x2690]  }
0x315: {  	v2 =	vld [tilespmem:$0x2700]  }
0x316: {  	v3 =	vld [tilespmem:$0x2710]  }
0x317: {  	v4 =	vld [tilespmem:$0x2780]  }
0x318: {  	v5 =	vld [tilespmem:$0x2790]  }
0x319: {  	v6 =	vld [tilespmem:$0x2800]  }
0x31a: {  	v7 =	vld [tilespmem:$0x2810]  }
0x31b: {  	v8 =	vld [tilespmem:$0x2880]  }
0x31c: {  	v9 =	vld [tilespmem:$0x2890]  }
0x31d: {  	v10 =	vld [tilespmem:$0x2900]  }
0x31e: {  	v11 =	vld [tilespmem:$0x2910]  }
0x31f: {  	v12 =	vld [tilespmem:$0x2980]  }
0x320: {  	v13 =	vld [tilespmem:$0x2990]  }
0x321: {  	v14 =	vld [tilespmem:$0x2A00]  }
0x322: {  	v15 =	vld [tilespmem:$0x2A10]  }
0x323: {  	v16 =	vld [tilespmem:$0x2A80]  }
0x324: {  	v17 =	vld [tilespmem:$0x2A90]  }
0x325: {  	v18 =	vld [tilespmem:$0x2B00]  }
0x326: {  	v19 =	vld [tilespmem:$0x2B10]  }
0x327: {  	v20 =	vld [tilespmem:$0x2B80]  }
0x328: {  	v21 =	vld [tilespmem:$0x2B90]  }
0x329: {  	v22 =	vld [tilespmem:$0x2C00]  }
0x32a: {  	v23 =	vld [tilespmem:$0x2C10]  }
0x32b: {  	v24 =	vld [tilespmem:$0x2C80]  }
0x32c: {  	v25 =	vld [tilespmem:$0x2C90]  }
0x32d: {  	v26 =	vld [tilespmem:$0x2D00]  }
0x32e: {  	v27 =	vld [tilespmem:$0x2D10]  }
0x32f: {  	v28 =	vld [tilespmem:$0x2D80]  }
0x330: {  	v29 =	vld [tilespmem:$0x2D90]  }
0x331: {  	v30 =	vld [tilespmem:$0x2E00]  }
0x332: {  	v31 =	vld [tilespmem:$0x2E10]  }
0x333: {  	v32 =	vld [tilespmem:$0x26A0]  }
0x334: {  	v33 =	vld [tilespmem:$0x26B0]  }
0x335: {  	v34 =	vld [tilespmem:$0x2720]  }
0x336: {  	v35 =	vld [tilespmem:$0x2730]  }
0x337: {  	v36 =	vld [tilespmem:$0x27A0]  }
0x338: {  	v37 =	vld [tilespmem:$0x27B0]  }
0x339: {  	v38 =	vld [tilespmem:$0x2820]  }
0x33a: {  	v39 =	vld [tilespmem:$0x2830]  }
0x33b: {  	v61 =	vld [tilespmem:$0x28A0];
	v0 =	vadd.f32 $0.0e+00, v0;
	v1 =	vadd.f32 $0.0e+00, v1  }
0x33c: {  	v62 =	vld [tilespmem:$0x28B0]  }
0x33d: {  	v63 =	vld [tilespmem:$0x2920];
	v0 =	vadd.f32 v2, v0;
	v1 =	vadd.f32 v3, v1  }
0x33e: {  	v41 =	vld [tilespmem:$0x2AB0]  }
0x33f: {  	v42 =	vld [tilespmem:$0x2B20];
	v0 =	vadd.f32 v4, v0;
	v1 =	vadd.f32 v5, v1  }
0x340: {  	v43 =	vld [tilespmem:$0x2B30]  }
0x341: {  	v44 =	vld [tilespmem:$0x2BA0];
	v0 =	vadd.f32 v6, v0;
	v1 =	vadd.f32 v7, v1  }
0x342: {  	v45 =	vld [tilespmem:$0x2BB0]  }
0x343: {  	v46 =	vld [tilespmem:$0x2C20];
	v0 =	vadd.f32 v8, v0;
	v1 =	vadd.f32 v9, v1  }
0x344: {  	v47 =	vld [tilespmem:$0x2CA0]  }
0x345: {  	v49 =	vld [tilespmem:$0x26C0];
	v0 =	vadd.f32 v10, v0;
	v1 =	vadd.f32 v11, v1  }
0x346: {  	v51 =	vld [tilespmem:$0x2740]  }
0x347: {  	v52 =	vld [tilespmem:$0x26D0];
	v0 =	vadd.f32 v12, v0;
	v1 =	vadd.f32 v13, v1  }
0x348: {  	v54 =	vld [tilespmem:$0x27C0]  }
0x349: {  	v55 =	vld [tilespmem:$0x2750];
	v0 =	vadd.f32 v14, v0;
	v1 =	vadd.f32 v15, v1  }
0x34a: {  	v56 =	vld [tilespmem:$0x2840]  }
0x34b: {  	v57 =	vld [tilespmem:$0x27D0];
	v0 =	vadd.f32 v16, v0;
	v1 =	vadd.f32 v17, v1  }
0x34c: {  	v58 =	vld [tilespmem:$0x28C0]  }
0x34d: {  	v59 =	vld [tilespmem:$0x2850];
	v0 =	vadd.f32 v18, v0;
	v1 =	vadd.f32 v19, v1  }
0x34e: {  	v60 =	vld [tilespmem:$0x2940];
	v50 =	vadd.f32 $0.0e+00, v32  }
0x34f: {  	v32 =	vld [tilespmem:$0x2A40];
	v0 =	vadd.f32 v20, v0;
	v1 =	vadd.f32 v21, v1  }
0x350: {  	v5 =	vld [tilespmem:$0x2930]  }
0x351: {  	v6 =	vld [tilespmem:$0x29A0];
	v0 =	vadd.f32 v22, v0;
	v1 =	vadd.f32 v23, v1  }
0x352: {  	v7 =	vld [tilespmem:$0x29B0]  }
0x353: {  	v8 =	vld [tilespmem:$0x2A20];
	v0 =	vadd.f32 v24, v0;
	v1 =	vadd.f32 v25, v1  }
0x354: {  	v53 =	vadd.f32 $0.0e+00, v33;
	v9 =	vld [tilespmem:$0x2A30];
	v25 =	vadd.f32 $0.0e+00, v49  }
0x355: {  	v10 =	vld [tilespmem:$0x2AA0];
	v0 =	vadd.f32 v26, v0;
	v1 =	vadd.f32 v27, v1  }
0x356: {  	v17 =	vld [tilespmem:$0x2C30];
	v27 =	vadd.f32 v34, v50;
	v25 =	vadd.f32 v51, v25  }
0x357: {  	v19 =	vld [tilespmem:$0x2CB0];
	v0 =	vadd.f32 v28, v0;
	v1 =	vadd.f32 v29, v1  }
0x358: {  	v20 =	vld [tilespmem:$0x2D20];
	v29 =	vadd.f32 v35, v53;
	v27 =	vadd.f32 v36, v27  }
0x359: {  	v21 =	vld [tilespmem:$0x2D30];
	v28 =	vadd.f32 $0.0e+00, v52;
	v25 =	vadd.f32 v54, v25  }
0x35a: {  	v22 =	vld [tilespmem:$0x2DA0];
	v29 =	vadd.f32 v37, v29;
	v27 =	vadd.f32 v38, v27  }
0x35b: {  	v23 =	vld [tilespmem:$0x2DB0];
	v0 =	vadd.f32 v30, v0;
	v1 =	vadd.f32 v31, v1  }
0x35c: {  	v24 =	vld [tilespmem:$0x2E20];
	v29 =	vadd.f32 v39, v29;
	v2 =	vadd.f32 v61, v27  }
0x35d: {  	v28 =	vadd.f32 v55, v28;
	v25 =	vadd.f32 v56, v25;
	v61 =	vld [tilespmem:$0x28D0]  }
0x35e: {  	v3 =	vadd.f32 v62, v29;
	v2 =	vadd.f32 v63, v2;
	v62 =	vld [tilespmem:$0x29C0]  }
0x35f: {  	v49 =	vld [tilespmem:$0x2CD0];
	v28 =	vadd.f32 v57, v28;
	v25 =	vadd.f32 v58, v25  }
0x360: {  	v63 =	vld [tilespmem:$0x2950];
	v3 =	vadd.f32 v5, v3;
	v2 =	vadd.f32 v6, v2  }
0x361: {  	v35 =	vld [tilespmem:$0x29D0];
	v34 =	vadd.f32 v59, v28;
	v25 =	vadd.f32 v60, v25  }
0x362: {  	v36 =	vld [tilespmem:$0x2AC0];
	v3 =	vadd.f32 v7, v3;
	v2 =	vadd.f32 v8, v2  }
0x363: {  	v37 =	vld [tilespmem:$0x2A50];
	v6 =	vadd.f32 v61, v34;
	v4 =	vadd.f32 v62, v25  }
0x364: {  	v38 =	vld [tilespmem:$0x2B40];
	v3 =	vadd.f32 v9, v3;
	v2 =	vadd.f32 v10, v2  }
0x365: {  	v39 =	vld [tilespmem:$0x2AD0];
	v6 =	vadd.f32 v63, v6;
	v4 =	vadd.f32 v32, v4  }
0x366: {  	v3 =	vadd.f32 v41, v3;
	v2 =	vadd.f32 v42, v2;
	v41 =	vld [tilespmem:$0x2BC0]  }
0x367: {  	v6 =	vadd.f32 v35, v6;
	v42 =	vld [tilespmem:$0x2B50];
	v4 =	vadd.f32 v36, v4  }
0x368: {  	v3 =	vadd.f32 v43, v3;
	v2 =	vadd.f32 v44, v2;
	v43 =	vld [tilespmem:$0x2C40]  }
0x369: {  	v6 =	vadd.f32 v37, v6;
	v44 =	vld [tilespmem:$0x2BD0];
	v4 =	vadd.f32 v38, v4  }
0x36a: {  	v3 =	vadd.f32 v45, v3;
	v2 =	vadd.f32 v46, v2;
	v45 =	vld [tilespmem:$0x2CC0]  }
0x36b: {  	v5 =	vadd.f32 v39, v6;
	v46 =	vld [tilespmem:$0x2C50];
	v4 =	vadd.f32 v41, v4  }
0x36c: {  	v3 =	vadd.f32 v17, v3;
	v2 =	vadd.f32 v47, v2;
	v47 =	vld [tilespmem:$0x2D40]  }
0x36d: {  	v26 =	vld [tilespmem:$0x2E30];
	v5 =	vadd.f32 v42, v5;
	v4 =	vadd.f32 v43, v4  }
0x36e: {  	v50 =	vld [tilespmem:$0x2DC0];
	v3 =	vadd.f32 v19, v3;
	v2 =	vadd.f32 v20, v2  }
0x36f: {  	v52 =	vld [tilespmem:$0x2D50];
	(xrf2) =	vadd.scan.msk.f32 $0xffff, v0;
	v51 =	vadd.f32 v44, v5;
	v4 =	vadd.f32 v45, v4  }
0x370: {  	v53 =	vld [tilespmem:$0x2E40];
	v3 =	vadd.f32 v21, v3;
	v2 =	vadd.f32 v22, v2  }
0x371: {  	v0 =	vadd.f32 v46, v51;
	v4 =	vadd.f32 v47, v4  }
0x372: {  	v54 =	vld [tilespmem:$0x2DD0];
	v3 =	vadd.f32 v23, v3;
	v2 =	vadd.f32 v24, v2  }
0x373: {  	(xrf2) =	vadd.scan.msk.f32 $0xffff, v1;
	v0 =	vadd.f32 v49, v0;
	v55 =	vadd.f32 v50, v4  }
0x374: {  	v56 =	vld [tilespmem:$0x2E50];
	v3 =	vadd.f32 v26, v3;
	(xrf2) =	vadd.scan.msk.f32 $0xffff, v2  }
0x375: {  	v0 =	vadd.f32 v52, v0;
	v1 =	vadd.f32 v53, v55  }
0x376: {  	(xrf2) =	vadd.scan.msk.f32 $0xffff, v3  }
0x377: {  	v0 =	vadd.f32 v54, v0;
	(xrf2) =	vadd.scan.msk.f32 $0xffff, v1;
	_ =	sdelay $0x1  }
0x378: {  	v57, _, _ =	vpop (xrf2);
	v0 =	vadd.f32 v56, v0  }
0x379: {  	(v2sf) =	vpush v57, $0xF  }
0x37a: {  	(xrf2) =	vadd.scan.msk.f32 $0xffff, v0;
	_ =	sdelay $0x1  }
0x37b: {  	v58, _, _ =	vpop (xrf2)  }
0x37c: {  	(v2sf) =	vpush v58, $0xF;
	v59, _, _ =	vpop (xrf2)  }
0x37d: {  	(v2sf) =	vpush v59, $0xF  }
0x37e: {  	v60, _, _ =	vpop (xrf2)  }
0x37f: {  	v61, _, _ =	vpop (xrf2);
	(v2sf) =	vpush v60, $0xF  }
0x380: {  	(v2sf) =	vpush v61, $0xF;
	_ =	sdelay $0x2  }
0x381: {  	v62, _, _ =	vpop (xrf2)  }
0x382: {  	(v2sf) =	vpush v62, $0xF;
	_ =	sdelay $0x2  }
0x383: {  	s0 =	spop (v2sf)  }
0x384: {  	s0 =	smul.f32 s0, s0;
	_ =	sdelay $0x1  }
0x385: {  	s0 =	smul.f32 $5.000000070e-02, s0  }
0x386: {  	s29 =	spop (v2sf)  }
0x387: {  	s0 =	ssub.f32 s29, s0;
	s29 =	spop (v2sf)  }
0x388: {  	s29 =	smul.f32 s29, s29  }
0x389: {  	s30 =	spop (v2sf)  }
0x38a: {  	s31 =	spop (v2sf);
	s29 =	smul.f32 $5.000000070e-02, s29  }
0x38b: {  	s31 =	smul.f32 s31, s31  }
0x38c: {  	s0 =	smul.f32 $5.263157930e-02, s0  }
0x38d: {  	s29 =	ssub.f32 s30, s29;
	s31 =	smul.f32 $5.000000070e-02, s31  }
0x38e: {  	s0 =	sadd.f32 $0.0e+00, s0;
	s30 =	spop (v2sf)  }
0x38f: {  	s29 =	smul.f32 $5.263157930e-02, s29;
	s30 =	ssub.f32 s30, s31  }
0x390: {  	_ = 	snop  }
0x391: {  	s0 =	sadd.f32 s29, s0;
	s31 =	smul.f32 $5.263157930e-02, s30  }
0x392: {  	_ = 	snop  }
0x393: {  	s0 =	sadd.f32 s31, s0;
	_ =	sdelay $0x1  }
0x394: {  	s0 =	smul.f32 $1.999999960e-02, s0;
	_ =	sdelay $0x1  }
0x395: {  	v63 =	vmov s0  }
.Ltmp13:
0x396: {  	[tilespmem:$0x2E80] =	vst v63;
	(pc) =	sbr.rel .LBB2_21-.Ltmp13, $4  }
0x397: {  	[hbm4b:s1+s6] =	stream.linear.scatter [tilespmem:s26], [sflag:$0x1], $0x80, $0x38;
	[tilespmem:$0x2FC0] =	vst v63  }
0x398: {  	_ =	swait.ge [sflag:s16], $0x80  }
0x399: {  	[sflag:s16] =	ssyncset.done $0x0  }
0x39a: {  	[sflag:s16] =	ssyncadd.s32 $0xFFFFFF80  }
.LBB2_22:
0x39b: {  	_ =	sfence.sel $0x180000  }
0x39c: {  	[bflag:$0x0] =	sbarrier.arrive $0xFFFF  }
0x39d: {  	_ =	strace $0x90000047  }
0x39e: {  	[bflag:$0x2] =	sbarrier.arrive $0xFFFF  }
0x39f: {  	p0 =	sne.s32 s4, $0x0;
	s0 =	rddreg [dreg:$0x6]  }
0x3a0: {  	s0 =	sadd.s32 @!p0 $0x100000, s0  }
0x3a1: {  	[sflag:s0] =	ssyncadd.tile.s32 @!p0 $0x1;
	_ =	shalt  }
.Lfunc_end2:
_tile_overlayer_lowered:
.L_overlay_start_2:
0x3a2: {  	(tag) =	ssettag $0x2  }
0x3a3: {  	s0 =	rddreg [dreg:$0x0];
	s2 =	stileid.u32  }
0x3a4: {  	s1 =	rddreg [dreg:$0x1];
	p0 =	sne.s32 s2, $0x0  }
0x3a5: {  	s3 =	rddreg [dreg:$0x2];
	[bflag:$0x3] =	sbarrier.arrive $0xFFFF;
	s2 =	simm.s32 @!p0 $0x1C01  }
0x3a6: {  	[timem:s3], [sflag:s2] =	dma.local @!p0 [hbm:s0], s1  }
0x3a7: {  	s0 =	simm.s32 @!p0 $0x1  }
0x3a8: {  	_ =	swait.ge @!p0 [sflag:s0], s1  }
0x3a9: {  	s1 =	ssub.s32 @!p0 $0x0, s1;
	[sflag:s0] =	ssyncset.done @!p0 $0x0  }
0x3aa: {  	[sflag:s0] =	ssyncadd.s32 @!p0 s1  }
0x3ab: {  	[bflag:$0x3] =	sbarrier.arrive $0xFFFF  }
0x3ac: {  	_ =	shalt  }

</sc_bundles>
